<compile_context>
chip_gen: v7x
topology: tpu7x:2x2x1
jax: 0.10.2.dev20260603
libtpu: 0.0.44.dev20260713+nightly
codegen_flags: <defaults>
</compile_context>

<pallas_src>
import functools

import jax
import jax.numpy as jnp
from jax import lax
from jax.experimental import pallas as pl
from jax.experimental.pallas import tpu as pltpu
from jax.experimental.pallas import tpu_sc as plsc

NC = 2
NS = 16
NW = NC * NS

B = 4096
CH = 128
NBUF = 4
NCH = B // CH


def _gather_kernel(x_hbm, idx_hbm, out_hbm, idx_v, *scratch):
    bufs = scratch[:NBUF]
    gsems = scratch[NBUF:2 * NBUF]
    ssems = scratch[2 * NBUF:]

    wid = lax.axis_index("s") * NC + lax.axis_index("c")
    table = x_hbm.at[wid]
    outw = out_hbm.at[wid]

    pltpu.sync_copy(idx_hbm, idx_v)

    gather_h = [None] * NCH
    store_h = [None] * NCH

    def start_gather(i):
        b = i % NBUF
        gather_h[i] = pltpu.async_copy(
            table.at[idx_v.at[pl.ds(i * CH, CH)]], bufs[b], gsems[b])

    for i in range(min(NBUF, NCH)):
        start_gather(i)
    for i in range(NCH):
        b = i % NBUF
        gather_h[i].wait()
        store_h[i] = pltpu.async_copy(
            bufs[b], outw.at[pl.ds(i * CH, CH)], ssems[b])
        j = i + NBUF
        if j < NCH:
            store_h[i].wait()
            start_gather(j)
    for i in range(max(0, NCH - NBUF), NCH):
        store_h[i].wait()


@jax.jit
def _direct_slice(x3, idx):
    scratch = (
        [pltpu.VMEM((B,), jnp.int32)]
        + [pltpu.VMEM((CH, 128), jnp.float32) for _ in range(NBUF)]
        + [pltpu.SemaphoreType.DMA for _ in range(2 * NBUF)]
    )
    run = pl.kernel(
        _gather_kernel,
        out_type=jax.ShapeDtypeStruct((NW, B, 128), jnp.float32),
        mesh=plsc.VectorSubcoreMesh(core_axis_name="c", subcore_axis_name="s"),
        scratch_types=scratch,
    )
    return run(x3, idx)


def kernel(x, indices_to_select):
    bb, hh, v, d = x.shape
    x3 = x.reshape(bb * hh, v, d)
    out3 = _direct_slice(x3, indices_to_select.astype(jnp.int32))
    return out3.reshape(bb, hh, indices_to_select.shape[0], d)

# --- scband reference (transcript-rebuilt; emitter-appended) ---
"""Pipeline reference for scband-direct-slice-12515534701276 (READ-ONLY COPY).

The authoritative reference and input builder live on the scoring server;
editing this copy changes nothing except your own understanding.
"""

import jax, jax.numpy as jnp
import numpy as np


def setup_inputs(seed: int = 0) -> dict:
    key = jax.random.key(seed)
    k1, k2 = jax.random.split(key)
    x = jax.random.normal(k1, (2, 16, 8192, 128), dtype=jnp.float32)
    indices_to_select = jax.random.randint(k2, (4096,), 0, 8192, dtype=jnp.int64 if jax.config.jax_enable_x64 else jnp.int32)
    return {"x": x, "indices_to_select": indices_to_select}


def reference(x, indices_to_select):
    # Faithful translation of DirectSlice.forward: torch.index_select(x, dim=2, index=indices)
    result = jnp.take(x, indices_to_select, axis=2)
    return result

if __name__ == "__main__":
    import jax
    _d = setup_inputs()
    print(jax.jit(kernel)(*tuple(_d.values())))

</pallas_src>

<mosaic_0001>
#map = affine_map<(d0, d1) -> (0, 0, 0)>
#map1 = affine_map<(d0, d1) -> (0)>
module attributes {stable_mosaic.version = 14 : i64} {
  func.func @_gather_kernel(%arg0: i32, %arg1: i32, %arg2: memref<32x8192x128xf32, #tpu.memory_space<hbm>>, %arg3: memref<4096xi32, #tpu.memory_space<hbm>>, %arg4: memref<32x4096x128xf32, #tpu.memory_space<hbm>>, %arg5: memref<4096xi32, #tpu.memory_space<vmem>>, %arg6: memref<128x128xf32, #tpu.memory_space<vmem>>, %arg7: memref<128x128xf32, #tpu.memory_space<vmem>>, %arg8: memref<128x128xf32, #tpu.memory_space<vmem>>, %arg9: memref<128x128xf32, #tpu.memory_space<vmem>>, %arg10: memref<!tpu.dma_semaphore, #tpu.memory_space<semaphore_mem>>, %arg11: memref<!tpu.dma_semaphore, #tpu.memory_space<semaphore_mem>>, %arg12: memref<!tpu.dma_semaphore, #tpu.memory_space<semaphore_mem>>, %arg13: memref<!tpu.dma_semaphore, #tpu.memory_space<semaphore_mem>>, %arg14: memref<!tpu.dma_semaphore, #tpu.memory_space<semaphore_mem>>, %arg15: memref<!tpu.dma_semaphore, #tpu.memory_space<semaphore_mem>>, %arg16: memref<!tpu.dma_semaphore, #tpu.memory_space<semaphore_mem>>, %arg17: memref<!tpu.dma_semaphore, #tpu.memory_space<semaphore_mem>>) attributes {dimension_semantics = [#tpu.dimension_semantics<core_parallel>, #tpu.dimension_semantics<subcore_parallel>], iteration_bounds = array<i64: 2, 16>, scalar_prefetch = 0 : i64, scratch_operands = 13 : i64, tpu.core_type = #tpu.core_type<sc_vector_subcore>, window_params = [{transform_indices = #map}, {transform_indices = #map1}, {transform_indices = #map}]} {
    %mul3A = arith.constant 2 : i32
    %mul3A_0 = arith.muli %arg1, %mul3A : i32
    %add3A = arith.addi %mul3A_0, %arg0 : i32
    "tpu.region"() ({
      %run_scoped3A = tpu.sem_alloc : memref<!tpu.dma_semaphore, #tpu.memory_space<semaphore_mem>>
      tpu.enqueue_dma source(%arg3 : memref<4096xi32, #tpu.memory_space<hbm>>) target(%arg5 : memref<4096xi32, #tpu.memory_space<vmem>>) target_semaphore(%run_scoped3A : memref<!tpu.dma_semaphore, #tpu.memory_space<semaphore_mem>>)
      tpu.wait_dma2 semaphore(%run_scoped3A : memref<!tpu.dma_semaphore, #tpu.memory_space<semaphore_mem>>) src(%arg3 : memref<4096xi32, #tpu.memory_space<hbm>>) dst(%arg5 : memref<4096xi32, #tpu.memory_space<vmem>>)
      tpu.yield
    }) : () -> ()
    %dma_start3A = arith.constant 0 : i32
    %dma_start3A_1 = tpu.memref_slice %arg5[%dma_start3A] : memref<4096xi32, #tpu.memory_space<vmem>> -> memref<128xi32, #tpu.memory_space<vmem>>
    %dma_start3A_2 = arith.constant 0 : i32
    %dma_start3A_3 = arith.constant 0 : i32
    %dma_start3A_4 = tpu.memref_slice %arg2[%add3A, %dma_start3A_2, %dma_start3A_3] : memref<32x8192x128xf32, #tpu.memory_space<hbm>> -> memref<1x8192x128xf32, #tpu.memory_space<hbm>>
    %dma_start3A_5 = tpu.memref_squeeze %dma_start3A_4 : memref<1x8192x128xf32, #tpu.memory_space<hbm>> -> memref<8192x128xf32, #tpu.memory_space<hbm>>
    %dma_start3A_6 = arith.constant 0 : i32
    %dma_start3A_7 = arith.constant 0 : i32
    %dma_start3A_8 = tpu.memref_slice %dma_start3A_5[%dma_start3A_6, %dma_start3A_7] : memref<8192x128xf32, #tpu.memory_space<hbm>> -> memref<8192x128xf32, #tpu.memory_space<hbm>>
    tpu.enqueue_indirect_dma source(%dma_start3A_8 : memref<8192x128xf32, #tpu.memory_space<hbm>>) target(%arg6 : memref<128x128xf32, #tpu.memory_space<vmem>>) offsets(%dma_start3A_1 : memref<128xi32, #tpu.memory_space<vmem>>) semaphore(%arg10 : memref<!tpu.dma_semaphore, #tpu.memory_space<semaphore_mem>>)
    %dma_start3A_9 = arith.constant 128 : i32
    %dma_start3A_10 = tpu.memref_slice %arg5[%dma_start3A_9] : memref<4096xi32, #tpu.memory_space<vmem>> -> memref<128xi32, #tpu.memory_space<vmem>>
    %dma_start3A_11 = arith.constant 0 : i32
    %dma_start3A_12 = arith.constant 0 : i32
    %dma_start3A_13 = tpu.memref_slice %arg2[%add3A, %dma_start3A_11, %dma_start3A_12] : memref<32x8192x128xf32, #tpu.memory_space<hbm>> -> memref<1x8192x128xf32, #tpu.memory_space<hbm>>
    %dma_start3A_14 = tpu.memref_squeeze %dma_start3A_13 : memref<1x8192x128xf32, #tpu.memory_space<hbm>> -> memref<8192x128xf32, #tpu.memory_space<hbm>>
    %dma_start3A_15 = arith.constant 0 : i32
    %dma_start3A_16 = arith.constant 0 : i32
    %dma_start3A_17 = tpu.memref_slice %dma_start3A_14[%dma_start3A_15, %dma_start3A_16] : memref<8192x128xf32, #tpu.memory_space<hbm>> -> memref<8192x128xf32, #tpu.memory_space<hbm>>
    tpu.enqueue_indirect_dma source(%dma_start3A_17 : memref<8192x128xf32, #tpu.memory_space<hbm>>) target(%arg7 : memref<128x128xf32, #tpu.memory_space<vmem>>) offsets(%dma_start3A_10 : memref<128xi32, #tpu.memory_space<vmem>>) semaphore(%arg11 : memref<!tpu.dma_semaphore, #tpu.memory_space<semaphore_mem>>)
    %dma_start3A_18 = arith.constant 256 : i32
    %dma_start3A_19 = tpu.memref_slice %arg5[%dma_start3A_18] : memref<4096xi32, #tpu.memory_space<vmem>> -> memref<128xi32, #tpu.memory_space<vmem>>
    %dma_start3A_20 = arith.constant 0 : i32
    %dma_start3A_21 = arith.constant 0 : i32
    %dma_start3A_22 = tpu.memref_slice %arg2[%add3A, %dma_start3A_20, %dma_start3A_21] : memref<32x8192x128xf32, #tpu.memory_space<hbm>> -> memref<1x8192x128xf32, #tpu.memory_space<hbm>>
    %dma_start3A_23 = tpu.memref_squeeze %dma_start3A_22 : memref<1x8192x128xf32, #tpu.memory_space<hbm>> -> memref<8192x128xf32, #tpu.memory_space<hbm>>
    %dma_start3A_24 = arith.constant 0 : i32
    %dma_start3A_25 = arith.constant 0 : i32
    %dma_start3A_26 = tpu.memref_slice %dma_start3A_23[%dma_start3A_24, %dma_start3A_25] : memref<8192x128xf32, #tpu.memory_space<hbm>> -> memref<8192x128xf32, #tpu.memory_space<hbm>>
    tpu.enqueue_indirect_dma source(%dma_start3A_26 : memref<8192x128xf32, #tpu.memory_space<hbm>>) target(%arg8 : memref<128x128xf32, #tpu.memory_space<vmem>>) offsets(%dma_start3A_19 : memref<128xi32, #tpu.memory_space<vmem>>) semaphore(%arg12 : memref<!tpu.dma_semaphore, #tpu.memory_space<semaphore_mem>>)
    %dma_start3A_27 = arith.constant 384 : i32
    %dma_start3A_28 = tpu.memref_slice %arg5[%dma_start3A_27] : memref<4096xi32, #tpu.memory_space<vmem>> -> memref<128xi32, #tpu.memory_space<vmem>>
    %dma_start3A_29 = arith.constant 0 : i32
    %dma_start3A_30 = arith.constant 0 : i32
    %dma_start3A_31 = tpu.memref_slice %arg2[%add3A, %dma_start3A_29, %dma_start3A_30] : memref<32x8192x128xf32, #tpu.memory_space<hbm>> -> memref<1x8192x128xf32, #tpu.memory_space<hbm>>
    %dma_start3A_32 = tpu.memref_squeeze %dma_start3A_31 : memref<1x8192x128xf32, #tpu.memory_space<hbm>> -> memref<8192x128xf32, #tpu.memory_space<hbm>>
    %dma_start3A_33 = arith.constant 0 : i32
    %dma_start3A_34 = arith.constant 0 : i32
    %dma_start3A_35 = tpu.memref_slice %dma_start3A_32[%dma_start3A_33, %dma_start3A_34] : memref<8192x128xf32, #tpu.memory_space<hbm>> -> memref<8192x128xf32, #tpu.memory_space<hbm>>
    tpu.enqueue_indirect_dma source(%dma_start3A_35 : memref<8192x128xf32, #tpu.memory_space<hbm>>) target(%arg9 : memref<128x128xf32, #tpu.memory_space<vmem>>) offsets(%dma_start3A_28 : memref<128xi32, #tpu.memory_space<vmem>>) semaphore(%arg13 : memref<!tpu.dma_semaphore, #tpu.memory_space<semaphore_mem>>)
    %dma_wait3A = arith.constant 0 : i32
    %dma_wait3A_36 = tpu.memref_slice %arg5[%dma_wait3A] : memref<4096xi32, #tpu.memory_space<vmem>> -> memref<128xi32, #tpu.memory_space<vmem>>
    %dma_wait3A_37 = arith.constant 0 : i32
    %dma_wait3A_38 = arith.constant 0 : i32
    %dma_wait3A_39 = tpu.memref_slice %arg2[%add3A, %dma_wait3A_37, %dma_wait3A_38] : memref<32x8192x128xf32, #tpu.memory_space<hbm>> -> memref<1x8192x128xf32, #tpu.memory_space<hbm>>
    %dma_wait3A_40 = tpu.memref_squeeze %dma_wait3A_39 : memref<1x8192x128xf32, #tpu.memory_space<hbm>> -> memref<8192x128xf32, #tpu.memory_space<hbm>>
    %dma_wait3A_41 = arith.constant 0 : i32
    %dma_wait3A_42 = arith.constant 0 : i32
    %dma_wait3A_43 = tpu.memref_slice %dma_wait3A_40[%dma_wait3A_41, %dma_wait3A_42] : memref<8192x128xf32, #tpu.memory_space<hbm>> -> memref<8192x128xf32, #tpu.memory_space<hbm>>
    tpu.wait_indirect_dma semaphore(%arg10 : memref<!tpu.dma_semaphore, #tpu.memory_space<semaphore_mem>>) src(%dma_wait3A_43 : memref<8192x128xf32, #tpu.memory_space<hbm>>) dst(%arg6 : memref<128x128xf32, #tpu.memory_space<vmem>>)
    %dma_start3A_44 = arith.constant 0 : i32
    %dma_start3A_45 = arith.constant 0 : i32
    %dma_start3A_46 = tpu.memref_slice %arg4[%add3A, %dma_start3A_44, %dma_start3A_45] : memref<32x4096x128xf32, #tpu.memory_space<hbm>> -> memref<1x4096x128xf32, #tpu.memory_space<hbm>>
    %dma_start3A_47 = tpu.memref_squeeze %dma_start3A_46 : memref<1x4096x128xf32, #tpu.memory_space<hbm>> -> memref<4096x128xf32, #tpu.memory_space<hbm>>
    %dma_start3A_48 = arith.constant 0 : i32
    %dma_start3A_49 = arith.constant 0 : i32
    %dma_start3A_50 = tpu.memref_slice %dma_start3A_47[%dma_start3A_48, %dma_start3A_49] : memref<4096x128xf32, #tpu.memory_space<hbm>> -> memref<128x128xf32, #tpu.memory_space<hbm>>
    %dma_start3A_51 = arith.constant 0 : i32
    %dma_start3A_52 = arith.constant 0 : i32
    %dma_start3A_53 = tpu.memref_slice %arg4[%add3A, %dma_start3A_51, %dma_start3A_52] : memref<32x4096x128xf32, #tpu.memory_space<hbm>> -> memref<1x4096x128xf32, #tpu.memory_space<hbm>>
    %dma_start3A_54 = tpu.memref_squeeze %dma_start3A_53 : memref<1x4096x128xf32, #tpu.memory_space<hbm>> -> memref<4096x128xf32, #tpu.memory_space<hbm>>
    %dma_start3A_55 = arith.constant 0 : i32
    %dma_start3A_56 = arith.constant 0 : i32
    %dma_start3A_57 = tpu.memref_slice %dma_start3A_54[%dma_start3A_55, %dma_start3A_56] : memref<4096x128xf32, #tpu.memory_space<hbm>> -> memref<128x128xf32, #tpu.memory_space<hbm>>
    tpu.enqueue_dma source(%arg6 : memref<128x128xf32, #tpu.memory_space<vmem>>) target(%dma_start3A_57 : memref<128x128xf32, #tpu.memory_space<hbm>>) target_semaphore(%arg14 : memref<!tpu.dma_semaphore, #tpu.memory_space<semaphore_mem>>)
    %dma_wait3A_58 = arith.constant 0 : i32
    %dma_wait3A_59 = arith.constant 0 : i32
    %dma_wait3A_60 = tpu.memref_slice %arg4[%add3A, %dma_wait3A_58, %dma_wait3A_59] : memref<32x4096x128xf32, #tpu.memory_space<hbm>> -> memref<1x4096x128xf32, #tpu.memory_space<hbm>>
    %dma_wait3A_61 = tpu.memref_squeeze %dma_wait3A_60 : memref<1x4096x128xf32, #tpu.memory_space<hbm>> -> memref<4096x128xf32, #tpu.memory_space<hbm>>
    %dma_wait3A_62 = arith.constant 0 : i32
    %dma_wait3A_63 = arith.constant 0 : i32
    %dma_wait3A_64 = tpu.memref_slice %dma_wait3A_61[%dma_wait3A_62, %dma_wait3A_63] : memref<4096x128xf32, #tpu.memory_space<hbm>> -> memref<128x128xf32, #tpu.memory_space<hbm>>
    %dma_wait3A_65 = arith.constant 0 : i32
    %dma_wait3A_66 = arith.constant 0 : i32
    %dma_wait3A_67 = tpu.memref_slice %arg4[%add3A, %dma_wait3A_65, %dma_wait3A_66] : memref<32x4096x128xf32, #tpu.memory_space<hbm>> -> memref<1x4096x128xf32, #tpu.memory_space<hbm>>
    %dma_wait3A_68 = tpu.memref_squeeze %dma_wait3A_67 : memref<1x4096x128xf32, #tpu.memory_space<hbm>> -> memref<4096x128xf32, #tpu.memory_space<hbm>>
    %dma_wait3A_69 = arith.constant 0 : i32
    %dma_wait3A_70 = arith.constant 0 : i32
    %dma_wait3A_71 = tpu.memref_slice %dma_wait3A_68[%dma_wait3A_69, %dma_wait3A_70] : memref<4096x128xf32, #tpu.memory_space<hbm>> -> memref<128x128xf32, #tpu.memory_space<hbm>>
    tpu.wait_dma2 semaphore(%arg14 : memref<!tpu.dma_semaphore, #tpu.memory_space<semaphore_mem>>) src(%arg6 : memref<128x128xf32, #tpu.memory_space<vmem>>) dst(%dma_wait3A_71 : memref<128x128xf32, #tpu.memory_space<hbm>>)
    %dma_start3A_72 = arith.constant 512 : i32
    %dma_start3A_73 = tpu.memref_slice %arg5[%dma_start3A_72] : memref<4096xi32, #tpu.memory_space<vmem>> -> memref<128xi32, #tpu.memory_space<vmem>>
    %dma_start3A_74 = arith.constant 0 : i32
    %dma_start3A_75 = arith.constant 0 : i32
    %dma_start3A_76 = tpu.memref_slice %arg2[%add3A, %dma_start3A_74, %dma_start3A_75] : memref<32x8192x128xf32, #tpu.memory_space<hbm>> -> memref<1x8192x128xf32, #tpu.memory_space<hbm>>
    %dma_start3A_77 = tpu.memref_squeeze %dma_start3A_76 : memref<1x8192x128xf32, #tpu.memory_space<hbm>> -> memref<8192x128xf32, #tpu.memory_space<hbm>>
    %dma_start3A_78 = arith.constant 0 : i32
    %dma_start3A_79 = arith.constant 0 : i32
    %dma_start3A_80 = tpu.memref_slice %dma_start3A_77[%dma_start3A_78, %dma_start3A_79] : memref<8192x128xf32, #tpu.memory_space<hbm>> -> memref<8192x128xf32, #tpu.memory_space<hbm>>
    tpu.enqueue_indirect_dma source(%dma_start3A_80 : memref<8192x128xf32, #tpu.memory_space<hbm>>) target(%arg6 : memref<128x128xf32, #tpu.memory_space<vmem>>) offsets(%dma_start3A_73 : memref<128xi32, #tpu.memory_space<vmem>>) semaphore(%arg10 : memref<!tpu.dma_semaphore, #tpu.memory_space<semaphore_mem>>)
    %dma_wait3A_81 = arith.constant 128 : i32
    %dma_wait3A_82 = tpu.memref_slice %arg5[%dma_wait3A_81] : memref<4096xi32, #tpu.memory_space<vmem>> -> memref<128xi32, #tpu.memory_space<vmem>>
    %dma_wait3A_83 = arith.constant 0 : i32
    %dma_wait3A_84 = arith.constant 0 : i32
    %dma_wait3A_85 = tpu.memref_slice %arg2[%add3A, %dma_wait3A_83, %dma_wait3A_84] : memref<32x8192x128xf32, #tpu.memory_space<hbm>> -> memref<1x8192x128xf32, #tpu.memory_space<hbm>>
    %dma_wait3A_86 = tpu.memref_squeeze %dma_wait3A_85 : memref<1x8192x128xf32, #tpu.memory_space<hbm>> -> memref<8192x128xf32, #tpu.memory_space<hbm>>
    %dma_wait3A_87 = arith.constant 0 : i32
    %dma_wait3A_88 = arith.constant 0 : i32
    %dma_wait3A_89 = tpu.memref_slice %dma_wait3A_86[%dma_wait3A_87, %dma_wait3A_88] : memref<8192x128xf32, #tpu.memory_space<hbm>> -> memref<8192x128xf32, #tpu.memory_space<hbm>>
    tpu.wait_indirect_dma semaphore(%arg11 : memref<!tpu.dma_semaphore, #tpu.memory_space<semaphore_mem>>) src(%dma_wait3A_89 : memref<8192x128xf32, #tpu.memory_space<hbm>>) dst(%arg7 : memref<128x128xf32, #tpu.memory_space<vmem>>)
    %dma_start3A_90 = arith.constant 0 : i32
    %dma_start3A_91 = arith.constant 0 : i32
    %dma_start3A_92 = tpu.memref_slice %arg4[%add3A, %dma_start3A_90, %dma_start3A_91] : memref<32x4096x128xf32, #tpu.memory_space<hbm>> -> memref<1x4096x128xf32, #tpu.memory_space<hbm>>
    %dma_start3A_93 = tpu.memref_squeeze %dma_start3A_92 : memref<1x4096x128xf32, #tpu.memory_space<hbm>> -> memref<4096x128xf32, #tpu.memory_space<hbm>>
    %dma_start3A_94 = arith.constant 128 : i32
    %dma_start3A_95 = arith.constant 0 : i32
    %dma_start3A_96 = tpu.memref_slice %dma_start3A_93[%dma_start3A_94, %dma_start3A_95] : memref<4096x128xf32, #tpu.memory_space<hbm>> -> memref<128x128xf32, #tpu.memory_space<hbm>>
    %dma_start3A_97 = arith.constant 0 : i32
    %dma_start3A_98 = arith.constant 0 : i32
    %dma_start3A_99 = tpu.memref_slice %arg4[%add3A, %dma_start3A_97, %dma_start3A_98] : memref<32x4096x128xf32, #tpu.memory_space<hbm>> -> memref<1x4096x128xf32, #tpu.memory_space<hbm>>
    %dma_start3A_100 = tpu.memref_squeeze %dma_start3A_99 : memref<1x4096x128xf32, #tpu.memory_space<hbm>> -> memref<4096x128xf32, #tpu.memory_space<hbm>>
    %dma_start3A_101 = arith.constant 128 : i32
    %dma_start3A_102 = arith.constant 0 : i32
    %dma_start3A_103 = tpu.memref_slice %dma_start3A_100[%dma_start3A_101, %dma_start3A_102] : memref<4096x128xf32, #tpu.memory_space<hbm>> -> memref<128x128xf32, #tpu.memory_space<hbm>>
    tpu.enqueue_dma source(%arg7 : memref<128x128xf32, #tpu.memory_space<vmem>>) target(%dma_start3A_103 : memref<128x128xf32, #tpu.memory_space<hbm>>) target_semaphore(%arg15 : memref<!tpu.dma_semaphore, #tpu.memory_space<semaphore_mem>>)
    %dma_wait3A_104 = arith.constant 0 : i32
    %dma_wait3A_105 = arith.constant 0 : i32
    %dma_wait3A_106 = tpu.memref_slice %arg4[%add3A, %dma_wait3A_104, %dma_wait3A_105] : memref<32x4096x128xf32, #tpu.memory_space<hbm>> -> memref<1x4096x128xf32, #tpu.memory_space<hbm>>
    %dma_wait3A_107 = tpu.memref_squeeze %dma_wait3A_106 : memref<1x4096x128xf32, #tpu.memory_space<hbm>> -> memref<4096x128xf32, #tpu.memory_space<hbm>>
    %dma_wait3A_108 = arith.constant 128 : i32
    %dma_wait3A_109 = arith.constant 0 : i32
    %dma_wait3A_110 = tpu.memref_slice %dma_wait3A_107[%dma_wait3A_108, %dma_wait3A_109] : memref<4096x128xf32, #tpu.memory_space<hbm>> -> memref<128x128xf32, #tpu.memory_space<hbm>>
    %dma_wait3A_111 = arith.constant 0 : i32
    %dma_wait3A_112 = arith.constant 0 : i32
    %dma_wait3A_113 = tpu.memref_slice %arg4[%add3A, %dma_wait3A_111, %dma_wait3A_112] : memref<32x4096x128xf32, #tpu.memory_space<hbm>> -> memref<1x4096x128xf32, #tpu.memory_space<hbm>>
    %dma_wait3A_114 = tpu.memref_squeeze %dma_wait3A_113 : memref<1x4096x128xf32, #tpu.memory_space<hbm>> -> memref<4096x128xf32, #tpu.memory_space<hbm>>
    %dma_wait3A_115 = arith.constant 128 : i32
    %dma_wait3A_116 = arith.constant 0 : i32
    %dma_wait3A_117 = tpu.memref_slice %dma_wait3A_114[%dma_wait3A_115, %dma_wait3A_116] : memref<4096x128xf32, #tpu.memory_space<hbm>> -> memref<128x128xf32, #tpu.memory_space<hbm>>
    tpu.wait_dma2 semaphore(%arg15 : memref<!tpu.dma_semaphore, #tpu.memory_space<semaphore_mem>>) src(%arg7 : memref<128x128xf32, #tpu.memory_space<vmem>>) dst(%dma_wait3A_117 : memref<128x128xf32, #tpu.memory_space<hbm>>)
    %dma_start3A_118 = arith.constant 640 : i32
    %dma_start3A_119 = tpu.memref_slice %arg5[%dma_start3A_118] : memref<4096xi32, #tpu.memory_space<vmem>> -> memref<128xi32, #tpu.memory_space<vmem>>
    %dma_start3A_120 = arith.constant 0 : i32
    %dma_start3A_121 = arith.constant 0 : i32
    %dma_start3A_122 = tpu.memref_slice %arg2[%add3A, %dma_start3A_120, %dma_start3A_121] : memref<32x8192x128xf32, #tpu.memory_space<hbm>> -> memref<1x8192x128xf32, #tpu.memory_space<hbm>>
    %dma_start3A_123 = tpu.memref_squeeze %dma_start3A_122 : memref<1x8192x128xf32, #tpu.memory_space<hbm>> -> memref<8192x128xf32, #tpu.memory_space<hbm>>
    %dma_start3A_124 = arith.constant 0 : i32
    %dma_start3A_125 = arith.constant 0 : i32
    %dma_start3A_126 = tpu.memref_slice %dma_start3A_123[%dma_start3A_124, %dma_start3A_125] : memref<8192x128xf32, #tpu.memory_space<hbm>> -> memref<8192x128xf32, #tpu.memory_space<hbm>>
    tpu.enqueue_indirect_dma source(%dma_start3A_126 : memref<8192x128xf32, #tpu.memory_space<hbm>>) target(%arg7 : memref<128x128xf32, #tpu.memory_space<vmem>>) offsets(%dma_start3A_119 : memref<128xi32, #tpu.memory_space<vmem>>) semaphore(%arg11 : memref<!tpu.dma_semaphore, #tpu.memory_space<semaphore_mem>>)
    %dma_wait3A_127 = arith.constant 256 : i32
    %dma_wait3A_128 = tpu.memref_slice %arg5[%dma_wait3A_127] : memref<4096xi32, #tpu.memory_space<vmem>> -> memref<128xi32, #tpu.memory_space<vmem>>
    %dma_wait3A_129 = arith.constant 0 : i32
    %dma_wait3A_130 = arith.constant 0 : i32
    %dma_wait3A_131 = tpu.memref_slice %arg2[%add3A, %dma_wait3A_129, %dma_wait3A_130] : memref<32x8192x128xf32, #tpu.memory_space<hbm>> -> memref<1x8192x128xf32, #tpu.memory_space<hbm>>
    %dma_wait3A_132 = tpu.memref_squeeze %dma_wait3A_131 : memref<1x8192x128xf32, #tpu.memory_space<hbm>> -> memref<8192x128xf32, #tpu.memory_space<hbm>>
    %dma_wait3A_133 = arith.constant 0 : i32
    %dma_wait3A_134 = arith.constant 0 : i32
    %dma_wait3A_135 = tpu.memref_slice %dma_wait3A_132[%dma_wait3A_133, %dma_wait3A_134] : memref<8192x128xf32, #tpu.memory_space<hbm>> -> memref<8192x128xf32, #tpu.memory_space<hbm>>
    tpu.wait_indirect_dma semaphore(%arg12 : memref<!tpu.dma_semaphore, #tpu.memory_space<semaphore_mem>>) src(%dma_wait3A_135 : memref<8192x128xf32, #tpu.memory_space<hbm>>) dst(%arg8 : memref<128x128xf32, #tpu.memory_space<vmem>>)
    %dma_start3A_136 = arith.constant 0 : i32
    %dma_start3A_137 = arith.constant 0 : i32
    %dma_start3A_138 = tpu.memref_slice %arg4[%add3A, %dma_start3A_136, %dma_start3A_137] : memref<32x4096x128xf32, #tpu.memory_space<hbm>> -> memref<1x4096x128xf32, #tpu.memory_space<hbm>>
    %dma_start3A_139 = tpu.memref_squeeze %dma_start3A_138 : memref<1x4096x128xf32, #tpu.memory_space<hbm>> -> memref<4096x128xf32, #tpu.memory_space<hbm>>
    %dma_start3A_140 = arith.constant 256 : i32
    %dma_start3A_141 = arith.constant 0 : i32
    %dma_start3A_142 = tpu.memref_slice %dma_start3A_139[%dma_start3A_140, %dma_start3A_141] : memref<4096x128xf32, #tpu.memory_space<hbm>> -> memref<128x128xf32, #tpu.memory_space<hbm>>
    %dma_start3A_143 = arith.constant 0 : i32
    %dma_start3A_144 = arith.constant 0 : i32
    %dma_start3A_145 = tpu.memref_slice %arg4[%add3A, %dma_start3A_143, %dma_start3A_144] : memref<32x4096x128xf32, #tpu.memory_space<hbm>> -> memref<1x4096x128xf32, #tpu.memory_space<hbm>>
    %dma_start3A_146 = tpu.memref_squeeze %dma_start3A_145 : memref<1x4096x128xf32, #tpu.memory_space<hbm>> -> memref<4096x128xf32, #tpu.memory_space<hbm>>
    %dma_start3A_147 = arith.constant 256 : i32
    %dma_start3A_148 = arith.constant 0 : i32
    %dma_start3A_149 = tpu.memref_slice %dma_start3A_146[%dma_start3A_147, %dma_start3A_148] : memref<4096x128xf32, #tpu.memory_space<hbm>> -> memref<128x128xf32, #tpu.memory_space<hbm>>
    tpu.enqueue_dma source(%arg8 : memref<128x128xf32, #tpu.memory_space<vmem>>) target(%dma_start3A_149 : memref<128x128xf32, #tpu.memory_space<hbm>>) target_semaphore(%arg16 : memref<!tpu.dma_semaphore, #tpu.memory_space<semaphore_mem>>)
    %dma_wait3A_150 = arith.constant 0 : i32
    %dma_wait3A_151 = arith.constant 0 : i32
    %dma_wait3A_152 = tpu.memref_slice %arg4[%add3A, %dma_wait3A_150, %dma_wait3A_151] : memref<32x4096x128xf32, #tpu.memory_space<hbm>> -> memref<1x4096x128xf32, #tpu.memory_space<hbm>>
    %dma_wait3A_153 = tpu.memref_squeeze %dma_wait3A_152 : memref<1x4096x128xf32, #tpu.memory_space<hbm>> -> memref<4096x128xf32, #tpu.memory_space<hbm>>
    %dma_wait3A_154 = arith.constant 256 : i32
    %dma_wait3A_155 = arith.constant 0 : i32
    %dma_wait3A_156 = tpu.memref_slice %dma_wait3A_153[%dma_wait3A_154, %dma_wait3A_155] : memref<4096x128xf32, #tpu.memory_space<hbm>> -> memref<128x128xf32, #tpu.memory_space<hbm>>
    %dma_wait3A_157 = arith.constant 0 : i32
    %dma_wait3A_158 = arith.constant 0 : i32
    %dma_wait3A_159 = tpu.memref_slice %arg4[%add3A, %dma_wait3A_157, %dma_wait3A_158] : memref<32x4096x128xf32, #tpu.memory_space<hbm>> -> memref<1x4096x128xf32, #tpu.memory_space<hbm>>
    %dma_wait3A_160 = tpu.memref_squeeze %dma_wait3A_159 : memref<1x4096x128xf32, #tpu.memory_space<hbm>> -> memref<4096x128xf32, #tpu.memory_space<hbm>>
    %dma_wait3A_161 = arith.constant 256 : i32
    %dma_wait3A_162 = arith.constant 0 : i32
    %dma_wait3A_163 = tpu.memref_slice %dma_wait3A_160[%dma_wait3A_161, %dma_wait3A_162] : memref<4096x128xf32, #tpu.memory_space<hbm>> -> memref<128x128xf32, #tpu.memory_space<hbm>>
    tpu.wait_dma2 semaphore(%arg16 : memref<!tpu.dma_semaphore, #tpu.memory_space<semaphore_mem>>) src(%arg8 : memref<128x128xf32, #tpu.memory_space<vmem>>) dst(%dma_wait3A_163 : memref<128x128xf32, #tpu.memory_space<hbm>>)
    %dma_start3A_164 = arith.constant 768 : i32
    %dma_start3A_165 = tpu.memref_slice %arg5[%dma_start3A_164] : memref<4096xi32, #tpu.memory_space<vmem>> -> memref<128xi32, #tpu.memory_space<vmem>>
    %dma_start3A_166 = arith.constant 0 : i32
    %dma_start3A_167 = arith.constant 0 : i32
    %dma_start3A_168 = tpu.memref_slice %arg2[%add3A, %dma_start3A_166, %dma_start3A_167] : memref<32x8192x128xf32, #tpu.memory_space<hbm>> -> memref<1x8192x128xf32, #tpu.memory_space<hbm>>
    %dma_start3A_169 = tpu.memref_squeeze %dma_start3A_168 : memref<1x8192x128xf32, #tpu.memory_space<hbm>> -> memref<8192x128xf32, #tpu.memory_space<hbm>>
    %dma_start3A_170 = arith.constant 0 : i32
    %dma_start3A_171 = arith.constant 0 : i32
    %dma_start3A_172 = tpu.memref_slice %dma_start3A_169[%dma_start3A_170, %dma_start3A_171] : memref<8192x128xf32, #tpu.memory_space<hbm>> -> memref<8192x128xf32, #tpu.memory_space<hbm>>
    tpu.enqueue_indirect_dma source(%dma_start3A_172 : memref<8192x128xf32, #tpu.memory_space<hbm>>) target(%arg8 : memref<128x128xf32, #tpu.memory_space<vmem>>) offsets(%dma_start3A_165 : memref<128xi32, #tpu.memory_space<vmem>>) semaphore(%arg12 : memref<!tpu.dma_semaphore, #tpu.memory_space<semaphore_mem>>)
    %dma_wait3A_173 = arith.constant 384 : i32
    %dma_wait3A_174 = tpu.memref_slice %arg5[%dma_wait3A_173] : memref<4096xi32, #tpu.memory_space<vmem>> -> memref<128xi32, #tpu.memory_space<vmem>>
    %dma_wait3A_175 = arith.constant 0 : i32
    %dma_wait3A_176 = arith.constant 0 : i32
    %dma_wait3A_177 = tpu.memref_slice %arg2[%add3A, %dma_wait3A_175, %dma_wait3A_176] : memref<32x8192x128xf32, #tpu.memory_space<hbm>> -> memref<1x8192x128xf32, #tpu.memory_space<hbm>>
    %dma_wait3A_178 = tpu.memref_squeeze %dma_wait3A_177 : memref<1x8192x128xf32, #tpu.memory_space<hbm>> -> memref<8192x128xf32, #tpu.memory_space<hbm>>
    %dma_wait3A_179 = arith.constant 0 : i32
    %dma_wait3A_180 = arith.constant 0 : i32
    %dma_wait3A_181 = tpu.memref_slice %dma_wait3A_178[%dma_wait3A_179, %dma_wait3A_180] : memref<8192x128xf32, #tpu.memory_space<hbm>> -> memref<8192x128xf32, #tpu.memory_space<hbm>>
    tpu.wait_indirect_dma semaphore(%arg13 : memref<!tpu.dma_semaphore, #tpu.memory_space<semaphore_mem>>) src(%dma_wait3A_181 : memref<8192x128xf32, #tpu.memory_space<hbm>>) dst(%arg9 : memref<128x128xf32, #tpu.memory_space<vmem>>)
    %dma_start3A_182 = arith.constant 0 : i32
    %dma_start3A_183 = arith.constant 0 : i32
    %dma_start3A_184 = tpu.memref_slice %arg4[%add3A, %dma_start3A_182, %dma_start3A_183] : memref<32x4096x128xf32, #tpu.memory_space<hbm>> -> memref<1x4096x128xf32, #tpu.memory_space<hbm>>
    %dma_start3A_185 = tpu.memref_squeeze %dma_start3A_184 : memref<1x4096x128xf32, #tpu.memory_space<hbm>> -> memref<4096x128xf32, #tpu.memory_space<hbm>>
    %dma_start3A_186 = arith.constant 384 : i32
    %dma_start3A_187 = arith.constant 0 : i32
    %dma_start3A_188 = tpu.memref_slice %dma_start3A_185[%dma_start3A_186, %dma_start3A_187] : memref<4096x128xf32, #tpu.memory_space<hbm>> -> memref<128x128xf32, #tpu.memory_space<hbm>>
    %dma_start3A_189 = arith.constant 0 : i32
    %dma_start3A_190 = arith.constant 0 : i32
    %dma_start3A_191 = tpu.memref_slice %arg4[%add3A, %dma_start3A_189, %dma_start3A_190] : memref<32x4096x128xf32, #tpu.memory_space<hbm>> -> memref<1x4096x128xf32, #tpu.memory_space<hbm>>
    %dma_start3A_192 = tpu.memref_squeeze %dma_start3A_191 : memref<1x4096x128xf32, #tpu.memory_space<hbm>> -> memref<4096x128xf32, #tpu.memory_space<hbm>>
    %dma_start3A_193 = arith.constant 384 : i32
    %dma_start3A_194 = arith.constant 0 : i32
    %dma_start3A_195 = tpu.memref_slice %dma_start3A_192[%dma_start3A_193, %dma_start3A_194] : memref<4096x128xf32, #tpu.memory_space<hbm>> -> memref<128x128xf32, #tpu.memory_space<hbm>>
    tpu.enqueue_dma source(%arg9 : memref<128x128xf32, #tpu.memory_space<vmem>>) target(%dma_start3A_195 : memref<128x128xf32, #tpu.memory_space<hbm>>) target_semaphore(%arg17 : memref<!tpu.dma_semaphore, #tpu.memory_space<semaphore_mem>>)
    %dma_wait3A_196 = arith.constant 0 : i32
    %dma_wait3A_197 = arith.constant 0 : i32
    %dma_wait3A_198 = tpu.memref_slice %arg4[%add3A, %dma_wait3A_196, %dma_wait3A_197] : memref<32x4096x128xf32, #tpu.memory_space<hbm>> -> memref<1x4096x128xf32, #tpu.memory_space<hbm>>
    %dma_wait3A_199 = tpu.memref_squeeze %dma_wait3A_198 : memref<1x4096x128xf32, #tpu.memory_space<hbm>> -> memref<4096x128xf32, #tpu.memory_space<hbm>>
    %dma_wait3A_200 = arith.constant 384 : i32
    %dma_wait3A_201 = arith.constant 0 : i32
    %dma_wait3A_202 = tpu.memref_slice %dma_wait3A_199[%dma_wait3A_200, %dma_wait3A_201] : memref<4096x128xf32, #tpu.memory_space<hbm>> -> memref<128x128xf32, #tpu.memory_space<hbm>>
    %dma_wait3A_203 = arith.constant 0 : i32
    %dma_wait3A_204 = arith.constant 0 : i32
    %dma_wait3A_205 = tpu.memref_slice %arg4[%add3A, %dma_wait3A_203, %dma_wait3A_204] : memref<32x4096x128xf32, #tpu.memory_space<hbm>> -> memref<1x4096x128xf32, #tpu.memory_space<hbm>>
    %dma_wait3A_206 = tpu.memref_squeeze %dma_wait3A_205 : memref<1x4096x128xf32, #tpu.memory_space<hbm>> -> memref<4096x128xf32, #tpu.memory_space<hbm>>
    %dma_wait3A_207 = arith.constant 384 : i32
    %dma_wait3A_208 = arith.constant 0 : i32
    %dma_wait3A_209 = tpu.memref_slice %dma_wait3A_206[%dma_wait3A_207, %dma_wait3A_208] : memref<4096x128xf32, #tpu.memory_space<hbm>> -> memref<128x128xf32, #tpu.memory_space<hbm>>
    tpu.wait_dma2 semaphore(%arg17 : memref<!tpu.dma_semaphore, #tpu.memory_space<semaphore_mem>>) src(%arg9 : memref<128x128xf32, #tpu.memory_space<vmem>>) dst(%dma_wait3A_209 : memref<128x128xf32, #tpu.memory_space<hbm>>)
    %dma_start3A_210 = arith.constant 896 : i32
    %dma_start3A_211 = tpu.memref_slice %arg5[%dma_start3A_210] : memref<4096xi32, #tpu.memory_space<vmem>> -> memref<128xi32, #tpu.memory_space<vmem>>
    %dma_start3A_212 = arith.constant 0 : i32
    %dma_start3A_213 = arith.constant 0 : i32
    %dma_start3A_214 = tpu.memref_slice %arg2[%add3A, %dma_start3A_212, %dma_start3A_213] : memref<32x8192x128xf32, #tpu.memory_space<hbm>> -> memref<1x8192x128xf32, #tpu.memory_space<hbm>>
    %dma_start3A_215 = tpu.memref_squeeze %dma_start3A_214 : memref<1x8192x128xf32, #tpu.memory_space<hbm>> -> memref<8192x128xf32, #tpu.memory_space<hbm>>
    %dma_start3A_216 = arith.constant 0 : i32
    %dma_start3A_217 = arith.constant 0 : i32
    %dma_start3A_218 = tpu.memref_slice %dma_start3A_215[%dma_start3A_216, %dma_start3A_217] : memref<8192x128xf32, #tpu.memory_space<hbm>> -> memref<8192x128xf32, #tpu.memory_space<hbm>>
    tpu.enqueue_indirect_dma source(%dma_start3A_218 : memref<8192x128xf32, #tpu.memory_space<hbm>>) target(%arg9 : memref<128x128xf32, #tpu.memory_space<vmem>>) offsets(%dma_start3A_211 : memref<128xi32, #tpu.memory_space<vmem>>) semaphore(%arg13 : memref<!tpu.dma_semaphore, #tpu.memory_space<semaphore_mem>>)
    %dma_wait3A_219 = arith.constant 512 : i32
    %dma_wait3A_220 = tpu.memref_slice %arg5[%dma_wait3A_219] : memref<4096xi32, #tpu.memory_space<vmem>> -> memref<128xi32, #tpu.memory_space<vmem>>
    %dma_wait3A_221 = arith.constant 0 : i32
    %dma_wait3A_222 = arith.constant 0 : i32
    %dma_wait3A_223 = tpu.memref_slice %arg2[%add3A, %dma_wait3A_221, %dma_wait3A_222] : memref<32x8192x128xf32, #tpu.memory_space<hbm>> -> memref<1x8192x128xf32, #tpu.memory_space<hbm>>
    %dma_wait3A_224 = tpu.memref_squeeze %dma_wait3A_223 : memref<1x8192x128xf32, #tpu.memory_space<hbm>> -> memref<8192x128xf32, #tpu.memory_space<hbm>>
    %dma_wait3A_225 = arith.constant 0 : i32
    %dma_wait3A_226 = arith.constant 0 : i32
    %dma_wait3A_227 = tpu.memref_slice %dma_wait3A_224[%dma_wait3A_225, %dma_wait3A_226] : memref<8192x128xf32, #tpu.memory_space<hbm>> -> memref<8192x128xf32, #tpu.memory_space<hbm>>
    tpu.wait_indirect_dma semaphore(%arg10 : memref<!tpu.dma_semaphore, #tpu.memory_space<semaphore_mem>>) src(%dma_wait3A_227 : memref<8192x128xf32, #tpu.memory_space<hbm>>) dst(%arg6 : memref<128x128xf32, #tpu.memory_space<vmem>>)
    %dma_start3A_228 = arith.constant 0 : i32
    %dma_start3A_229 = arith.constant 0 : i32
    %dma_start3A_230 = tpu.memref_slice %arg4[%add3A, %dma_start3A_228, %dma_start3A_229] : memref<32x4096x128xf32, #tpu.memory_space<hbm>> -> memref<1x4096x128xf32, #tpu.memory_space<hbm>>
    %dma_start3A_231 = tpu.memref_squeeze %dma_start3A_230 : memref<1x4096x128xf32, #tpu.memory_space<hbm>> -> memref<4096x128xf32, #tpu.memory_space<hbm>>
    %dma_start3A_232 = arith.constant 512 : i32
    %dma_start3A_233 = arith.constant 0 : i32
    %dma_start3A_234 = tpu.memref_slice %dma_start3A_231[%dma_start3A_232, %dma_start3A_233] : memref<4096x128xf32, #tpu.memory_space<hbm>> -> memref<128x128xf32, #tpu.memory_space<hbm>>
    %dma_start3A_235 = arith.constant 0 : i32
    %dma_start3A_236 = arith.constant 0 : i32
    %dma_start3A_237 = tpu.memref_slice %arg4[%add3A, %dma_start3A_235, %dma_start3A_236] : memref<32x4096x128xf32, #tpu.memory_space<hbm>> -> memref<1x4096x128xf32, #tpu.memory_space<hbm>>
    %dma_start3A_238 = tpu.memref_squeeze %dma_start3A_237 : memref<1x4096x128xf32, #tpu.memory_space<hbm>> -> memref<4096x128xf32, #tpu.memory_space<hbm>>
    %dma_start3A_239 = arith.constant 512 : i32
    %dma_start3A_240 = arith.constant 0 : i32
    %dma_start3A_241 = tpu.memref_slice %dma_start3A_238[%dma_start3A_239, %dma_start3A_240] : memref<4096x128xf32, #tpu.memory_space<hbm>> -> memref<128x128xf32, #tpu.memory_space<hbm>>
    tpu.enqueue_dma source(%arg6 : memref<128x128xf32, #tpu.memory_space<vmem>>) target(%dma_start3A_241 : memref<128x128xf32, #tpu.memory_space<hbm>>) target_semaphore(%arg14 : memref<!tpu.dma_semaphore, #tpu.memory_space<semaphore_mem>>)
    %dma_wait3A_242 = arith.constant 0 : i32
    %dma_wait3A_243 = arith.constant 0 : i32
    %dma_wait3A_244 = tpu.memref_slice %arg4[%add3A, %dma_wait3A_242, %dma_wait3A_243] : memref<32x4096x128xf32, #tpu.memory_space<hbm>> -> memref<1x4096x128xf32, #tpu.memory_space<hbm>>
    %dma_wait3A_245 = tpu.memref_squeeze %dma_wait3A_244 : memref<1x4096x128xf32, #tpu.memory_space<hbm>> -> memref<4096x128xf32, #tpu.memory_space<hbm>>
    %dma_wait3A_246 = arith.constant 512 : i32
    %dma_wait3A_247 = arith.constant 0 : i32
    %dma_wait3A_248 = tpu.memref_slice %dma_wait3A_245[%dma_wait3A_246, %dma_wait3A_247] : memref<4096x128xf32, #tpu.memory_space<hbm>> -> memref<128x128xf32, #tpu.memory_space<hbm>>
    %dma_wait3A_249 = arith.constant 0 : i32
    %dma_wait3A_250 = arith.constant 0 : i32
    %dma_wait3A_251 = tpu.memref_slice %arg4[%add3A, %dma_wait3A_249, %dma_wait3A_250] : memref<32x4096x128xf32, #tpu.memory_space<hbm>> -> memref<1x4096x128xf32, #tpu.memory_space<hbm>>
    %dma_wait3A_252 = tpu.memref_squeeze %dma_wait3A_251 : memref<1x4096x128xf32, #tpu.memory_space<hbm>> -> memref<4096x128xf32, #tpu.memory_space<hbm>>
    %dma_wait3A_253 = arith.constant 512 : i32
    %dma_wait3A_254 = arith.constant 0 : i32
    %dma_wait3A_255 = tpu.memref_slice %dma_wait3A_252[%dma_wait3A_253, %dma_wait3A_254] : memref<4096x128xf32, #tpu.memory_space<hbm>> -> memref<128x128xf32, #tpu.memory_space<hbm>>
    tpu.wait_dma2 semaphore(%arg14 : memref<!tpu.dma_semaphore, #tpu.memory_space<semaphore_mem>>) src(%arg6 : memref<128x128xf32, #tpu.memory_space<vmem>>) dst(%dma_wait3A_255 : memref<128x128xf32, #tpu.memory_space<hbm>>)
    %dma_start3A_256 = arith.constant 1024 : i32
    %dma_start3A_257 = tpu.memref_slice %arg5[%dma_start3A_256] : memref<4096xi32, #tpu.memory_space<vmem>> -> memref<128xi32, #tpu.memory_space<vmem>>
    %dma_start3A_258 = arith.constant 0 : i32
    %dma_start3A_259 = arith.constant 0 : i32
    %dma_start3A_260 = tpu.memref_slice %arg2[%add3A, %dma_start3A_258, %dma_start3A_259] : memref<32x8192x128xf32, #tpu.memory_space<hbm>> -> memref<1x8192x128xf32, #tpu.memory_space<hbm>>
    %dma_start3A_261 = tpu.memref_squeeze %dma_start3A_260 : memref<1x8192x128xf32, #tpu.memory_space<hbm>> -> memref<8192x128xf32, #tpu.memory_space<hbm>>
    %dma_start3A_262 = arith.constant 0 : i32
    %dma_start3A_263 = arith.constant 0 : i32
    %dma_start3A_264 = tpu.memref_slice %dma_start3A_261[%dma_start3A_262, %dma_start3A_263] : memref<8192x128xf32, #tpu.memory_space<hbm>> -> memref<8192x128xf32, #tpu.memory_space<hbm>>
    tpu.enqueue_indirect_dma source(%dma_start3A_264 : memref<8192x128xf32, #tpu.memory_space<hbm>>) target(%arg6 : memref<128x128xf32, #tpu.memory_space<vmem>>) offsets(%dma_start3A_257 : memref<128xi32, #tpu.memory_space<vmem>>) semaphore(%arg10 : memref<!tpu.dma_semaphore, #tpu.memory_space<semaphore_mem>>)
    %dma_wait3A_265 = arith.constant 640 : i32
    %dma_wait3A_266 = tpu.memref_slice %arg5[%dma_wait3A_265] : memref<4096xi32, #tpu.memory_space<vmem>> -> memref<128xi32, #tpu.memory_space<vmem>>
    %dma_wait3A_267 = arith.constant 0 : i32
    %dma_wait3A_268 = arith.constant 0 : i32
    %dma_wait3A_269 = tpu.memref_slice %arg2[%add3A, %dma_wait3A_267, %dma_wait3A_268] : memref<32x8192x128xf32, #tpu.memory_space<hbm>> -> memref<1x8192x128xf32, #tpu.memory_space<hbm>>
    %dma_wait3A_270 = tpu.memref_squeeze %dma_wait3A_269 : memref<1x8192x128xf32, #tpu.memory_space<hbm>> -> memref<8192x128xf32, #tpu.memory_space<hbm>>
    %dma_wait3A_271 = arith.constant 0 : i32
    %dma_wait3A_272 = arith.constant 0 : i32
    %dma_wait3A_273 = tpu.memref_slice %dma_wait3A_270[%dma_wait3A_271, %dma_wait3A_272] : memref<8192x128xf32, #tpu.memory_space<hbm>> -> memref<8192x128xf32, #tpu.memory_space<hbm>>
    tpu.wait_indirect_dma semaphore(%arg11 : memref<!tpu.dma_semaphore, #tpu.memory_space<semaphore_mem>>) src(%dma_wait3A_273 : memref<8192x128xf32, #tpu.memory_space<hbm>>) dst(%arg7 : memref<128x128xf32, #tpu.memory_space<vmem>>)
    %dma_start3A_274 = arith.constant 0 : i32
    %dma_start3A_275 = arith.constant 0 : i32
    %dma_start3A_276 = tpu.memref_slice %arg4[%add3A, %dma_start3A_274, %dma_start3A_275] : memref<32x4096x128xf32, #tpu.memory_space<hbm>> -> memref<1x4096x128xf32, #tpu.memory_space<hbm>>
    %dma_start3A_277 = tpu.memref_squeeze %dma_start3A_276 : memref<1x4096x128xf32, #tpu.memory_space<hbm>> -> memref<4096x128xf32, #tpu.memory_space<hbm>>
    %dma_start3A_278 = arith.constant 640 : i32
    %dma_start3A_279 = arith.constant 0 : i32
    %dma_start3A_280 = tpu.memref_slice %dma_start3A_277[%dma_start3A_278, %dma_start3A_279] : memref<4096x128xf32, #tpu.memory_space<hbm>> -> memref<128x128xf32, #tpu.memory_space<hbm>>
    %dma_start3A_281 = arith.constant 0 : i32
    %dma_start3A_282 = arith.constant 0 : i32
    %dma_start3A_283 = tpu.memref_slice %arg4[%add3A, %dma_start3A_281, %dma_start3A_282] : memref<32x4096x128xf32, #tpu.memory_space<hbm>> -> memref<1x4096x128xf32, #tpu.memory_space<hbm>>
    %dma_start3A_284 = tpu.memref_squeeze %dma_start3A_283 : memref<1x4096x128xf32, #tpu.memory_space<hbm>> -> memref<4096x128xf32, #tpu.memory_space<hbm>>
    %dma_start3A_285 = arith.constant 640 : i32
    %dma_start3A_286 = arith.constant 0 : i32
    %dma_start3A_287 = tpu.memref_slice %dma_start3A_284[%dma_start3A_285, %dma_start3A_286] : memref<4096x128xf32, #tpu.memory_space<hbm>> -> memref<128x128xf32, #tpu.memory_space<hbm>>
    tpu.enqueue_dma source(%arg7 : memref<128x128xf32, #tpu.memory_space<vmem>>) target(%dma_start3A_287 : memref<128x128xf32, #tpu.memory_space<hbm>>) target_semaphore(%arg15 : memref<!tpu.dma_semaphore, #tpu.memory_space<semaphore_mem>>)
    %dma_wait3A_288 = arith.constant 0 : i32
    %dma_wait3A_289 = arith.constant 0 : i32
    %dma_wait3A_290 = tpu.memref_slice %arg4[%add3A, %dma_wait3A_288, %dma_wait3A_289] : memref<32x4096x128xf32, #tpu.memory_space<hbm>> -> memref<1x4096x128xf32, #tpu.memory_space<hbm>>
    %dma_wait3A_291 = tpu.memref_squeeze %dma_wait3A_290 : memref<1x4096x128xf32, #tpu.memory_space<hbm>> -> memref<4096x128xf32, #tpu.memory_space<hbm>>
    %dma_wait3A_292 = arith.constant 640 : i32
    %dma_wait3A_293 = arith.constant 0 : i32
    %dma_wait3A_294 = tpu.memref_slice %dma_wait3A_291[%dma_wait3A_292, %dma_wait3A_293] : memref<4096x128xf32, #tpu.memory_space<hbm>> -> memref<128x128xf32, #tpu.memory_space<hbm>>
    %dma_wait3A_295 = arith.constant 0 : i32
    %dma_wait3A_296 = arith.constant 0 : i32
    %dma_wait3A_297 = tpu.memref_slice %arg4[%add3A, %dma_wait3A_295, %dma_wait3A_296] : memref<32x4096x128xf32, #tpu.memory_space<hbm>> -> memref<1x4096x128xf32, #tpu.memory_space<hbm>>
    %dma_wait3A_298 = tpu.memref_squeeze %dma_wait3A_297 : memref<1x4096x128xf32, #tpu.memory_space<hbm>> -> memref<4096x128xf32, #tpu.memory_space<hbm>>
    %dma_wait3A_299 = arith.constant 640 : i32
    %dma_wait3A_300 = arith.constant 0 : i32
    %dma_wait3A_301 = tpu.memref_slice %dma_wait3A_298[%dma_wait3A_299, %dma_wait3A_300] : memref<4096x128xf32, #tpu.memory_space<hbm>> -> memref<128x128xf32, #tpu.memory_space<hbm>>
    tpu.wait_dma2 semaphore(%arg15 : memref<!tpu.dma_semaphore, #tpu.memory_space<semaphore_mem>>) src(%arg7 : memref<128x128xf32, #tpu.memory_space<vmem>>) dst(%dma_wait3A_301 : memref<128x128xf32, #tpu.memory_space<hbm>>)
    %dma_start3A_302 = arith.constant 1152 : i32
    %dma_start3A_303 = tpu.memref_slice %arg5[%dma_start3A_302] : memref<4096xi32, #tpu.memory_space<vmem>> -> memref<128xi32, #tpu.memory_space<vmem>>
    %dma_start3A_304 = arith.constant 0 : i32
    %dma_start3A_305 = arith.constant 0 : i32
    %dma_start3A_306 = tpu.memref_slice %arg2[%add3A, %dma_start3A_304, %dma_start3A_305] : memref<32x8192x128xf32, #tpu.memory_space<hbm>> -> memref<1x8192x128xf32, #tpu.memory_space<hbm>>
    %dma_start3A_307 = tpu.memref_squeeze %dma_start3A_306 : memref<1x8192x128xf32, #tpu.memory_space<hbm>> -> memref<8192x128xf32, #tpu.memory_space<hbm>>
    %dma_start3A_308 = arith.constant 0 : i32
    %dma_start3A_309 = arith.constant 0 : i32
    %dma_start3A_310 = tpu.memref_slice %dma_start3A_307[%dma_start3A_308, %dma_start3A_309] : memref<8192x128xf32, #tpu.memory_space<hbm>> -> memref<8192x128xf32, #tpu.memory_space<hbm>>
    tpu.enqueue_indirect_dma source(%dma_start3A_310 : memref<8192x128xf32, #tpu.memory_space<hbm>>) target(%arg7 : memref<128x128xf32, #tpu.memory_space<vmem>>) offsets(%dma_start3A_303 : memref<128xi32, #tpu.memory_space<vmem>>) semaphore(%arg11 : memref<!tpu.dma_semaphore, #tpu.memory_space<semaphore_mem>>)
    %dma_wait3A_311 = arith.constant 768 : i32
    %dma_wait3A_312 = tpu.memref_slice %arg5[%dma_wait3A_311] : memref<4096xi32, #tpu.memory_space<vmem>> -> memref<128xi32, #tpu.memory_space<vmem>>
    %dma_wait3A_313 = arith.constant 0 : i32
    %dma_wait3A_314 = arith.constant 0 : i32
    %dma_wait3A_315 = tpu.memref_slice %arg2[%add3A, %dma_wait3A_313, %dma_wait3A_314] : memref<32x8192x128xf32, #tpu.memory_space<hbm>> -> memref<1x8192x128xf32, #tpu.memory_space<hbm>>
    %dma_wait3A_316 = tpu.memref_squeeze %dma_wait3A_315 : memref<1x8192x128xf32, #tpu.memory_space<hbm>> -> memref<8192x128xf32, #tpu.memory_space<hbm>>
    %dma_wait3A_317 = arith.constant 0 : i32
    %dma_wait3A_318 = arith.constant 0 : i32
    %dma_wait3A_319 = tpu.memref_slice %dma_wait3A_316[%dma_wait3A_317, %dma_wait3A_318] : memref<8192x128xf32, #tpu.memory_space<hbm>> -> memref<8192x128xf32, #tpu.memory_space<hbm>>
    tpu.wait_indirect_dma semaphore(%arg12 : memref<!tpu.dma_semaphore, #tpu.memory_space<semaphore_mem>>) src(%dma_wait3A_319 : memref<8192x128xf32, #tpu.memory_space<hbm>>) dst(%arg8 : memref<128x128xf32, #tpu.memory_space<vmem>>)
    %dma_start3A_320 = arith.constant 0 : i32
    %dma_start3A_321 = arith.constant 0 : i32
    %dma_start3A_322 = tpu.memref_slice %arg4[%add3A, %dma_start3A_320, %dma_start3A_321] : memref<32x4096x128xf32, #tpu.memory_space<hbm>> -> memref<1x4096x128xf32, #tpu.memory_space<hbm>>
    %dma_start3A_323 = tpu.memref_squeeze %dma_start3A_322 : memref<1x4096x128xf32, #tpu.memory_space<hbm>> -> memref<4096x128xf32, #tpu.memory_space<hbm>>
    %dma_start3A_324 = arith.constant 768 : i32
    %dma_start3A_325 = arith.constant 0 : i32
    %dma_start3A_326 = tpu.memref_slice %dma_start3A_323[%dma_start3A_324, %dma_start3A_325] : memref<4096x128xf32, #tpu.memory_space<hbm>> -> memref<128x128xf32, #tpu.memory_space<hbm>>
    %dma_start3A_327 = arith.constant 0 : i32
    %dma_start3A_328 = arith.constant 0 : i32
    %dma_start3A_329 = tpu.memref_slice %arg4[%add3A, %dma_start3A_327, %dma_start3A_328] : memref<32x4096x128xf32, #tpu.memory_space<hbm>> -> memref<1x4096x128xf32, #tpu.memory_space<hbm>>
    %dma_start3A_330 = tpu.memref_squeeze %dma_start3A_329 : memref<1x4096x128xf32, #tpu.memory_space<hbm>> -> memref<4096x128xf32, #tpu.memory_space<hbm>>
    %dma_start3A_331 = arith.constant 768 : i32
    %dma_start3A_332 = arith.constant 0 : i32
    %dma_start3A_333 = tpu.memref_slice %dma_start3A_330[%dma_start3A_331, %dma_start3A_332] : memref<4096x128xf32, #tpu.memory_space<hbm>> -> memref<128x128xf32, #tpu.memory_space<hbm>>
    tpu.enqueue_dma source(%arg8 : memref<128x128xf32, #tpu.memory_space<vmem>>) target(%dma_start3A_333 : memref<128x128xf32, #tpu.memory_space<hbm>>) target_semaphore(%arg16 : memref<!tpu.dma_semaphore, #tpu.memory_space<semaphore_mem>>)
    %dma_wait3A_334 = arith.constant 0 : i32
    %dma_wait3A_335 = arith.constant 0 : i32
    %dma_wait3A_336 = tpu.memref_slice %arg4[%add3A, %dma_wait3A_334, %dma_wait3A_335] : memref<32x4096x128xf32, #tpu.memory_space<hbm>> -> memref<1x4096x128xf32, #tpu.memory_space<hbm>>
    %dma_wait3A_337 = tpu.memref_squeeze %dma_wait3A_336 : memref<1x4096x128xf32, #tpu.memory_space<hbm>> -> memref<4096x128xf32, #tpu.memory_space<hbm>>
    %dma_wait3A_338 = arith.constant 768 : i32
    %dma_wait3A_339 = arith.constant 0 : i32
    %dma_wait3A_340 = tpu.memref_slice %dma_wait3A_337[%dma_wait3A_338, %dma_wait3A_339] : memref<4096x128xf32, #tpu.memory_space<hbm>> -> memref<128x128xf32, #tpu.memory_space<hbm>>
    %dma_wait3A_341 = arith.constant 0 : i32
    %dma_wait3A_342 = arith.constant 0 : i32
    %dma_wait3A_343 = tpu.memref_slice %arg4[%add3A, %dma_wait3A_341, %dma_wait3A_342] : memref<32x4096x128xf32, #tpu.memory_space<hbm>> -> memref<1x4096x128xf32, #tpu.memory_space<hbm>>
    %dma_wait3A_344 = tpu.memref_squeeze %dma_wait3A_343 : memref<1x4096x128xf32, #tpu.memory_space<hbm>> -> memref<4096x128xf32, #tpu.memory_space<hbm>>
    %dma_wait3A_345 = arith.constant 768 : i32
    %dma_wait3A_346 = arith.constant 0 : i32
    %dma_wait3A_347 = tpu.memref_slice %dma_wait3A_344[%dma_wait3A_345, %dma_wait3A_346] : memref<4096x128xf32, #tpu.memory_space<hbm>> -> memref<128x128xf32, #tpu.memory_space<hbm>>
    tpu.wait_dma2 semaphore(%arg16 : memref<!tpu.dma_semaphore, #tpu.memory_space<semaphore_mem>>) src(%arg8 : memref<128x128xf32, #tpu.memory_space<vmem>>) dst(%dma_wait3A_347 : memref<128x128xf32, #tpu.memory_space<hbm>>)
    %dma_start3A_348 = arith.constant 1280 : i32
    %dma_start3A_349 = tpu.memref_slice %arg5[%dma_start3A_348] : memref<4096xi32, #tpu.memory_space<vmem>> -> memref<128xi32, #tpu.memory_space<vmem>>
    %dma_start3A_350 = arith.constant 0 : i32
    %dma_start3A_351 = arith.constant 0 : i32
    %dma_start3A_352 = tpu.memref_slice %arg2[%add3A, %dma_start3A_350, %dma_start3A_351] : memref<32x8192x128xf32, #tpu.memory_space<hbm>> -> memref<1x8192x128xf32, #tpu.memory_space<hbm>>
    %dma_start3A_353 = tpu.memref_squeeze %dma_start3A_352 : memref<1x8192x128xf32, #tpu.memory_space<hbm>> -> memref<8192x128xf32, #tpu.memory_space<hbm>>
    %dma_start3A_354 = arith.constant 0 : i32
    %dma_start3A_355 = arith.constant 0 : i32
    %dma_start3A_356 = tpu.memref_slice %dma_start3A_353[%dma_start3A_354, %dma_start3A_355] : memref<8192x128xf32, #tpu.memory_space<hbm>> -> memref<8192x128xf32, #tpu.memory_space<hbm>>
    tpu.enqueue_indirect_dma source(%dma_start3A_356 : memref<8192x128xf32, #tpu.memory_space<hbm>>) target(%arg8 : memref<128x128xf32, #tpu.memory_space<vmem>>) offsets(%dma_start3A_349 : memref<128xi32, #tpu.memory_space<vmem>>) semaphore(%arg12 : memref<!tpu.dma_semaphore, #tpu.memory_space<semaphore_mem>>)
    %dma_wait3A_357 = arith.constant 896 : i32
    %dma_wait3A_358 = tpu.memref_slice %arg5[%dma_wait3A_357] : memref<4096xi32, #tpu.memory_space<vmem>> -> memref<128xi32, #tpu.memory_space<vmem>>
    %dma_wait3A_359 = arith.constant 0 : i32
    %dma_wait3A_360 = arith.constant 0 : i32
    %dma_wait3A_361 = tpu.memref_slice %arg2[%add3A, %dma_wait3A_359, %dma_wait3A_360] : memref<32x8192x128xf32, #tpu.memory_space<hbm>> -> memref<1x8192x128xf32, #tpu.memory_space<hbm>>
    %dma_wait3A_362 = tpu.memref_squeeze %dma_wait3A_361 : memref<1x8192x128xf32, #tpu.memory_space<hbm>> -> memref<8192x128xf32, #tpu.memory_space<hbm>>
    %dma_wait3A_363 = arith.constant 0 : i32
    %dma_wait3A_364 = arith.constant 0 : i32
    %dma_wait3A_365 = tpu.memref_slice %dma_wait3A_362[%dma_wait3A_363, %dma_wait3A_364] : memref<8192x128xf32, #tpu.memory_space<hbm>> -> memref<8192x128xf32, #tpu.memory_space<hbm>>
    tpu.wait_indirect_dma semaphore(%arg13 : memref<!tpu.dma_semaphore, #tpu.memory_space<semaphore_mem>>) src(%dma_wait3A_365 : memref<8192x128xf32, #tpu.memory_space<hbm>>) dst(%arg9 : memref<128x128xf32, #tpu.memory_space<vmem>>)
    %dma_start3A_366 = arith.constant 0 : i32
    %dma_start3A_367 = arith.constant 0 : i32
    %dma_start3A_368 = tpu.memref_slice %arg4[%add3A, %dma_start3A_366, %dma_start3A_367] : memref<32x4096x128xf32, #tpu.memory_space<hbm>> -> memref<1x4096x128xf32, #tpu.memory_space<hbm>>
    %dma_start3A_369 = tpu.memref_squeeze %dma_start3A_368 : memref<1x4096x128xf32, #tpu.memory_space<hbm>> -> memref<4096x128xf32, #tpu.memory_space<hbm>>
    %dma_start3A_370 = arith.constant 896 : i32
    %dma_start3A_371 = arith.constant 0 : i32
    %dma_start3A_372 = tpu.memref_slice %dma_start3A_369[%dma_start3A_370, %dma_start3A_371] : memref<4096x128xf32, #tpu.memory_space<hbm>> -> memref<128x128xf32, #tpu.memory_space<hbm>>
    %dma_start3A_373 = arith.constant 0 : i32
    %dma_start3A_374 = arith.constant 0 : i32
    %dma_start3A_375 = tpu.memref_slice %arg4[%add3A, %dma_start3A_373, %dma_start3A_374] : memref<32x4096x128xf32, #tpu.memory_space<hbm>> -> memref<1x4096x128xf32, #tpu.memory_space<hbm>>
    %dma_start3A_376 = tpu.memref_squeeze %dma_start3A_375 : memref<1x4096x128xf32, #tpu.memory_space<hbm>> -> memref<4096x128xf32, #tpu.memory_space<hbm>>
    %dma_start3A_377 = arith.constant 896 : i32
    %dma_start3A_378 = arith.constant 0 : i32
    %dma_start3A_379 = tpu.memref_slice %dma_start3A_376[%dma_start3A_377, %dma_start3A_378] : memref<4096x128xf32, #tpu.memory_space<hbm>> -> memref<128x128xf32, #tpu.memory_space<hbm>>
    tpu.enqueue_dma source(%arg9 : memref<128x128xf32, #tpu.memory_space<vmem>>) target(%dma_start3A_379 : memref<128x128xf32, #tpu.memory_space<hbm>>) target_semaphore(%arg17 : memref<!tpu.dma_semaphore, #tpu.memory_space<semaphore_mem>>)
    %dma_wait3A_380 = arith.constant 0 : i32
    %dma_wait3A_381 = arith.constant 0 : i32
    %dma_wait3A_382 = tpu.memref_slice %arg4[%add3A, %dma_wait3A_380, %dma_wait3A_381] : memref<32x4096x128xf32, #tpu.memory_space<hbm>> -> memref<1x4096x128xf32, #tpu.memory_space<hbm>>
    %dma_wait3A_383 = tpu.memref_squeeze %dma_wait3A_382 : memref<1x4096x128xf32, #tpu.memory_space<hbm>> -> memref<4096x128xf32, #tpu.memory_space<hbm>>
    %dma_wait3A_384 = arith.constant 896 : i32
    %dma_wait3A_385 = arith.constant 0 : i32
    %dma_wait3A_386 = tpu.memref_slice %dma_wait3A_383[%dma_wait3A_384, %dma_wait3A_385] : memref<4096x128xf32, #tpu.memory_space<hbm>> -> memref<128x128xf32, #tpu.memory_space<hbm>>
    %dma_wait3A_387 = arith.constant 0 : i32
    %dma_wait3A_388 = arith.constant 0 : i32
    %dma_wait3A_389 = tpu.memref_slice %arg4[%add3A, %dma_wait3A_387, %dma_wait3A_388] : memref<32x4096x128xf32, #tpu.memory_space<hbm>> -> memref<1x4096x128xf32, #tpu.memory_space<hbm>>
    %dma_wait3A_390 = tpu.memref_squeeze %dma_wait3A_389 : memref<1x4096x128xf32, #tpu.memory_space<hbm>> -> memref<4096x128xf32, #tpu.memory_space<hbm>>
    %dma_wait3A_391 = arith.constant 896 : i32
    %dma_wait3A_392 = arith.constant 0 : i32
    %dma_wait3A_393 = tpu.memref_slice %dma_wait3A_390[%dma_wait3A_391, %dma_wait3A_392] : memref<4096x128xf32, #tpu.memory_space<hbm>> -> memref<128x128xf32, #tpu.memory_space<hbm>>
    tpu.wait_dma2 semaphore(%arg17 : memref<!tpu.dma_semaphore, #tpu.memory_space<semaphore_mem>>) src(%arg9 : memref<128x128xf32, #tpu.memory_space<vmem>>) dst(%dma_wait3A_393 : memref<128x128xf32, #tpu.memory_space<hbm>>)
    %dma_start3A_394 = arith.constant 1408 : i32
    %dma_start3A_395 = tpu.memref_slice %arg5[%dma_start3A_394] : memref<4096xi32, #tpu.memory_space<vmem>> -> memref<128xi32, #tpu.memory_space<vmem>>
    %dma_start3A_396 = arith.constant 0 : i32
    %dma_start3A_397 = arith.constant 0 : i32
    %dma_start3A_398 = tpu.memref_slice %arg2[%add3A, %dma_start3A_396, %dma_start3A_397] : memref<32x8192x128xf32, #tpu.memory_space<hbm>> -> memref<1x8192x128xf32, #tpu.memory_space<hbm>>
    %dma_start3A_399 = tpu.memref_squeeze %dma_start3A_398 : memref<1x8192x128xf32, #tpu.memory_space<hbm>> -> memref<8192x128xf32, #tpu.memory_space<hbm>>
    %dma_start3A_400 = arith.constant 0 : i32
    %dma_start3A_401 = arith.constant 0 : i32
    %dma_start3A_402 = tpu.memref_slice %dma_start3A_399[%dma_start3A_400, %dma_start3A_401] : memref<8192x128xf32, #tpu.memory_space<hbm>> -> memref<8192x128xf32, #tpu.memory_space<hbm>>
    tpu.enqueue_indirect_dma source(%dma_start3A_402 : memref<8192x128xf32, #tpu.memory_space<hbm>>) target(%arg9 : memref<128x128xf32, #tpu.memory_space<vmem>>) offsets(%dma_start3A_395 : memref<128xi32, #tpu.memory_space<vmem>>) semaphore(%arg13 : memref<!tpu.dma_semaphore, #tpu.memory_space<semaphore_mem>>)
    %dma_wait3A_403 = arith.constant 1024 : i32
    %dma_wait3A_404 = tpu.memref_slice %arg5[%dma_wait3A_403] : memref<4096xi32, #tpu.memory_space<vmem>> -> memref<128xi32, #tpu.memory_space<vmem>>
    %dma_wait3A_405 = arith.constant 0 : i32
    %dma_wait3A_406 = arith.constant 0 : i32
    %dma_wait3A_407 = tpu.memref_slice %arg2[%add3A, %dma_wait3A_405, %dma_wait3A_406] : memref<32x8192x128xf32, #tpu.memory_space<hbm>> -> memref<1x8192x128xf32, #tpu.memory_space<hbm>>
    %dma_wait3A_408 = tpu.memref_squeeze %dma_wait3A_407 : memref<1x8192x128xf32, #tpu.memory_space<hbm>> -> memref<8192x128xf32, #tpu.memory_space<hbm>>
    %dma_wait3A_409 = arith.constant 0 : i32
    %dma_wait3A_410 = arith.constant 0 : i32
    %dma_wait3A_411 = tpu.memref_slice %dma_wait3A_408[%dma_wait3A_409, %dma_wait3A_410] : memref<8192x128xf32, #tpu.memory_space<hbm>> -> memref<8192x128xf32, #tpu.memory_space<hbm>>
    tpu.wait_indirect_dma semaphore(%arg10 : memref<!tpu.dma_semaphore, #tpu.memory_space<semaphore_mem>>) src(%dma_wait3A_411 : memref<8192x128xf32, #tpu.memory_space<hbm>>) dst(%arg6 : memref<128x128xf32, #tpu.memory_space<vmem>>)
    %dma_start3A_412 = arith.constant 0 : i32
    %dma_start3A_413 = arith.constant 0 : i32
    %dma_start3A_414 = tpu.memref_slice %arg4[%add3A, %dma_start3A_412, %dma_start3A_413] : memref<32x4096x128xf32, #tpu.memory_space<hbm>> -> memref<1x4096x128xf32, #tpu.memory_space<hbm>>
    %dma_start3A_415 = tpu.memref_squeeze %dma_start3A_414 : memref<1x4096x128xf32, #tpu.memory_space<hbm>> -> memref<4096x128xf32, #tpu.memory_space<hbm>>
    %dma_start3A_416 = arith.constant 1024 : i32
    %dma_start3A_417 = arith.constant 0 : i32
    %dma_start3A_418 = tpu.memref_slice %dma_start3A_415[%dma_start3A_416, %dma_start3A_417] : memref<4096x128xf32, #tpu.memory_space<hbm>> -> memref<128x128xf32, #tpu.memory_space<hbm>>
    %dma_start3A_419 = arith.constant 0 : i32
    %dma_start3A_420 = arith.constant 0 : i32
    %dma_start3A_421 = tpu.memref_slice %arg4[%add3A, %dma_start3A_419, %dma_start3A_420] : memref<32x4096x128xf32, #tpu.memory_space<hbm>> -> memref<1x4096x128xf32, #tpu.memory_space<hbm>>
    %dma_start3A_422 = tpu.memref_squeeze %dma_start3A_421 : memref<1x4096x128xf32, #tpu.memory_space<hbm>> -> memref<4096x128xf32, #tpu.memory_space<hbm>>
    %dma_start3A_423 = arith.constant 1024 : i32
    %dma_start3A_424 = arith.constant 0 : i32
    %dma_start3A_425 = tpu.memref_slice %dma_start3A_422[%dma_start3A_423, %dma_start3A_424] : memref<4096x128xf32, #tpu.memory_space<hbm>> -> memref<128x128xf32, #tpu.memory_space<hbm>>
    tpu.enqueue_dma source(%arg6 : memref<128x128xf32, #tpu.memory_space<vmem>>) target(%dma_start3A_425 : memref<128x128xf32, #tpu.memory_space<hbm>>) target_semaphore(%arg14 : memref<!tpu.dma_semaphore, #tpu.memory_space<semaphore_mem>>)
    %dma_wait3A_426 = arith.constant 0 : i32
    %dma_wait3A_427 = arith.constant 0 : i32
    %dma_wait3A_428 = tpu.memref_slice %arg4[%add3A, %dma_wait3A_426, %dma_wait3A_427] : memref<32x4096x128xf32, #tpu.memory_space<hbm>> -> memref<1x4096x128xf32, #tpu.memory_space<hbm>>
    %dma_wait3A_429 = tpu.memref_squeeze %dma_wait3A_428 : memref<1x4096x128xf32, #tpu.memory_space<hbm>> -> memref<4096x128xf32, #tpu.memory_space<hbm>>
    %dma_wait3A_430 = arith.constant 1024 : i32
    %dma_wait3A_431 = arith.constant 0 : i32
    %dma_wait3A_432 = tpu.memref_slice %dma_wait3A_429[%dma_wait3A_430, %dma_wait3A_431] : memref<4096x128xf32, #tpu.memory_space<hbm>> -> memref<128x128xf32, #tpu.memory_space<hbm>>
    %dma_wait3A_433 = arith.constant 0 : i32
    %dma_wait3A_434 = arith.constant 0 : i32
    %dma_wait3A_435 = tpu.memref_slice %arg4[%add3A, %dma_wait3A_433, %dma_wait3A_434] : memref<32x4096x128xf32, #tpu.memory_space<hbm>> -> memref<1x4096x128xf32, #tpu.memory_space<hbm>>
    %dma_wait3A_436 = tpu.memref_squeeze %dma_wait3A_435 : memref<1x4096x128xf32, #tpu.memory_space<hbm>> -> memref<4096x128xf32, #tpu.memory_space<hbm>>
    %dma_wait3A_437 = arith.constant 1024 : i32
    %dma_wait3A_438 = arith.constant 0 : i32
    %dma_wait3A_439 = tpu.memref_slice %dma_wait3A_436[%dma_wait3A_437, %dma_wait3A_438] : memref<4096x128xf32, #tpu.memory_space<hbm>> -> memref<128x128xf32, #tpu.memory_space<hbm>>
    tpu.wait_dma2 semaphore(%arg14 : memref<!tpu.dma_semaphore, #tpu.memory_space<semaphore_mem>>) src(%arg6 : memref<128x128xf32, #tpu.memory_space<vmem>>) dst(%dma_wait3A_439 : memref<128x128xf32, #tpu.memory_space<hbm>>)
    %dma_start3A_440 = arith.constant 1536 : i32
    %dma_start3A_441 = tpu.memref_slice %arg5[%dma_start3A_440] : memref<4096xi32, #tpu.memory_space<vmem>> -> memref<128xi32, #tpu.memory_space<vmem>>
    %dma_start3A_442 = arith.constant 0 : i32
    %dma_start3A_443 = arith.constant 0 : i32
    %dma_start3A_444 = tpu.memref_slice %arg2[%add3A, %dma_start3A_442, %dma_start3A_443] : memref<32x8192x128xf32, #tpu.memory_space<hbm>> -> memref<1x8192x128xf32, #tpu.memory_space<hbm>>
    %dma_start3A_445 = tpu.memref_squeeze %dma_start3A_444 : memref<1x8192x128xf32, #tpu.memory_space<hbm>> -> memref<8192x128xf32, #tpu.memory_space<hbm>>
    %dma_start3A_446 = arith.constant 0 : i32
    %dma_start3A_447 = arith.constant 0 : i32
    %dma_start3A_448 = tpu.memref_slice %dma_start3A_445[%dma_start3A_446, %dma_start3A_447] : memref<8192x128xf32, #tpu.memory_space<hbm>> -> memref<8192x128xf32, #tpu.memory_space<hbm>>
    tpu.enqueue_indirect_dma source(%dma_start3A_448 : memref<8192x128xf32, #tpu.memory_space<hbm>>) target(%arg6 : memref<128x128xf32, #tpu.memory_space<vmem>>) offsets(%dma_start3A_441 : memref<128xi32, #tpu.memory_space<vmem>>) semaphore(%arg10 : memref<!tpu.dma_semaphore, #tpu.memory_space<semaphore_mem>>)
    %dma_wait3A_449 = arith.constant 1152 : i32
    %dma_wait3A_450 = tpu.memref_slice %arg5[%dma_wait3A_449] : memref<4096xi32, #tpu.memory_space<vmem>> -> memref<128xi32, #tpu.memory_space<vmem>>
    %dma_wait3A_451 = arith.constant 0 : i32
    %dma_wait3A_452 = arith.constant 0 : i32
    %dma_wait3A_453 = tpu.memref_slice %arg2[%add3A, %dma_wait3A_451, %dma_wait3A_452] : memref<32x8192x128xf32, #tpu.memory_space<hbm>> -> memref<1x8192x128xf32, #tpu.memory_space<hbm>>
    %dma_wait3A_454 = tpu.memref_squeeze %dma_wait3A_453 : memref<1x8192x128xf32, #tpu.memory_space<hbm>> -> memref<8192x128xf32, #tpu.memory_space<hbm>>
    %dma_wait3A_455 = arith.constant 0 : i32
    %dma_wait3A_456 = arith.constant 0 : i32
    %dma_wait3A_457 = tpu.memref_slice %dma_wait3A_454[%dma_wait3A_455, %dma_wait3A_456] : memref<8192x128xf32, #tpu.memory_space<hbm>> -> memref<8192x128xf32, #tpu.memory_space<hbm>>
    tpu.wait_indirect_dma semaphore(%arg11 : memref<!tpu.dma_semaphore, #tpu.memory_space<semaphore_mem>>) src(%dma_wait3A_457 : memref<8192x128xf32, #tpu.memory_space<hbm>>) dst(%arg7 : memref<128x128xf32, #tpu.memory_space<vmem>>)
    %dma_start3A_458 = arith.constant 0 : i32
    %dma_start3A_459 = arith.constant 0 : i32
    %dma_start3A_460 = tpu.memref_slice %arg4[%add3A, %dma_start3A_458, %dma_start3A_459] : memref<32x4096x128xf32, #tpu.memory_space<hbm>> -> memref<1x4096x128xf32, #tpu.memory_space<hbm>>
    %dma_start3A_461 = tpu.memref_squeeze %dma_start3A_460 : memref<1x4096x128xf32, #tpu.memory_space<hbm>> -> memref<4096x128xf32, #tpu.memory_space<hbm>>
    %dma_start3A_462 = arith.constant 1152 : i32
    %dma_start3A_463 = arith.constant 0 : i32
    %dma_start3A_464 = tpu.memref_slice %dma_start3A_461[%dma_start3A_462, %dma_start3A_463] : memref<4096x128xf32, #tpu.memory_space<hbm>> -> memref<128x128xf32, #tpu.memory_space<hbm>>
    %dma_start3A_465 = arith.constant 0 : i32
    %dma_start3A_466 = arith.constant 0 : i32
    %dma_start3A_467 = tpu.memref_slice %arg4[%add3A, %dma_start3A_465, %dma_start3A_466] : memref<32x4096x128xf32, #tpu.memory_space<hbm>> -> memref<1x4096x128xf32, #tpu.memory_space<hbm>>
    %dma_start3A_468 = tpu.memref_squeeze %dma_start3A_467 : memref<1x4096x128xf32, #tpu.memory_space<hbm>> -> memref<4096x128xf32, #tpu.memory_space<hbm>>
    %dma_start3A_469 = arith.constant 1152 : i32
    %dma_start3A_470 = arith.constant 0 : i32
    %dma_start3A_471 = tpu.memref_slice %dma_start3A_468[%dma_start3A_469, %dma_start3A_470] : memref<4096x128xf32, #tpu.memory_space<hbm>> -> memref<128x128xf32, #tpu.memory_space<hbm>>
    tpu.enqueue_dma source(%arg7 : memref<128x128xf32, #tpu.memory_space<vmem>>) target(%dma_start3A_471 : memref<128x128xf32, #tpu.memory_space<hbm>>) target_semaphore(%arg15 : memref<!tpu.dma_semaphore, #tpu.memory_space<semaphore_mem>>)
    %dma_wait3A_472 = arith.constant 0 : i32
    %dma_wait3A_473 = arith.constant 0 : i32
    %dma_wait3A_474 = tpu.memref_slice %arg4[%add3A, %dma_wait3A_472, %dma_wait3A_473] : memref<32x4096x128xf32, #tpu.memory_space<hbm>> -> memref<1x4096x128xf32, #tpu.memory_space<hbm>>
    %dma_wait3A_475 = tpu.memref_squeeze %dma_wait3A_474 : memref<1x4096x128xf32, #tpu.memory_space<hbm>> -> memref<4096x128xf32, #tpu.memory_space<hbm>>
    %dma_wait3A_476 = arith.constant 1152 : i32
    %dma_wait3A_477 = arith.constant 0 : i32
    %dma_wait3A_478 = tpu.memref_slice %dma_wait3A_475[%dma_wait3A_476, %dma_wait3A_477] : memref<4096x128xf32, #tpu.memory_space<hbm>> -> memref<128x128xf32, #tpu.memory_space<hbm>>
    %dma_wait3A_479 = arith.constant 0 : i32
    %dma_wait3A_480 = arith.constant 0 : i32
    %dma_wait3A_481 = tpu.memref_slice %arg4[%add3A, %dma_wait3A_479, %dma_wait3A_480] : memref<32x4096x128xf32, #tpu.memory_space<hbm>> -> memref<1x4096x128xf32, #tpu.memory_space<hbm>>
    %dma_wait3A_482 = tpu.memref_squeeze %dma_wait3A_481 : memref<1x4096x128xf32, #tpu.memory_space<hbm>> -> memref<4096x128xf32, #tpu.memory_space<hbm>>
    %dma_wait3A_483 = arith.constant 1152 : i32
    %dma_wait3A_484 = arith.constant 0 : i32
    %dma_wait3A_485 = tpu.memref_slice %dma_wait3A_482[%dma_wait3A_483, %dma_wait3A_484] : memref<4096x128xf32, #tpu.memory_space<hbm>> -> memref<128x128xf32, #tpu.memory_space<hbm>>
    tpu.wait_dma2 semaphore(%arg15 : memref<!tpu.dma_semaphore, #tpu.memory_space<semaphore_mem>>) src(%arg7 : memref<128x128xf32, #tpu.memory_space<vmem>>) dst(%dma_wait3A_485 : memref<128x128xf32, #tpu.memory_space<hbm>>)
    %dma_start3A_486 = arith.constant 1664 : i32
    %dma_start3A_487 = tpu.memref_slice %arg5[%dma_start3A_486] : memref<4096xi32, #tpu.memory_space<vmem>> -> memref<128xi32, #tpu.memory_space<vmem>>
    %dma_start3A_488 = arith.constant 0 : i32
    %dma_start3A_489 = arith.constant 0 : i32
    %dma_start3A_490 = tpu.memref_slice %arg2[%add3A, %dma_start3A_488, %dma_start3A_489] : memref<32x8192x128xf32, #tpu.memory_space<hbm>> -> memref<1x8192x128xf32, #tpu.memory_space<hbm>>
    %dma_start3A_491 = tpu.memref_squeeze %dma_start3A_490 : memref<1x8192x128xf32, #tpu.memory_space<hbm>> -> memref<8192x128xf32, #tpu.memory_space<hbm>>
    %dma_start3A_492 = arith.constant 0 : i32
    %dma_start3A_493 = arith.constant 0 : i32
    %dma_start3A_494 = tpu.memref_slice %dma_start3A_491[%dma_start3A_492, %dma_start3A_493] : memref<8192x128xf32, #tpu.memory_space<hbm>> -> memref<8192x128xf32, #tpu.memory_space<hbm>>
    tpu.enqueue_indirect_dma source(%dma_start3A_494 : memref<8192x128xf32, #tpu.memory_space<hbm>>) target(%arg7 : memref<128x128xf32, #tpu.memory_space<vmem>>) offsets(%dma_start3A_487 : memref<128xi32, #tpu.memory_space<vmem>>) semaphore(%arg11 : memref<!tpu.dma_semaphore, #tpu.memory_space<semaphore_mem>>)
    %dma_wait3A_495 = arith.constant 1280 : i32
    %dma_wait3A_496 = tpu.memref_slice %arg5[%dma_wait3A_495] : memref<4096xi32, #tpu.memory_space<vmem>> -> memref<128xi32, #tpu.memory_space<vmem>>
    %dma_wait3A_497 = arith.constant 0 : i32
    %dma_wait3A_498 = arith.constant 0 : i32
    %dma_wait3A_499 = tpu.memref_slice %arg2[%add3A, %dma_wait3A_497, %dma_wait3A_498] : memref<32x8192x128xf32, #tpu.memory_space<hbm>> -> memref<1x8192x128xf32, #tpu.memory_space<hbm>>
    %dma_wait3A_500 = tpu.memref_squeeze %dma_wait3A_499 : memref<1x8192x128xf32, #tpu.memory_space<hbm>> -> memref<8192x128xf32, #tpu.memory_space<hbm>>
    %dma_wait3A_501 = arith.constant 0 : i32
    %dma_wait3A_502 = arith.constant 0 : i32
    %dma_wait3A_503 = tpu.memref_slice %dma_wait3A_500[%dma_wait3A_501, %dma_wait3A_502] : memref<8192x128xf32, #tpu.memory_space<hbm>> -> memref<8192x128xf32, #tpu.memory_space<hbm>>
    tpu.wait_indirect_dma semaphore(%arg12 : memref<!tpu.dma_semaphore, #tpu.memory_space<semaphore_mem>>) src(%dma_wait3A_503 : memref<8192x128xf32, #tpu.memory_space<hbm>>) dst(%arg8 : memref<128x128xf32, #tpu.memory_space<vmem>>)
    %dma_start3A_504 = arith.constant 0 : i32
    %dma_start3A_505 = arith.constant 0 : i32
    %dma_start3A_506 = tpu.memref_slice %arg4[%add3A, %dma_start3A_504, %dma_start3A_505] : memref<32x4096x128xf32, #tpu.memory_space<hbm>> -> memref<1x4096x128xf32, #tpu.memory_space<hbm>>
    %dma_start3A_507 = tpu.memref_squeeze %dma_start3A_506 : memref<1x4096x128xf32, #tpu.memory_space<hbm>> -> memref<4096x128xf32, #tpu.memory_space<hbm>>
    %dma_start3A_508 = arith.constant 1280 : i32
    %dma_start3A_509 = arith.constant 0 : i32
    %dma_start3A_510 = tpu.memref_slice %dma_start3A_507[%dma_start3A_508, %dma_start3A_509] : memref<4096x128xf32, #tpu.memory_space<hbm>> -> memref<128x128xf32, #tpu.memory_space<hbm>>
    %dma_start3A_511 = arith.constant 0 : i32
    %dma_start3A_512 = arith.constant 0 : i32
    %dma_start3A_513 = tpu.memref_slice %arg4[%add3A, %dma_start3A_511, %dma_start3A_512] : memref<32x4096x128xf32, #tpu.memory_space<hbm>> -> memref<1x4096x128xf32, #tpu.memory_space<hbm>>
    %dma_start3A_514 = tpu.memref_squeeze %dma_start3A_513 : memref<1x4096x128xf32, #tpu.memory_space<hbm>> -> memref<4096x128xf32, #tpu.memory_space<hbm>>
    %dma_start3A_515 = arith.constant 1280 : i32
    %dma_start3A_516 = arith.constant 0 : i32
    %dma_start3A_517 = tpu.memref_slice %dma_start3A_514[%dma_start3A_515, %dma_start3A_516] : memref<4096x128xf32, #tpu.memory_space<hbm>> -> memref<128x128xf32, #tpu.memory_space<hbm>>
    tpu.enqueue_dma source(%arg8 : memref<128x128xf32, #tpu.memory_space<vmem>>) target(%dma_start3A_517 : memref<128x128xf32, #tpu.memory_space<hbm>>) target_semaphore(%arg16 : memref<!tpu.dma_semaphore, #tpu.memory_space<semaphore_mem>>)
    %dma_wait3A_518 = arith.constant 0 : i32
    %dma_wait3A_519 = arith.constant 0 : i32
    %dma_wait3A_520 = tpu.memref_slice %arg4[%add3A, %dma_wait3A_518, %dma_wait3A_519] : memref<32x4096x128xf32, #tpu.memory_space<hbm>> -> memref<1x4096x128xf32, #tpu.memory_space<hbm>>
    %dma_wait3A_521 = tpu.memref_squeeze %dma_wait3A_520 : memref<1x4096x128xf32, #tpu.memory_space<hbm>> -> memref<4096x128xf32, #tpu.memory_space<hbm>>
    %dma_wait3A_522 = arith.constant 1280 : i32
    %dma_wait3A_523 = arith.constant 0 : i32
    %dma_wait3A_524 = tpu.memref_slice %dma_wait3A_521[%dma_wait3A_522, %dma_wait3A_523] : memref<4096x128xf32, #tpu.memory_space<hbm>> -> memref<128x128xf32, #tpu.memory_space<hbm>>
    %dma_wait3A_525 = arith.constant 0 : i32
    %dma_wait3A_526 = arith.constant 0 : i32
    %dma_wait3A_527 = tpu.memref_slice %arg4[%add3A, %dma_wait3A_525, %dma_wait3A_526] : memref<32x4096x128xf32, #tpu.memory_space<hbm>> -> memref<1x4096x128xf32, #tpu.memory_space<hbm>>
    %dma_wait3A_528 = tpu.memref_squeeze %dma_wait3A_527 : memref<1x4096x128xf32, #tpu.memory_space<hbm>> -> memref<4096x128xf32, #tpu.memory_space<hbm>>
    %dma_wait3A_529 = arith.constant 1280 : i32
    %dma_wait3A_530 = arith.constant 0 : i32
    %dma_wait3A_531 = tpu.memref_slice %dma_wait3A_528[%dma_wait3A_529, %dma_wait3A_530] : memref<4096x128xf32, #tpu.memory_space<hbm>> -> memref<128x128xf32, #tpu.memory_space<hbm>>
    tpu.wait_dma2 semaphore(%arg16 : memref<!tpu.dma_semaphore, #tpu.memory_space<semaphore_mem>>) src(%arg8 : memref<128x128xf32, #tpu.memory_space<vmem>>) dst(%dma_wait3A_531 : memref<128x128xf32, #tpu.memory_space<hbm>>)
    %dma_start3A_532 = arith.constant 1792 : i32
    %dma_start3A_533 = tpu.memref_slice %arg5[%dma_start3A_532] : memref<4096xi32, #tpu.memory_space<vmem>> -> memref<128xi32, #tpu.memory_space<vmem>>
    %dma_start3A_534 = arith.constant 0 : i32
    %dma_start3A_535 = arith.constant 0 : i32
    %dma_start3A_536 = tpu.memref_slice %arg2[%add3A, %dma_start3A_534, %dma_start3A_535] : memref<32x8192x128xf32, #tpu.memory_space<hbm>> -> memref<1x8192x128xf32, #tpu.memory_space<hbm>>
    %dma_start3A_537 = tpu.memref_squeeze %dma_start3A_536 : memref<1x8192x128xf32, #tpu.memory_space<hbm>> -> memref<8192x128xf32, #tpu.memory_space<hbm>>
    %dma_start3A_538 = arith.constant 0 : i32
    %dma_start3A_539 = arith.constant 0 : i32
    %dma_start3A_540 = tpu.memref_slice %dma_start3A_537[%dma_start3A_538, %dma_start3A_539] : memref<8192x128xf32, #tpu.memory_space<hbm>> -> memref<8192x128xf32, #tpu.memory_space<hbm>>
    tpu.enqueue_indirect_dma source(%dma_start3A_540 : memref<8192x128xf32, #tpu.memory_space<hbm>>) target(%arg8 : memref<128x128xf32, #tpu.memory_space<vmem>>) offsets(%dma_start3A_533 : memref<128xi32, #tpu.memory_space<vmem>>) semaphore(%arg12 : memref<!tpu.dma_semaphore, #tpu.memory_space<semaphore_mem>>)
    %dma_wait3A_541 = arith.constant 1408 : i32
    %dma_wait3A_542 = tpu.memref_slice %arg5[%dma_wait3A_541] : memref<4096xi32, #tpu.memory_space<vmem>> -> memref<128xi32, #tpu.memory_space<vmem>>
    %dma_wait3A_543 = arith.constant 0 : i32
    %dma_wait3A_544 = arith.constant 0 : i32
    %dma_wait3A_545 = tpu.memref_slice %arg2[%add3A, %dma_wait3A_543, %dma_wait3A_544] : memref<32x8192x128xf32, #tpu.memory_space<hbm>> -> memref<1x8192x128xf32, #tpu.memory_space<hbm>>
    %dma_wait3A_546 = tpu.memref_squeeze %dma_wait3A_545 : memref<1x8192x128xf32, #tpu.memory_space<hbm>> -> memref<8192x128xf32, #tpu.memory_space<hbm>>
    %dma_wait3A_547 = arith.constant 0 : i32
    %dma_wait3A_548 = arith.constant 0 : i32
    %dma_wait3A_549 = tpu.memref_slice %dma_wait3A_546[%dma_wait3A_547, %dma_wait3A_548] : memref<8192x128xf32, #tpu.memory_space<hbm>> -> memref<8192x128xf32, #tpu.memory_space<hbm>>
    tpu.wait_indirect_dma semaphore(%arg13 : memref<!tpu.dma_semaphore, #tpu.memory_space<semaphore_mem>>) src(%dma_wait3A_549 : memref<8192x128xf32, #tpu.memory_space<hbm>>) dst(%arg9 : memref<128x128xf32, #tpu.memory_space<vmem>>)
    %dma_start3A_550 = arith.constant 0 : i32
    %dma_start3A_551 = arith.constant 0 : i32
    %dma_start3A_552 = tpu.memref_slice %arg4[%add3A, %dma_start3A_550, %dma_start3A_551] : memref<32x4096x128xf32, #tpu.memory_space<hbm>> -> memref<1x4096x128xf32, #tpu.memory_space<hbm>>
    %dma_start3A_553 = tpu.memref_squeeze %dma_start3A_552 : memref<1x4096x128xf32, #tpu.memory_space<hbm>> -> memref<4096x128xf32, #tpu.memory_space<hbm>>
    %dma_start3A_554 = arith.constant 1408 : i32
    %dma_start3A_555 = arith.constant 0 : i32
    %dma_start3A_556 = tpu.memref_slice %dma_start3A_553[%dma_start3A_554, %dma_start3A_555] : memref<4096x128xf32, #tpu.memory_space<hbm>> -> memref<128x128xf32, #tpu.memory_space<hbm>>
    %dma_start3A_557 = arith.constant 0 : i32
    %dma_start3A_558 = arith.constant 0 : i32
    %dma_start3A_559 = tpu.memref_slice %arg4[%add3A, %dma_start3A_557, %dma_start3A_558] : memref<32x4096x128xf32, #tpu.memory_space<hbm>> -> memref<1x4096x128xf32, #tpu.memory_space<hbm>>
    %dma_start3A_560 = tpu.memref_squeeze %dma_start3A_559 : memref<1x4096x128xf32, #tpu.memory_space<hbm>> -> memref<4096x128xf32, #tpu.memory_space<hbm>>
    %dma_start3A_561 = arith.constant 1408 : i32
    %dma_start3A_562 = arith.constant 0 : i32
    %dma_start3A_563 = tpu.memref_slice %dma_start3A_560[%dma_start3A_561, %dma_start3A_562] : memref<4096x128xf32, #tpu.memory_space<hbm>> -> memref<128x128xf32, #tpu.memory_space<hbm>>
    tpu.enqueue_dma source(%arg9 : memref<128x128xf32, #tpu.memory_space<vmem>>) target(%dma_start3A_563 : memref<128x128xf32, #tpu.memory_space<hbm>>) target_semaphore(%arg17 : memref<!tpu.dma_semaphore, #tpu.memory_space<semaphore_mem>>)
    %dma_wait3A_564 = arith.constant 0 : i32
    %dma_wait3A_565 = arith.constant 0 : i32
    %dma_wait3A_566 = tpu.memref_slice %arg4[%add3A, %dma_wait3A_564, %dma_wait3A_565] : memref<32x4096x128xf32, #tpu.memory_space<hbm>> -> memref<1x4096x128xf32, #tpu.memory_space<hbm>>
    %dma_wait3A_567 = tpu.memref_squeeze %dma_wait3A_566 : memref<1x4096x128xf32, #tpu.memory_space<hbm>> -> memref<4096x128xf32, #tpu.memory_space<hbm>>
    %dma_wait3A_568 = arith.constant 1408 : i32
    %dma_wait3A_569 = arith.constant 0 : i32
    %dma_wait3A_570 = tpu.memref_slice %dma_wait3A_567[%dma_wait3A_568, %dma_wait3A_569] : memref<4096x128xf32, #tpu.memory_space<hbm>> -> memref<128x128xf32, #tpu.memory_space<hbm>>
    %dma_wait3A_571 = arith.constant 0 : i32
    %dma_wait3A_572 = arith.constant 0 : i32
    %dma_wait3A_573 = tpu.memref_slice %arg4[%add3A, %dma_wait3A_571, %dma_wait3A_572] : memref<32x4096x128xf32, #tpu.memory_space<hbm>> -> memref<1x4096x128xf32, #tpu.memory_space<hbm>>
    %dma_wait3A_574 = tpu.memref_squeeze %dma_wait3A_573 : memref<1x4096x128xf32, #tpu.memory_space<hbm>> -> memref<4096x128xf32, #tpu.memory_space<hbm>>
    %dma_wait3A_575 = arith.constant 1408 : i32
    %dma_wait3A_576 = arith.constant 0 : i32
    %dma_wait3A_577 = tpu.memref_slice %dma_wait3A_574[%dma_wait3A_575, %dma_wait3A_576] : memref<4096x128xf32, #tpu.memory_space<hbm>> -> memref<128x128xf32, #tpu.memory_space<hbm>>
    tpu.wait_dma2 semaphore(%arg17 : memref<!tpu.dma_semaphore, #tpu.memory_space<semaphore_mem>>) src(%arg9 : memref<128x128xf32, #tpu.memory_space<vmem>>) dst(%dma_wait3A_577 : memref<128x128xf32, #tpu.memory_space<hbm>>)
    %dma_start3A_578 = arith.constant 1920 : i32
    %dma_start3A_579 = tpu.memref_slice %arg5[%dma_start3A_578] : memref<4096xi32, #tpu.memory_space<vmem>> -> memref<128xi32, #tpu.memory_space<vmem>>
    %dma_start3A_580 = arith.constant 0 : i32
    %dma_start3A_581 = arith.constant 0 : i32
    %dma_start3A_582 = tpu.memref_slice %arg2[%add3A, %dma_start3A_580, %dma_start3A_581] : memref<32x8192x128xf32, #tpu.memory_space<hbm>> -> memref<1x8192x128xf32, #tpu.memory_space<hbm>>
    %dma_start3A_583 = tpu.memref_squeeze %dma_start3A_582 : memref<1x8192x128xf32, #tpu.memory_space<hbm>> -> memref<8192x128xf32, #tpu.memory_space<hbm>>
    %dma_start3A_584 = arith.constant 0 : i32
    %dma_start3A_585 = arith.constant 0 : i32
    %dma_start3A_586 = tpu.memref_slice %dma_start3A_583[%dma_start3A_584, %dma_start3A_585] : memref<8192x128xf32, #tpu.memory_space<hbm>> -> memref<8192x128xf32, #tpu.memory_space<hbm>>
    tpu.enqueue_indirect_dma source(%dma_start3A_586 : memref<8192x128xf32, #tpu.memory_space<hbm>>) target(%arg9 : memref<128x128xf32, #tpu.memory_space<vmem>>) offsets(%dma_start3A_579 : memref<128xi32, #tpu.memory_space<vmem>>) semaphore(%arg13 : memref<!tpu.dma_semaphore, #tpu.memory_space<semaphore_mem>>)
    %dma_wait3A_587 = arith.constant 1536 : i32
    %dma_wait3A_588 = tpu.memref_slice %arg5[%dma_wait3A_587] : memref<4096xi32, #tpu.memory_space<vmem>> -> memref<128xi32, #tpu.memory_space<vmem>>
    %dma_wait3A_589 = arith.constant 0 : i32
    %dma_wait3A_590 = arith.constant 0 : i32
    %dma_wait3A_591 = tpu.memref_slice %arg2[%add3A, %dma_wait3A_589, %dma_wait3A_590] : memref<32x8192x128xf32, #tpu.memory_space<hbm>> -> memref<1x8192x128xf32, #tpu.memory_space<hbm>>
    %dma_wait3A_592 = tpu.memref_squeeze %dma_wait3A_591 : memref<1x8192x128xf32, #tpu.memory_space<hbm>> -> memref<8192x128xf32, #tpu.memory_space<hbm>>
    %dma_wait3A_593 = arith.constant 0 : i32
    %dma_wait3A_594 = arith.constant 0 : i32
    %dma_wait3A_595 = tpu.memref_slice %dma_wait3A_592[%dma_wait3A_593, %dma_wait3A_594] : memref<8192x128xf32, #tpu.memory_space<hbm>> -> memref<8192x128xf32, #tpu.memory_space<hbm>>
    tpu.wait_indirect_dma semaphore(%arg10 : memref<!tpu.dma_semaphore, #tpu.memory_space<semaphore_mem>>) src(%dma_wait3A_595 : memref<8192x128xf32, #tpu.memory_space<hbm>>) dst(%arg6 : memref<128x128xf32, #tpu.memory_space<vmem>>)
    %dma_start3A_596 = arith.constant 0 : i32
    %dma_start3A_597 = arith.constant 0 : i32
    %dma_start3A_598 = tpu.memref_slice %arg4[%add3A, %dma_start3A_596, %dma_start3A_597] : memref<32x4096x128xf32, #tpu.memory_space<hbm>> -> memref<1x4096x128xf32, #tpu.memory_space<hbm>>
    %dma_start3A_599 = tpu.memref_squeeze %dma_start3A_598 : memref<1x4096x128xf32, #tpu.memory_space<hbm>> -> memref<4096x128xf32, #tpu.memory_space<hbm>>
    %dma_start3A_600 = arith.constant 1536 : i32
    %dma_start3A_601 = arith.constant 0 : i32
    %dma_start3A_602 = tpu.memref_slice %dma_start3A_599[%dma_start3A_600, %dma_start3A_601] : memref<4096x128xf32, #tpu.memory_space<hbm>> -> memref<128x128xf32, #tpu.memory_space<hbm>>
    %dma_start3A_603 = arith.constant 0 : i32
    %dma_start3A_604 = arith.constant 0 : i32
    %dma_start3A_605 = tpu.memref_slice %arg4[%add3A, %dma_start3A_603, %dma_start3A_604] : memref<32x4096x128xf32, #tpu.memory_space<hbm>> -> memref<1x4096x128xf32, #tpu.memory_space<hbm>>
    %dma_start3A_606 = tpu.memref_squeeze %dma_start3A_605 : memref<1x4096x128xf32, #tpu.memory_space<hbm>> -> memref<4096x128xf32, #tpu.memory_space<hbm>>
    %dma_start3A_607 = arith.constant 1536 : i32
    %dma_start3A_608 = arith.constant 0 : i32
    %dma_start3A_609 = tpu.memref_slice %dma_start3A_606[%dma_start3A_607, %dma_start3A_608] : memref<4096x128xf32, #tpu.memory_space<hbm>> -> memref<128x128xf32, #tpu.memory_space<hbm>>
    tpu.enqueue_dma source(%arg6 : memref<128x128xf32, #tpu.memory_space<vmem>>) target(%dma_start3A_609 : memref<128x128xf32, #tpu.memory_space<hbm>>) target_semaphore(%arg14 : memref<!tpu.dma_semaphore, #tpu.memory_space<semaphore_mem>>)
    %dma_wait3A_610 = arith.constant 0 : i32
    %dma_wait3A_611 = arith.constant 0 : i32
    %dma_wait3A_612 = tpu.memref_slice %arg4[%add3A, %dma_wait3A_610, %dma_wait3A_611] : memref<32x4096x128xf32, #tpu.memory_space<hbm>> -> memref<1x4096x128xf32, #tpu.memory_space<hbm>>
    %dma_wait3A_613 = tpu.memref_squeeze %dma_wait3A_612 : memref<1x4096x128xf32, #tpu.memory_space<hbm>> -> memref<4096x128xf32, #tpu.memory_space<hbm>>
    %dma_wait3A_614 = arith.constant 1536 : i32
    %dma_wait3A_615 = arith.constant 0 : i32
    %dma_wait3A_616 = tpu.memref_slice %dma_wait3A_613[%dma_wait3A_614, %dma_wait3A_615] : memref<4096x128xf32, #tpu.memory_space<hbm>> -> memref<128x128xf32, #tpu.memory_space<hbm>>
    %dma_wait3A_617 = arith.constant 0 : i32
    %dma_wait3A_618 = arith.constant 0 : i32
    %dma_wait3A_619 = tpu.memref_slice %arg4[%add3A, %dma_wait3A_617, %dma_wait3A_618] : memref<32x4096x128xf32, #tpu.memory_space<hbm>> -> memref<1x4096x128xf32, #tpu.memory_space<hbm>>
    %dma_wait3A_620 = tpu.memref_squeeze %dma_wait3A_619 : memref<1x4096x128xf32, #tpu.memory_space<hbm>> -> memref<4096x128xf32, #tpu.memory_space<hbm>>
    %dma_wait3A_621 = arith.constant 1536 : i32
    %dma_wait3A_622 = arith.constant 0 : i32
    %dma_wait3A_623 = tpu.memref_slice %dma_wait3A_620[%dma_wait3A_621, %dma_wait3A_622] : memref<4096x128xf32, #tpu.memory_space<hbm>> -> memref<128x128xf32, #tpu.memory_space<hbm>>
    tpu.wait_dma2 semaphore(%arg14 : memref<!tpu.dma_semaphore, #tpu.memory_space<semaphore_mem>>) src(%arg6 : memref<128x128xf32, #tpu.memory_space<vmem>>) dst(%dma_wait3A_623 : memref<128x128xf32, #tpu.memory_space<hbm>>)
    %dma_start3A_624 = arith.constant 2048 : i32
    %dma_start3A_625 = tpu.memref_slice %arg5[%dma_start3A_624] : memref<4096xi32, #tpu.memory_space<vmem>> -> memref<128xi32, #tpu.memory_space<vmem>>
    %dma_start3A_626 = arith.constant 0 : i32
    %dma_start3A_627 = arith.constant 0 : i32
    %dma_start3A_628 = tpu.memref_slice %arg2[%add3A, %dma_start3A_626, %dma_start3A_627] : memref<32x8192x128xf32, #tpu.memory_space<hbm>> -> memref<1x8192x128xf32, #tpu.memory_space<hbm>>
    %dma_start3A_629 = tpu.memref_squeeze %dma_start3A_628 : memref<1x8192x128xf32, #tpu.memory_space<hbm>> -> memref<8192x128xf32, #tpu.memory_space<hbm>>
    %dma_start3A_630 = arith.constant 0 : i32
    %dma_start3A_631 = arith.constant 0 : i32
    %dma_start3A_632 = tpu.memref_slice %dma_start3A_629[%dma_start3A_630, %dma_start3A_631] : memref<8192x128xf32, #tpu.memory_space<hbm>> -> memref<8192x128xf32, #tpu.memory_space<hbm>>
    tpu.enqueue_indirect_dma source(%dma_start3A_632 : memref<8192x128xf32, #tpu.memory_space<hbm>>) target(%arg6 : memref<128x128xf32, #tpu.memory_space<vmem>>) offsets(%dma_start3A_625 : memref<128xi32, #tpu.memory_space<vmem>>) semaphore(%arg10 : memref<!tpu.dma_semaphore, #tpu.memory_space<semaphore_mem>>)
    %dma_wait3A_633 = arith.constant 1664 : i32
    %dma_wait3A_634 = tpu.memref_slice %arg5[%dma_wait3A_633] : memref<4096xi32, #tpu.memory_space<vmem>> -> memref<128xi32, #tpu.memory_space<vmem>>
    %dma_wait3A_635 = arith.constant 0 : i32
    %dma_wait3A_636 = arith.constant 0 : i32
    %dma_wait3A_637 = tpu.memref_slice %arg2[%add3A, %dma_wait3A_635, %dma_wait3A_636] : memref<32x8192x128xf32, #tpu.memory_space<hbm>> -> memref<1x8192x128xf32, #tpu.memory_space<hbm>>
    %dma_wait3A_638 = tpu.memref_squeeze %dma_wait3A_637 : memref<1x8192x128xf32, #tpu.memory_space<hbm>> -> memref<8192x128xf32, #tpu.memory_space<hbm>>
    %dma_wait3A_639 = arith.constant 0 : i32
    %dma_wait3A_640 = arith.constant 0 : i32
    %dma_wait3A_641 = tpu.memref_slice %dma_wait3A_638[%dma_wait3A_639, %dma_wait3A_640] : memref<8192x128xf32, #tpu.memory_space<hbm>> -> memref<8192x128xf32, #tpu.memory_space<hbm>>
    tpu.wait_indirect_dma semaphore(%arg11 : memref<!tpu.dma_semaphore, #tpu.memory_space<semaphore_mem>>) src(%dma_wait3A_641 : memref<8192x128xf32, #tpu.memory_space<hbm>>) dst(%arg7 : memref<128x128xf32, #tpu.memory_space<vmem>>)
    %dma_start3A_642 = arith.constant 0 : i32
    %dma_start3A_643 = arith.constant 0 : i32
    %dma_start3A_644 = tpu.memref_slice %arg4[%add3A, %dma_start3A_642, %dma_start3A_643] : memref<32x4096x128xf32, #tpu.memory_space<hbm>> -> memref<1x4096x128xf32, #tpu.memory_space<hbm>>
    %dma_start3A_645 = tpu.memref_squeeze %dma_start3A_644 : memref<1x4096x128xf32, #tpu.memory_space<hbm>> -> memref<4096x128xf32, #tpu.memory_space<hbm>>
    %dma_start3A_646 = arith.constant 1664 : i32
    %dma_start3A_647 = arith.constant 0 : i32
    %dma_start3A_648 = tpu.memref_slice %dma_start3A_645[%dma_start3A_646, %dma_start3A_647] : memref<4096x128xf32, #tpu.memory_space<hbm>> -> memref<128x128xf32, #tpu.memory_space<hbm>>
    %dma_start3A_649 = arith.constant 0 : i32
    %dma_start3A_650 = arith.constant 0 : i32
    %dma_start3A_651 = tpu.memref_slice %arg4[%add3A, %dma_start3A_649, %dma_start3A_650] : memref<32x4096x128xf32, #tpu.memory_space<hbm>> -> memref<1x4096x128xf32, #tpu.memory_space<hbm>>
    %dma_start3A_652 = tpu.memref_squeeze %dma_start3A_651 : memref<1x4096x128xf32, #tpu.memory_space<hbm>> -> memref<4096x128xf32, #tpu.memory_space<hbm>>
    %dma_start3A_653 = arith.constant 1664 : i32
    %dma_start3A_654 = arith.constant 0 : i32
    %dma_start3A_655 = tpu.memref_slice %dma_start3A_652[%dma_start3A_653, %dma_start3A_654] : memref<4096x128xf32, #tpu.memory_space<hbm>> -> memref<128x128xf32, #tpu.memory_space<hbm>>
    tpu.enqueue_dma source(%arg7 : memref<128x128xf32, #tpu.memory_space<vmem>>) target(%dma_start3A_655 : memref<128x128xf32, #tpu.memory_space<hbm>>) target_semaphore(%arg15 : memref<!tpu.dma_semaphore, #tpu.memory_space<semaphore_mem>>)
    %dma_wait3A_656 = arith.constant 0 : i32
    %dma_wait3A_657 = arith.constant 0 : i32
    %dma_wait3A_658 = tpu.memref_slice %arg4[%add3A, %dma_wait3A_656, %dma_wait3A_657] : memref<32x4096x128xf32, #tpu.memory_space<hbm>> -> memref<1x4096x128xf32, #tpu.memory_space<hbm>>
    %dma_wait3A_659 = tpu.memref_squeeze %dma_wait3A_658 : memref<1x4096x128xf32, #tpu.memory_space<hbm>> -> memref<4096x128xf32, #tpu.memory_space<hbm>>
    %dma_wait3A_660 = arith.constant 1664 : i32
    %dma_wait3A_661 = arith.constant 0 : i32
    %dma_wait3A_662 = tpu.memref_slice %dma_wait3A_659[%dma_wait3A_660, %dma_wait3A_661] : memref<4096x128xf32, #tpu.memory_space<hbm>> -> memref<128x128xf32, #tpu.memory_space<hbm>>
    %dma_wait3A_663 = arith.constant 0 : i32
    %dma_wait3A_664 = arith.constant 0 : i32
    %dma_wait3A_665 = tpu.memref_slice %arg4[%add3A, %dma_wait3A_663, %dma_wait3A_664] : memref<32x4096x128xf32, #tpu.memory_space<hbm>> -> memref<1x4096x128xf32, #tpu.memory_space<hbm>>
    %dma_wait3A_666 = tpu.memref_squeeze %dma_wait3A_665 : memref<1x4096x128xf32, #tpu.memory_space<hbm>> -> memref<4096x128xf32, #tpu.memory_space<hbm>>
    %dma_wait3A_667 = arith.constant 1664 : i32
    %dma_wait3A_668 = arith.constant 0 : i32
    %dma_wait3A_669 = tpu.memref_slice %dma_wait3A_666[%dma_wait3A_667, %dma_wait3A_668] : memref<4096x128xf32, #tpu.memory_space<hbm>> -> memref<128x128xf32, #tpu.memory_space<hbm>>
    tpu.wait_dma2 semaphore(%arg15 : memref<!tpu.dma_semaphore, #tpu.memory_space<semaphore_mem>>) src(%arg7 : memref<128x128xf32, #tpu.memory_space<vmem>>) dst(%dma_wait3A_669 : memref<128x128xf32, #tpu.memory_space<hbm>>)
    %dma_start3A_670 = arith.constant 2176 : i32
    %dma_start3A_671 = tpu.memref_slice %arg5[%dma_start3A_670] : memref<4096xi32, #tpu.memory_space<vmem>> -> memref<128xi32, #tpu.memory_space<vmem>>
    %dma_start3A_672 = arith.constant 0 : i32
    %dma_start3A_673 = arith.constant 0 : i32
    %dma_start3A_674 = tpu.memref_slice %arg2[%add3A, %dma_start3A_672, %dma_start3A_673] : memref<32x8192x128xf32, #tpu.memory_space<hbm>> -> memref<1x8192x128xf32, #tpu.memory_space<hbm>>
    %dma_start3A_675 = tpu.memref_squeeze %dma_start3A_674 : memref<1x8192x128xf32, #tpu.memory_space<hbm>> -> memref<8192x128xf32, #tpu.memory_space<hbm>>
    %dma_start3A_676 = arith.constant 0 : i32
    %dma_start3A_677 = arith.constant 0 : i32
    %dma_start3A_678 = tpu.memref_slice %dma_start3A_675[%dma_start3A_676, %dma_start3A_677] : memref<8192x128xf32, #tpu.memory_space<hbm>> -> memref<8192x128xf32, #tpu.memory_space<hbm>>
    tpu.enqueue_indirect_dma source(%dma_start3A_678 : memref<8192x128xf32, #tpu.memory_space<hbm>>) target(%arg7 : memref<128x128xf32, #tpu.memory_space<vmem>>) offsets(%dma_start3A_671 : memref<128xi32, #tpu.memory_space<vmem>>) semaphore(%arg11 : memref<!tpu.dma_semaphore, #tpu.memory_space<semaphore_mem>>)
    %dma_wait3A_679 = arith.constant 1792 : i32
    %dma_wait3A_680 = tpu.memref_slice %arg5[%dma_wait3A_679] : memref<4096xi32, #tpu.memory_space<vmem>> -> memref<128xi32, #tpu.memory_space<vmem>>
    %dma_wait3A_681 = arith.constant 0 : i32
    %dma_wait3A_682 = arith.constant 0 : i32
    %dma_wait3A_683 = tpu.memref_slice %arg2[%add3A, %dma_wait3A_681, %dma_wait3A_682] : memref<32x8192x128xf32, #tpu.memory_space<hbm>> -> memref<1x8192x128xf32, #tpu.memory_space<hbm>>
    %dma_wait3A_684 = tpu.memref_squeeze %dma_wait3A_683 : memref<1x8192x128xf32, #tpu.memory_space<hbm>> -> memref<8192x128xf32, #tpu.memory_space<hbm>>
    %dma_wait3A_685 = arith.constant 0 : i32
    %dma_wait3A_686 = arith.constant 0 : i32
    %dma_wait3A_687 = tpu.memref_slice %dma_wait3A_684[%dma_wait3A_685, %dma_wait3A_686] : memref<8192x128xf32, #tpu.memory_space<hbm>> -> memref<8192x128xf32, #tpu.memory_space<hbm>>
    tpu.wait_indirect_dma semaphore(%arg12 : memref<!tpu.dma_semaphore, #tpu.memory_space<semaphore_mem>>) src(%dma_wait3A_687 : memref<8192x128xf32, #tpu.memory_space<hbm>>) dst(%arg8 : memref<128x128xf32, #tpu.memory_space<vmem>>)
    %dma_start3A_688 = arith.constant 0 : i32
    %dma_start3A_689 = arith.constant 0 : i32
    %dma_start3A_690 = tpu.memref_slice %arg4[%add3A, %dma_start3A_688, %dma_start3A_689] : memref<32x4096x128xf32, #tpu.memory_space<hbm>> -> memref<1x4096x128xf32, #tpu.memory_space<hbm>>
    %dma_start3A_691 = tpu.memref_squeeze %dma_start3A_690 : memref<1x4096x128xf32, #tpu.memory_space<hbm>> -> memref<4096x128xf32, #tpu.memory_space<hbm>>
    %dma_start3A_692 = arith.constant 1792 : i32
    %dma_start3A_693 = arith.constant 0 : i32
    %dma_start3A_694 = tpu.memref_slice %dma_start3A_691[%dma_start3A_692, %dma_start3A_693] : memref<4096x128xf32, #tpu.memory_space<hbm>> -> memref<128x128xf32, #tpu.memory_space<hbm>>
    %dma_start3A_695 = arith.constant 0 : i32
    %dma_start3A_696 = arith.constant 0 : i32
    %dma_start3A_697 = tpu.memref_slice %arg4[%add3A, %dma_start3A_695, %dma_start3A_696] : memref<32x4096x128xf32, #tpu.memory_space<hbm>> -> memref<1x4096x128xf32, #tpu.memory_space<hbm>>
    %dma_start3A_698 = tpu.memref_squeeze %dma_start3A_697 : memref<1x4096x128xf32, #tpu.memory_space<hbm>> -> memref<4096x128xf32, #tpu.memory_space<hbm>>
    %dma_start3A_699 = arith.constant 1792 : i32
    %dma_start3A_700 = arith.constant 0 : i32
    %dma_start3A_701 = tpu.memref_slice %dma_start3A_698[%dma_start3A_699, %dma_start3A_700] : memref<4096x128xf32, #tpu.memory_space<hbm>> -> memref<128x128xf32, #tpu.memory_space<hbm>>
    tpu.enqueue_dma source(%arg8 : memref<128x128xf32, #tpu.memory_space<vmem>>) target(%dma_start3A_701 : memref<128x128xf32, #tpu.memory_space<hbm>>) target_semaphore(%arg16 : memref<!tpu.dma_semaphore, #tpu.memory_space<semaphore_mem>>)
    %dma_wait3A_702 = arith.constant 0 : i32
    %dma_wait3A_703 = arith.constant 0 : i32
    %dma_wait3A_704 = tpu.memref_slice %arg4[%add3A, %dma_wait3A_702, %dma_wait3A_703] : memref<32x4096x128xf32, #tpu.memory_space<hbm>> -> memref<1x4096x128xf32, #tpu.memory_space<hbm>>
    %dma_wait3A_705 = tpu.memref_squeeze %dma_wait3A_704 : memref<1x4096x128xf32, #tpu.memory_space<hbm>> -> memref<4096x128xf32, #tpu.memory_space<hbm>>
    %dma_wait3A_706 = arith.constant 1792 : i32
    %dma_wait3A_707 = arith.constant 0 : i32
    %dma_wait3A_708 = tpu.memref_slice %dma_wait3A_705[%dma_wait3A_706, %dma_wait3A_707] : memref<4096x128xf32, #tpu.memory_space<hbm>> -> memref<128x128xf32, #tpu.memory_space<hbm>>
    %dma_wait3A_709 = arith.constant 0 : i32
    %dma_wait3A_710 = arith.constant 0 : i32
    %dma_wait3A_711 = tpu.memref_slice %arg4[%add3A, %dma_wait3A_709, %dma_wait3A_710] : memref<32x4096x128xf32, #tpu.memory_space<hbm>> -> memref<1x4096x128xf32, #tpu.memory_space<hbm>>
    %dma_wait3A_712 = tpu.memref_squeeze %dma_wait3A_711 : memref<1x4096x128xf32, #tpu.memory_space<hbm>> -> memref<4096x128xf32, #tpu.memory_space<hbm>>
    %dma_wait3A_713 = arith.constant 1792 : i32
    %dma_wait3A_714 = arith.constant 0 : i32
    %dma_wait3A_715 = tpu.memref_slice %dma_wait3A_712[%dma_wait3A_713, %dma_wait3A_714] : memref<4096x128xf32, #tpu.memory_space<hbm>> -> memref<128x128xf32, #tpu.memory_space<hbm>>
    tpu.wait_dma2 semaphore(%arg16 : memref<!tpu.dma_semaphore, #tpu.memory_space<semaphore_mem>>) src(%arg8 : memref<128x128xf32, #tpu.memory_space<vmem>>) dst(%dma_wait3A_715 : memref<128x128xf32, #tpu.memory_space<hbm>>)
    %dma_start3A_716 = arith.constant 2304 : i32
    %dma_start3A_717 = tpu.memref_slice %arg5[%dma_start3A_716] : memref<4096xi32, #tpu.memory_space<vmem>> -> memref<128xi32, #tpu.memory_space<vmem>>
    %dma_start3A_718 = arith.constant 0 : i32
    %dma_start3A_719 = arith.constant 0 : i32
    %dma_start3A_720 = tpu.memref_slice %arg2[%add3A, %dma_start3A_718, %dma_start3A_719] : memref<32x8192x128xf32, #tpu.memory_space<hbm>> -> memref<1x8192x128xf32, #tpu.memory_space<hbm>>
    %dma_start3A_721 = tpu.memref_squeeze %dma_start3A_720 : memref<1x8192x128xf32, #tpu.memory_space<hbm>> -> memref<8192x128xf32, #tpu.memory_space<hbm>>
    %dma_start3A_722 = arith.constant 0 : i32
    %dma_start3A_723 = arith.constant 0 : i32
    %dma_start3A_724 = tpu.memref_slice %dma_start3A_721[%dma_start3A_722, %dma_start3A_723] : memref<8192x128xf32, #tpu.memory_space<hbm>> -> memref<8192x128xf32, #tpu.memory_space<hbm>>
    tpu.enqueue_indirect_dma source(%dma_start3A_724 : memref<8192x128xf32, #tpu.memory_space<hbm>>) target(%arg8 : memref<128x128xf32, #tpu.memory_space<vmem>>) offsets(%dma_start3A_717 : memref<128xi32, #tpu.memory_space<vmem>>) semaphore(%arg12 : memref<!tpu.dma_semaphore, #tpu.memory_space<semaphore_mem>>)
    %dma_wait3A_725 = arith.constant 1920 : i32
    %dma_wait3A_726 = tpu.memref_slice %arg5[%dma_wait3A_725] : memref<4096xi32, #tpu.memory_space<vmem>> -> memref<128xi32, #tpu.memory_space<vmem>>
    %dma_wait3A_727 = arith.constant 0 : i32
    %dma_wait3A_728 = arith.constant 0 : i32
    %dma_wait3A_729 = tpu.memref_slice %arg2[%add3A, %dma_wait3A_727, %dma_wait3A_728] : memref<32x8192x128xf32, #tpu.memory_space<hbm>> -> memref<1x8192x128xf32, #tpu.memory_space<hbm>>
    %dma_wait3A_730 = tpu.memref_squeeze %dma_wait3A_729 : memref<1x8192x128xf32, #tpu.memory_space<hbm>> -> memref<8192x128xf32, #tpu.memory_space<hbm>>
    %dma_wait3A_731 = arith.constant 0 : i32
    %dma_wait3A_732 = arith.constant 0 : i32
    %dma_wait3A_733 = tpu.memref_slice %dma_wait3A_730[%dma_wait3A_731, %dma_wait3A_732] : memref<8192x128xf32, #tpu.memory_space<hbm>> -> memref<8192x128xf32, #tpu.memory_space<hbm>>
    tpu.wait_indirect_dma semaphore(%arg13 : memref<!tpu.dma_semaphore, #tpu.memory_space<semaphore_mem>>) src(%dma_wait3A_733 : memref<8192x128xf32, #tpu.memory_space<hbm>>) dst(%arg9 : memref<128x128xf32, #tpu.memory_space<vmem>>)
    %dma_start3A_734 = arith.constant 0 : i32
    %dma_start3A_735 = arith.constant 0 : i32
    %dma_start3A_736 = tpu.memref_slice %arg4[%add3A, %dma_start3A_734, %dma_start3A_735] : memref<32x4096x128xf32, #tpu.memory_space<hbm>> -> memref<1x4096x128xf32, #tpu.memory_space<hbm>>
    %dma_start3A_737 = tpu.memref_squeeze %dma_start3A_736 : memref<1x4096x128xf32, #tpu.memory_space<hbm>> -> memref<4096x128xf32, #tpu.memory_space<hbm>>
    %dma_start3A_738 = arith.constant 1920 : i32
    %dma_start3A_739 = arith.constant 0 : i32
    %dma_start3A_740 = tpu.memref_slice %dma_start3A_737[%dma_start3A_738, %dma_start3A_739] : memref<4096x128xf32, #tpu.memory_space<hbm>> -> memref<128x128xf32, #tpu.memory_space<hbm>>
    %dma_start3A_741 = arith.constant 0 : i32
    %dma_start3A_742 = arith.constant 0 : i32
    %dma_start3A_743 = tpu.memref_slice %arg4[%add3A, %dma_start3A_741, %dma_start3A_742] : memref<32x4096x128xf32, #tpu.memory_space<hbm>> -> memref<1x4096x128xf32, #tpu.memory_space<hbm>>
    %dma_start3A_744 = tpu.memref_squeeze %dma_start3A_743 : memref<1x4096x128xf32, #tpu.memory_space<hbm>> -> memref<4096x128xf32, #tpu.memory_space<hbm>>
    %dma_start3A_745 = arith.constant 1920 : i32
    %dma_start3A_746 = arith.constant 0 : i32
    %dma_start3A_747 = tpu.memref_slice %dma_start3A_744[%dma_start3A_745, %dma_start3A_746] : memref<4096x128xf32, #tpu.memory_space<hbm>> -> memref<128x128xf32, #tpu.memory_space<hbm>>
    tpu.enqueue_dma source(%arg9 : memref<128x128xf32, #tpu.memory_space<vmem>>) target(%dma_start3A_747 : memref<128x128xf32, #tpu.memory_space<hbm>>) target_semaphore(%arg17 : memref<!tpu.dma_semaphore, #tpu.memory_space<semaphore_mem>>)
    %dma_wait3A_748 = arith.constant 0 : i32
    %dma_wait3A_749 = arith.constant 0 : i32
    %dma_wait3A_750 = tpu.memref_slice %arg4[%add3A, %dma_wait3A_748, %dma_wait3A_749] : memref<32x4096x128xf32, #tpu.memory_space<hbm>> -> memref<1x4096x128xf32, #tpu.memory_space<hbm>>
    %dma_wait3A_751 = tpu.memref_squeeze %dma_wait3A_750 : memref<1x4096x128xf32, #tpu.memory_space<hbm>> -> memref<4096x128xf32, #tpu.memory_space<hbm>>
    %dma_wait3A_752 = arith.constant 1920 : i32
    %dma_wait3A_753 = arith.constant 0 : i32
    %dma_wait3A_754 = tpu.memref_slice %dma_wait3A_751[%dma_wait3A_752, %dma_wait3A_753] : memref<4096x128xf32, #tpu.memory_space<hbm>> -> memref<128x128xf32, #tpu.memory_space<hbm>>
    %dma_wait3A_755 = arith.constant 0 : i32
    %dma_wait3A_756 = arith.constant 0 : i32
    %dma_wait3A_757 = tpu.memref_slice %arg4[%add3A, %dma_wait3A_755, %dma_wait3A_756] : memref<32x4096x128xf32, #tpu.memory_space<hbm>> -> memref<1x4096x128xf32, #tpu.memory_space<hbm>>
    %dma_wait3A_758 = tpu.memref_squeeze %dma_wait3A_757 : memref<1x4096x128xf32, #tpu.memory_space<hbm>> -> memref<4096x128xf32, #tpu.memory_space<hbm>>
    %dma_wait3A_759 = arith.constant 1920 : i32
    %dma_wait3A_760 = arith.constant 0 : i32
    %dma_wait3A_761 = tpu.memref_slice %dma_wait3A_758[%dma_wait3A_759, %dma_wait3A_760] : memref<4096x128xf32, #tpu.memory_space<hbm>> -> memref<128x128xf32, #tpu.memory_space<hbm>>
    tpu.wait_dma2 semaphore(%arg17 : memref<!tpu.dma_semaphore, #tpu.memory_space<semaphore_mem>>) src(%arg9 : memref<128x128xf32, #tpu.memory_space<vmem>>) dst(%dma_wait3A_761 : memref<128x128xf32, #tpu.memory_space<hbm>>)
    %dma_start3A_762 = arith.constant 2432 : i32
    %dma_start3A_763 = tpu.memref_slice %arg5[%dma_start3A_762] : memref<4096xi32, #tpu.memory_space<vmem>> -> memref<128xi32, #tpu.memory_space<vmem>>
    %dma_start3A_764 = arith.constant 0 : i32
    %dma_start3A_765 = arith.constant 0 : i32
    %dma_start3A_766 = tpu.memref_slice %arg2[%add3A, %dma_start3A_764, %dma_start3A_765] : memref<32x8192x128xf32, #tpu.memory_space<hbm>> -> memref<1x8192x128xf32, #tpu.memory_space<hbm>>
    %dma_start3A_767 = tpu.memref_squeeze %dma_start3A_766 : memref<1x8192x128xf32, #tpu.memory_space<hbm>> -> memref<8192x128xf32, #tpu.memory_space<hbm>>
    %dma_start3A_768 = arith.constant 0 : i32
    %dma_start3A_769 = arith.constant 0 : i32
    %dma_start3A_770 = tpu.memref_slice %dma_start3A_767[%dma_start3A_768, %dma_start3A_769] : memref<8192x128xf32, #tpu.memory_space<hbm>> -> memref<8192x128xf32, #tpu.memory_space<hbm>>
    tpu.enqueue_indirect_dma source(%dma_start3A_770 : memref<8192x128xf32, #tpu.memory_space<hbm>>) target(%arg9 : memref<128x128xf32, #tpu.memory_space<vmem>>) offsets(%dma_start3A_763 : memref<128xi32, #tpu.memory_space<vmem>>) semaphore(%arg13 : memref<!tpu.dma_semaphore, #tpu.memory_space<semaphore_mem>>)
    %dma_wait3A_771 = arith.constant 2048 : i32
    %dma_wait3A_772 = tpu.memref_slice %arg5[%dma_wait3A_771] : memref<4096xi32, #tpu.memory_space<vmem>> -> memref<128xi32, #tpu.memory_space<vmem>>
    %dma_wait3A_773 = arith.constant 0 : i32
    %dma_wait3A_774 = arith.constant 0 : i32
    %dma_wait3A_775 = tpu.memref_slice %arg2[%add3A, %dma_wait3A_773, %dma_wait3A_774] : memref<32x8192x128xf32, #tpu.memory_space<hbm>> -> memref<1x8192x128xf32, #tpu.memory_space<hbm>>
    %dma_wait3A_776 = tpu.memref_squeeze %dma_wait3A_775 : memref<1x8192x128xf32, #tpu.memory_space<hbm>> -> memref<8192x128xf32, #tpu.memory_space<hbm>>
    %dma_wait3A_777 = arith.constant 0 : i32
    %dma_wait3A_778 = arith.constant 0 : i32
    %dma_wait3A_779 = tpu.memref_slice %dma_wait3A_776[%dma_wait3A_777, %dma_wait3A_778] : memref<8192x128xf32, #tpu.memory_space<hbm>> -> memref<8192x128xf32, #tpu.memory_space<hbm>>
    tpu.wait_indirect_dma semaphore(%arg10 : memref<!tpu.dma_semaphore, #tpu.memory_space<semaphore_mem>>) src(%dma_wait3A_779 : memref<8192x128xf32, #tpu.memory_space<hbm>>) dst(%arg6 : memref<128x128xf32, #tpu.memory_space<vmem>>)
    %dma_start3A_780 = arith.constant 0 : i32
    %dma_start3A_781 = arith.constant 0 : i32
    %dma_start3A_782 = tpu.memref_slice %arg4[%add3A, %dma_start3A_780, %dma_start3A_781] : memref<32x4096x128xf32, #tpu.memory_space<hbm>> -> memref<1x4096x128xf32, #tpu.memory_space<hbm>>
    %dma_start3A_783 = tpu.memref_squeeze %dma_start3A_782 : memref<1x4096x128xf32, #tpu.memory_space<hbm>> -> memref<4096x128xf32, #tpu.memory_space<hbm>>
    %dma_start3A_784 = arith.constant 2048 : i32
    %dma_start3A_785 = arith.constant 0 : i32
    %dma_start3A_786 = tpu.memref_slice %dma_start3A_783[%dma_start3A_784, %dma_start3A_785] : memref<4096x128xf32, #tpu.memory_space<hbm>> -> memref<128x128xf32, #tpu.memory_space<hbm>>
    %dma_start3A_787 = arith.constant 0 : i32
    %dma_start3A_788 = arith.constant 0 : i32
    %dma_start3A_789 = tpu.memref_slice %arg4[%add3A, %dma_start3A_787, %dma_start3A_788] : memref<32x4096x128xf32, #tpu.memory_space<hbm>> -> memref<1x4096x128xf32, #tpu.memory_space<hbm>>
    %dma_start3A_790 = tpu.memref_squeeze %dma_start3A_789 : memref<1x4096x128xf32, #tpu.memory_space<hbm>> -> memref<4096x128xf32, #tpu.memory_space<hbm>>
    %dma_start3A_791 = arith.constant 2048 : i32
    %dma_start3A_792 = arith.constant 0 : i32
    %dma_start3A_793 = tpu.memref_slice %dma_start3A_790[%dma_start3A_791, %dma_start3A_792] : memref<4096x128xf32, #tpu.memory_space<hbm>> -> memref<128x128xf32, #tpu.memory_space<hbm>>
    tpu.enqueue_dma source(%arg6 : memref<128x128xf32, #tpu.memory_space<vmem>>) target(%dma_start3A_793 : memref<128x128xf32, #tpu.memory_space<hbm>>) target_semaphore(%arg14 : memref<!tpu.dma_semaphore, #tpu.memory_space<semaphore_mem>>)
    %dma_wait3A_794 = arith.constant 0 : i32
    %dma_wait3A_795 = arith.constant 0 : i32
    %dma_wait3A_796 = tpu.memref_slice %arg4[%add3A, %dma_wait3A_794, %dma_wait3A_795] : memref<32x4096x128xf32, #tpu.memory_space<hbm>> -> memref<1x4096x128xf32, #tpu.memory_space<hbm>>
    %dma_wait3A_797 = tpu.memref_squeeze %dma_wait3A_796 : memref<1x4096x128xf32, #tpu.memory_space<hbm>> -> memref<4096x128xf32, #tpu.memory_space<hbm>>
    %dma_wait3A_798 = arith.constant 2048 : i32
    %dma_wait3A_799 = arith.constant 0 : i32
    %dma_wait3A_800 = tpu.memref_slice %dma_wait3A_797[%dma_wait3A_798, %dma_wait3A_799] : memref<4096x128xf32, #tpu.memory_space<hbm>> -> memref<128x128xf32, #tpu.memory_space<hbm>>
    %dma_wait3A_801 = arith.constant 0 : i32
    %dma_wait3A_802 = arith.constant 0 : i32
    %dma_wait3A_803 = tpu.memref_slice %arg4[%add3A, %dma_wait3A_801, %dma_wait3A_802] : memref<32x4096x128xf32, #tpu.memory_space<hbm>> -> memref<1x4096x128xf32, #tpu.memory_space<hbm>>
    %dma_wait3A_804 = tpu.memref_squeeze %dma_wait3A_803 : memref<1x4096x128xf32, #tpu.memory_space<hbm>> -> memref<4096x128xf32, #tpu.memory_space<hbm>>
    %dma_wait3A_805 = arith.constant 2048 : i32
    %dma_wait3A_806 = arith.constant 0 : i32
    %dma_wait3A_807 = tpu.memref_slice %dma_wait3A_804[%dma_wait3A_805, %dma_wait3A_806] : memref<4096x128xf32, #tpu.memory_space<hbm>> -> memref<128x128xf32, #tpu.memory_space<hbm>>
    tpu.wait_dma2 semaphore(%arg14 : memref<!tpu.dma_semaphore, #tpu.memory_space<semaphore_mem>>) src(%arg6 : memref<128x128xf32, #tpu.memory_space<vmem>>) dst(%dma_wait3A_807 : memref<128x128xf32, #tpu.memory_space<hbm>>)
    %dma_start3A_808 = arith.constant 2560 : i32
    %dma_start3A_809 = tpu.memref_slice %arg5[%dma_start3A_808] : memref<4096xi32, #tpu.memory_space<vmem>> -> memref<128xi32, #tpu.memory_space<vmem>>
    %dma_start3A_810 = arith.constant 0 : i32
    %dma_start3A_811 = arith.constant 0 : i32
    %dma_start3A_812 = tpu.memref_slice %arg2[%add3A, %dma_start3A_810, %dma_start3A_811] : memref<32x8192x128xf32, #tpu.memory_space<hbm>> -> memref<1x8192x128xf32, #tpu.memory_space<hbm>>
    %dma_start3A_813 = tpu.memref_squeeze %dma_start3A_812 : memref<1x8192x128xf32, #tpu.memory_space<hbm>> -> memref<8192x128xf32, #tpu.memory_space<hbm>>
    %dma_start3A_814 = arith.constant 0 : i32
    %dma_start3A_815 = arith.constant 0 : i32
    %dma_start3A_816 = tpu.memref_slice %dma_start3A_813[%dma_start3A_814, %dma_start3A_815] : memref<8192x128xf32, #tpu.memory_space<hbm>> -> memref<8192x128xf32, #tpu.memory_space<hbm>>
    tpu.enqueue_indirect_dma source(%dma_start3A_816 : memref<8192x128xf32, #tpu.memory_space<hbm>>) target(%arg6 : memref<128x128xf32, #tpu.memory_space<vmem>>) offsets(%dma_start3A_809 : memref<128xi32, #tpu.memory_space<vmem>>) semaphore(%arg10 : memref<!tpu.dma_semaphore, #tpu.memory_space<semaphore_mem>>)
    %dma_wait3A_817 = arith.constant 2176 : i32
    %dma_wait3A_818 = tpu.memref_slice %arg5[%dma_wait3A_817] : memref<4096xi32, #tpu.memory_space<vmem>> -> memref<128xi32, #tpu.memory_space<vmem>>
    %dma_wait3A_819 = arith.constant 0 : i32
    %dma_wait3A_820 = arith.constant 0 : i32
    %dma_wait3A_821 = tpu.memref_slice %arg2[%add3A, %dma_wait3A_819, %dma_wait3A_820] : memref<32x8192x128xf32, #tpu.memory_space<hbm>> -> memref<1x8192x128xf32, #tpu.memory_space<hbm>>
    %dma_wait3A_822 = tpu.memref_squeeze %dma_wait3A_821 : memref<1x8192x128xf32, #tpu.memory_space<hbm>> -> memref<8192x128xf32, #tpu.memory_space<hbm>>
    %dma_wait3A_823 = arith.constant 0 : i32
    %dma_wait3A_824 = arith.constant 0 : i32
    %dma_wait3A_825 = tpu.memref_slice %dma_wait3A_822[%dma_wait3A_823, %dma_wait3A_824] : memref<8192x128xf32, #tpu.memory_space<hbm>> -> memref<8192x128xf32, #tpu.memory_space<hbm>>
    tpu.wait_indirect_dma semaphore(%arg11 : memref<!tpu.dma_semaphore, #tpu.memory_space<semaphore_mem>>) src(%dma_wait3A_825 : memref<8192x128xf32, #tpu.memory_space<hbm>>) dst(%arg7 : memref<128x128xf32, #tpu.memory_space<vmem>>)
    %dma_start3A_826 = arith.constant 0 : i32
    %dma_start3A_827 = arith.constant 0 : i32
    %dma_start3A_828 = tpu.memref_slice %arg4[%add3A, %dma_start3A_826, %dma_start3A_827] : memref<32x4096x128xf32, #tpu.memory_space<hbm>> -> memref<1x4096x128xf32, #tpu.memory_space<hbm>>
    %dma_start3A_829 = tpu.memref_squeeze %dma_start3A_828 : memref<1x4096x128xf32, #tpu.memory_space<hbm>> -> memref<4096x128xf32, #tpu.memory_space<hbm>>
    %dma_start3A_830 = arith.constant 2176 : i32
    %dma_start3A_831 = arith.constant 0 : i32
    %dma_start3A_832 = tpu.memref_slice %dma_start3A_829[%dma_start3A_830, %dma_start3A_831] : memref<4096x128xf32, #tpu.memory_space<hbm>> -> memref<128x128xf32, #tpu.memory_space<hbm>>
    %dma_start3A_833 = arith.constant 0 : i32
    %dma_start3A_834 = arith.constant 0 : i32
    %dma_start3A_835 = tpu.memref_slice %arg4[%add3A, %dma_start3A_833, %dma_start3A_834] : memref<32x4096x128xf32, #tpu.memory_space<hbm>> -> memref<1x4096x128xf32, #tpu.memory_space<hbm>>
    %dma_start3A_836 = tpu.memref_squeeze %dma_start3A_835 : memref<1x4096x128xf32, #tpu.memory_space<hbm>> -> memref<4096x128xf32, #tpu.memory_space<hbm>>
    %dma_start3A_837 = arith.constant 2176 : i32
    %dma_start3A_838 = arith.constant 0 : i32
    %dma_start3A_839 = tpu.memref_slice %dma_start3A_836[%dma_start3A_837, %dma_start3A_838] : memref<4096x128xf32, #tpu.memory_space<hbm>> -> memref<128x128xf32, #tpu.memory_space<hbm>>
    tpu.enqueue_dma source(%arg7 : memref<128x128xf32, #tpu.memory_space<vmem>>) target(%dma_start3A_839 : memref<128x128xf32, #tpu.memory_space<hbm>>) target_semaphore(%arg15 : memref<!tpu.dma_semaphore, #tpu.memory_space<semaphore_mem>>)
    %dma_wait3A_840 = arith.constant 0 : i32
    %dma_wait3A_841 = arith.constant 0 : i32
    %dma_wait3A_842 = tpu.memref_slice %arg4[%add3A, %dma_wait3A_840, %dma_wait3A_841] : memref<32x4096x128xf32, #tpu.memory_space<hbm>> -> memref<1x4096x128xf32, #tpu.memory_space<hbm>>
    %dma_wait3A_843 = tpu.memref_squeeze %dma_wait3A_842 : memref<1x4096x128xf32, #tpu.memory_space<hbm>> -> memref<4096x128xf32, #tpu.memory_space<hbm>>
    %dma_wait3A_844 = arith.constant 2176 : i32
    %dma_wait3A_845 = arith.constant 0 : i32
    %dma_wait3A_846 = tpu.memref_slice %dma_wait3A_843[%dma_wait3A_844, %dma_wait3A_845] : memref<4096x128xf32, #tpu.memory_space<hbm>> -> memref<128x128xf32, #tpu.memory_space<hbm>>
    %dma_wait3A_847 = arith.constant 0 : i32
    %dma_wait3A_848 = arith.constant 0 : i32
    %dma_wait3A_849 = tpu.memref_slice %arg4[%add3A, %dma_wait3A_847, %dma_wait3A_848] : memref<32x4096x128xf32, #tpu.memory_space<hbm>> -> memref<1x4096x128xf32, #tpu.memory_space<hbm>>
    %dma_wait3A_850 = tpu.memref_squeeze %dma_wait3A_849 : memref<1x4096x128xf32, #tpu.memory_space<hbm>> -> memref<4096x128xf32, #tpu.memory_space<hbm>>
    %dma_wait3A_851 = arith.constant 2176 : i32
    %dma_wait3A_852 = arith.constant 0 : i32
    %dma_wait3A_853 = tpu.memref_slice %dma_wait3A_850[%dma_wait3A_851, %dma_wait3A_852] : memref<4096x128xf32, #tpu.memory_space<hbm>> -> memref<128x128xf32, #tpu.memory_space<hbm>>
    tpu.wait_dma2 semaphore(%arg15 : memref<!tpu.dma_semaphore, #tpu.memory_space<semaphore_mem>>) src(%arg7 : memref<128x128xf32, #tpu.memory_space<vmem>>) dst(%dma_wait3A_853 : memref<128x128xf32, #tpu.memory_space<hbm>>)
    %dma_start3A_854 = arith.constant 2688 : i32
    %dma_start3A_855 = tpu.memref_slice %arg5[%dma_start3A_854] : memref<4096xi32, #tpu.memory_space<vmem>> -> memref<128xi32, #tpu.memory_space<vmem>>
    %dma_start3A_856 = arith.constant 0 : i32
    %dma_start3A_857 = arith.constant 0 : i32
    %dma_start3A_858 = tpu.memref_slice %arg2[%add3A, %dma_start3A_856, %dma_start3A_857] : memref<32x8192x128xf32, #tpu.memory_space<hbm>> -> memref<1x8192x128xf32, #tpu.memory_space<hbm>>
    %dma_start3A_859 = tpu.memref_squeeze %dma_start3A_858 : memref<1x8192x128xf32, #tpu.memory_space<hbm>> -> memref<8192x128xf32, #tpu.memory_space<hbm>>
    %dma_start3A_860 = arith.constant 0 : i32
    %dma_start3A_861 = arith.constant 0 : i32
    %dma_start3A_862 = tpu.memref_slice %dma_start3A_859[%dma_start3A_860, %dma_start3A_861] : memref<8192x128xf32, #tpu.memory_space<hbm>> -> memref<8192x128xf32, #tpu.memory_space<hbm>>
    tpu.enqueue_indirect_dma source(%dma_start3A_862 : memref<8192x128xf32, #tpu.memory_space<hbm>>) target(%arg7 : memref<128x128xf32, #tpu.memory_space<vmem>>) offsets(%dma_start3A_855 : memref<128xi32, #tpu.memory_space<vmem>>) semaphore(%arg11 : memref<!tpu.dma_semaphore, #tpu.memory_space<semaphore_mem>>)
    %dma_wait3A_863 = arith.constant 2304 : i32
    %dma_wait3A_864 = tpu.memref_slice %arg5[%dma_wait3A_863] : memref<4096xi32, #tpu.memory_space<vmem>> -> memref<128xi32, #tpu.memory_space<vmem>>
    %dma_wait3A_865 = arith.constant 0 : i32
    %dma_wait3A_866 = arith.constant 0 : i32
    %dma_wait3A_867 = tpu.memref_slice %arg2[%add3A, %dma_wait3A_865, %dma_wait3A_866] : memref<32x8192x128xf32, #tpu.memory_space<hbm>> -> memref<1x8192x128xf32, #tpu.memory_space<hbm>>
    %dma_wait3A_868 = tpu.memref_squeeze %dma_wait3A_867 : memref<1x8192x128xf32, #tpu.memory_space<hbm>> -> memref<8192x128xf32, #tpu.memory_space<hbm>>
    %dma_wait3A_869 = arith.constant 0 : i32
    %dma_wait3A_870 = arith.constant 0 : i32
    %dma_wait3A_871 = tpu.memref_slice %dma_wait3A_868[%dma_wait3A_869, %dma_wait3A_870] : memref<8192x128xf32, #tpu.memory_space<hbm>> -> memref<8192x128xf32, #tpu.memory_space<hbm>>
    tpu.wait_indirect_dma semaphore(%arg12 : memref<!tpu.dma_semaphore, #tpu.memory_space<semaphore_mem>>) src(%dma_wait3A_871 : memref<8192x128xf32, #tpu.memory_space<hbm>>) dst(%arg8 : memref<128x128xf32, #tpu.memory_space<vmem>>)
    %dma_start3A_872 = arith.constant 0 : i32
    %dma_start3A_873 = arith.constant 0 : i32
    %dma_start3A_874 = tpu.memref_slice %arg4[%add3A, %dma_start3A_872, %dma_start3A_873] : memref<32x4096x128xf32, #tpu.memory_space<hbm>> -> memref<1x4096x128xf32, #tpu.memory_space<hbm>>
    %dma_start3A_875 = tpu.memref_squeeze %dma_start3A_874 : memref<1x4096x128xf32, #tpu.memory_space<hbm>> -> memref<4096x128xf32, #tpu.memory_space<hbm>>
    %dma_start3A_876 = arith.constant 2304 : i32
    %dma_start3A_877 = arith.constant 0 : i32
    %dma_start3A_878 = tpu.memref_slice %dma_start3A_875[%dma_start3A_876, %dma_start3A_877] : memref<4096x128xf32, #tpu.memory_space<hbm>> -> memref<128x128xf32, #tpu.memory_space<hbm>>
    %dma_start3A_879 = arith.constant 0 : i32
    %dma_start3A_880 = arith.constant 0 : i32
    %dma_start3A_881 = tpu.memref_slice %arg4[%add3A, %dma_start3A_879, %dma_start3A_880] : memref<32x4096x128xf32, #tpu.memory_space<hbm>> -> memref<1x4096x128xf32, #tpu.memory_space<hbm>>
    %dma_start3A_882 = tpu.memref_squeeze %dma_start3A_881 : memref<1x4096x128xf32, #tpu.memory_space<hbm>> -> memref<4096x128xf32, #tpu.memory_space<hbm>>
    %dma_start3A_883 = arith.constant 2304 : i32
    %dma_start3A_884 = arith.constant 0 : i32
    %dma_start3A_885 = tpu.memref_slice %dma_start3A_882[%dma_start3A_883, %dma_start3A_884] : memref<4096x128xf32, #tpu.memory_space<hbm>> -> memref<128x128xf32, #tpu.memory_space<hbm>>
    tpu.enqueue_dma source(%arg8 : memref<128x128xf32, #tpu.memory_space<vmem>>) target(%dma_start3A_885 : memref<128x128xf32, #tpu.memory_space<hbm>>) target_semaphore(%arg16 : memref<!tpu.dma_semaphore, #tpu.memory_space<semaphore_mem>>)
    %dma_wait3A_886 = arith.constant 0 : i32
    %dma_wait3A_887 = arith.constant 0 : i32
    %dma_wait3A_888 = tpu.memref_slice %arg4[%add3A, %dma_wait3A_886, %dma_wait3A_887] : memref<32x4096x128xf32, #tpu.memory_space<hbm>> -> memref<1x4096x128xf32, #tpu.memory_space<hbm>>
    %dma_wait3A_889 = tpu.memref_squeeze %dma_wait3A_888 : memref<1x4096x128xf32, #tpu.memory_space<hbm>> -> memref<4096x128xf32, #tpu.memory_space<hbm>>
    %dma_wait3A_890 = arith.constant 2304 : i32
    %dma_wait3A_891 = arith.constant 0 : i32
    %dma_wait3A_892 = tpu.memref_slice %dma_wait3A_889[%dma_wait3A_890, %dma_wait3A_891] : memref<4096x128xf32, #tpu.memory_space<hbm>> -> memref<128x128xf32, #tpu.memory_space<hbm>>
    %dma_wait3A_893 = arith.constant 0 : i32
    %dma_wait3A_894 = arith.constant 0 : i32
    %dma_wait3A_895 = tpu.memref_slice %arg4[%add3A, %dma_wait3A_893, %dma_wait3A_894] : memref<32x4096x128xf32, #tpu.memory_space<hbm>> -> memref<1x4096x128xf32, #tpu.memory_space<hbm>>
    %dma_wait3A_896 = tpu.memref_squeeze %dma_wait3A_895 : memref<1x4096x128xf32, #tpu.memory_space<hbm>> -> memref<4096x128xf32, #tpu.memory_space<hbm>>
    %dma_wait3A_897 = arith.constant 2304 : i32
    %dma_wait3A_898 = arith.constant 0 : i32
    %dma_wait3A_899 = tpu.memref_slice %dma_wait3A_896[%dma_wait3A_897, %dma_wait3A_898] : memref<4096x128xf32, #tpu.memory_space<hbm>> -> memref<128x128xf32, #tpu.memory_space<hbm>>
    tpu.wait_dma2 semaphore(%arg16 : memref<!tpu.dma_semaphore, #tpu.memory_space<semaphore_mem>>) src(%arg8 : memref<128x128xf32, #tpu.memory_space<vmem>>) dst(%dma_wait3A_899 : memref<128x128xf32, #tpu.memory_space<hbm>>)
    %dma_start3A_900 = arith.constant 2816 : i32
    %dma_start3A_901 = tpu.memref_slice %arg5[%dma_start3A_900] : memref<4096xi32, #tpu.memory_space<vmem>> -> memref<128xi32, #tpu.memory_space<vmem>>
    %dma_start3A_902 = arith.constant 0 : i32
    %dma_start3A_903 = arith.constant 0 : i32
    %dma_start3A_904 = tpu.memref_slice %arg2[%add3A, %dma_start3A_902, %dma_start3A_903] : memref<32x8192x128xf32, #tpu.memory_space<hbm>> -> memref<1x8192x128xf32, #tpu.memory_space<hbm>>
    %dma_start3A_905 = tpu.memref_squeeze %dma_start3A_904 : memref<1x8192x128xf32, #tpu.memory_space<hbm>> -> memref<8192x128xf32, #tpu.memory_space<hbm>>
    %dma_start3A_906 = arith.constant 0 : i32
    %dma_start3A_907 = arith.constant 0 : i32
    %dma_start3A_908 = tpu.memref_slice %dma_start3A_905[%dma_start3A_906, %dma_start3A_907] : memref<8192x128xf32, #tpu.memory_space<hbm>> -> memref<8192x128xf32, #tpu.memory_space<hbm>>
    tpu.enqueue_indirect_dma source(%dma_start3A_908 : memref<8192x128xf32, #tpu.memory_space<hbm>>) target(%arg8 : memref<128x128xf32, #tpu.memory_space<vmem>>) offsets(%dma_start3A_901 : memref<128xi32, #tpu.memory_space<vmem>>) semaphore(%arg12 : memref<!tpu.dma_semaphore, #tpu.memory_space<semaphore_mem>>)
    %dma_wait3A_909 = arith.constant 2432 : i32
    %dma_wait3A_910 = tpu.memref_slice %arg5[%dma_wait3A_909] : memref<4096xi32, #tpu.memory_space<vmem>> -> memref<128xi32, #tpu.memory_space<vmem>>
    %dma_wait3A_911 = arith.constant 0 : i32
    %dma_wait3A_912 = arith.constant 0 : i32
    %dma_wait3A_913 = tpu.memref_slice %arg2[%add3A, %dma_wait3A_911, %dma_wait3A_912] : memref<32x8192x128xf32, #tpu.memory_space<hbm>> -> memref<1x8192x128xf32, #tpu.memory_space<hbm>>
    %dma_wait3A_914 = tpu.memref_squeeze %dma_wait3A_913 : memref<1x8192x128xf32, #tpu.memory_space<hbm>> -> memref<8192x128xf32, #tpu.memory_space<hbm>>
    %dma_wait3A_915 = arith.constant 0 : i32
    %dma_wait3A_916 = arith.constant 0 : i32
    %dma_wait3A_917 = tpu.memref_slice %dma_wait3A_914[%dma_wait3A_915, %dma_wait3A_916] : memref<8192x128xf32, #tpu.memory_space<hbm>> -> memref<8192x128xf32, #tpu.memory_space<hbm>>
    tpu.wait_indirect_dma semaphore(%arg13 : memref<!tpu.dma_semaphore, #tpu.memory_space<semaphore_mem>>) src(%dma_wait3A_917 : memref<8192x128xf32, #tpu.memory_space<hbm>>) dst(%arg9 : memref<128x128xf32, #tpu.memory_space<vmem>>)
    %dma_start3A_918 = arith.constant 0 : i32
    %dma_start3A_919 = arith.constant 0 : i32
    %dma_start3A_920 = tpu.memref_slice %arg4[%add3A, %dma_start3A_918, %dma_start3A_919] : memref<32x4096x128xf32, #tpu.memory_space<hbm>> -> memref<1x4096x128xf32, #tpu.memory_space<hbm>>
    %dma_start3A_921 = tpu.memref_squeeze %dma_start3A_920 : memref<1x4096x128xf32, #tpu.memory_space<hbm>> -> memref<4096x128xf32, #tpu.memory_space<hbm>>
    %dma_start3A_922 = arith.constant 2432 : i32
    %dma_start3A_923 = arith.constant 0 : i32
    %dma_start3A_924 = tpu.memref_slice %dma_start3A_921[%dma_start3A_922, %dma_start3A_923] : memref<4096x128xf32, #tpu.memory_space<hbm>> -> memref<128x128xf32, #tpu.memory_space<hbm>>
    %dma_start3A_925 = arith.constant 0 : i32
    %dma_start3A_926 = arith.constant 0 : i32
    %dma_start3A_927 = tpu.memref_slice %arg4[%add3A, %dma_start3A_925, %dma_start3A_926] : memref<32x4096x128xf32, #tpu.memory_space<hbm>> -> memref<1x4096x128xf32, #tpu.memory_space<hbm>>
    %dma_start3A_928 = tpu.memref_squeeze %dma_start3A_927 : memref<1x4096x128xf32, #tpu.memory_space<hbm>> -> memref<4096x128xf32, #tpu.memory_space<hbm>>
    %dma_start3A_929 = arith.constant 2432 : i32
    %dma_start3A_930 = arith.constant 0 : i32
    %dma_start3A_931 = tpu.memref_slice %dma_start3A_928[%dma_start3A_929, %dma_start3A_930] : memref<4096x128xf32, #tpu.memory_space<hbm>> -> memref<128x128xf32, #tpu.memory_space<hbm>>
    tpu.enqueue_dma source(%arg9 : memref<128x128xf32, #tpu.memory_space<vmem>>) target(%dma_start3A_931 : memref<128x128xf32, #tpu.memory_space<hbm>>) target_semaphore(%arg17 : memref<!tpu.dma_semaphore, #tpu.memory_space<semaphore_mem>>)
    %dma_wait3A_932 = arith.constant 0 : i32
    %dma_wait3A_933 = arith.constant 0 : i32
    %dma_wait3A_934 = tpu.memref_slice %arg4[%add3A, %dma_wait3A_932, %dma_wait3A_933] : memref<32x4096x128xf32, #tpu.memory_space<hbm>> -> memref<1x4096x128xf32, #tpu.memory_space<hbm>>
    %dma_wait3A_935 = tpu.memref_squeeze %dma_wait3A_934 : memref<1x4096x128xf32, #tpu.memory_space<hbm>> -> memref<4096x128xf32, #tpu.memory_space<hbm>>
    %dma_wait3A_936 = arith.constant 2432 : i32
    %dma_wait3A_937 = arith.constant 0 : i32
    %dma_wait3A_938 = tpu.memref_slice %dma_wait3A_935[%dma_wait3A_936, %dma_wait3A_937] : memref<4096x128xf32, #tpu.memory_space<hbm>> -> memref<128x128xf32, #tpu.memory_space<hbm>>
    %dma_wait3A_939 = arith.constant 0 : i32
    %dma_wait3A_940 = arith.constant 0 : i32
    %dma_wait3A_941 = tpu.memref_slice %arg4[%add3A, %dma_wait3A_939, %dma_wait3A_940] : memref<32x4096x128xf32, #tpu.memory_space<hbm>> -> memref<1x4096x128xf32, #tpu.memory_space<hbm>>
    %dma_wait3A_942 = tpu.memref_squeeze %dma_wait3A_941 : memref<1x4096x128xf32, #tpu.memory_space<hbm>> -> memref<4096x128xf32, #tpu.memory_space<hbm>>
    %dma_wait3A_943 = arith.constant 2432 : i32
    %dma_wait3A_944 = arith.constant 0 : i32
    %dma_wait3A_945 = tpu.memref_slice %dma_wait3A_942[%dma_wait3A_943, %dma_wait3A_944] : memref<4096x128xf32, #tpu.memory_space<hbm>> -> memref<128x128xf32, #tpu.memory_space<hbm>>
    tpu.wait_dma2 semaphore(%arg17 : memref<!tpu.dma_semaphore, #tpu.memory_space<semaphore_mem>>) src(%arg9 : memref<128x128xf32, #tpu.memory_space<vmem>>) dst(%dma_wait3A_945 : memref<128x128xf32, #tpu.memory_space<hbm>>)
    %dma_start3A_946 = arith.constant 2944 : i32
    %dma_start3A_947 = tpu.memref_slice %arg5[%dma_start3A_946] : memref<4096xi32, #tpu.memory_space<vmem>> -> memref<128xi32, #tpu.memory_space<vmem>>
    %dma_start3A_948 = arith.constant 0 : i32
    %dma_start3A_949 = arith.constant 0 : i32
    %dma_start3A_950 = tpu.memref_slice %arg2[%add3A, %dma_start3A_948, %dma_start3A_949] : memref<32x8192x128xf32, #tpu.memory_space<hbm>> -> memref<1x8192x128xf32, #tpu.memory_space<hbm>>
    %dma_start3A_951 = tpu.memref_squeeze %dma_start3A_950 : memref<1x8192x128xf32, #tpu.memory_space<hbm>> -> memref<8192x128xf32, #tpu.memory_space<hbm>>
    %dma_start3A_952 = arith.constant 0 : i32
    %dma_start3A_953 = arith.constant 0 : i32
    %dma_start3A_954 = tpu.memref_slice %dma_start3A_951[%dma_start3A_952, %dma_start3A_953] : memref<8192x128xf32, #tpu.memory_space<hbm>> -> memref<8192x128xf32, #tpu.memory_space<hbm>>
    tpu.enqueue_indirect_dma source(%dma_start3A_954 : memref<8192x128xf32, #tpu.memory_space<hbm>>) target(%arg9 : memref<128x128xf32, #tpu.memory_space<vmem>>) offsets(%dma_start3A_947 : memref<128xi32, #tpu.memory_space<vmem>>) semaphore(%arg13 : memref<!tpu.dma_semaphore, #tpu.memory_space<semaphore_mem>>)
    %dma_wait3A_955 = arith.constant 2560 : i32
    %dma_wait3A_956 = tpu.memref_slice %arg5[%dma_wait3A_955] : memref<4096xi32, #tpu.memory_space<vmem>> -> memref<128xi32, #tpu.memory_space<vmem>>
    %dma_wait3A_957 = arith.constant 0 : i32
    %dma_wait3A_958 = arith.constant 0 : i32
    %dma_wait3A_959 = tpu.memref_slice %arg2[%add3A, %dma_wait3A_957, %dma_wait3A_958] : memref<32x8192x128xf32, #tpu.memory_space<hbm>> -> memref<1x8192x128xf32, #tpu.memory_space<hbm>>
    %dma_wait3A_960 = tpu.memref_squeeze %dma_wait3A_959 : memref<1x8192x128xf32, #tpu.memory_space<hbm>> -> memref<8192x128xf32, #tpu.memory_space<hbm>>
    %dma_wait3A_961 = arith.constant 0 : i32
    %dma_wait3A_962 = arith.constant 0 : i32
    %dma_wait3A_963 = tpu.memref_slice %dma_wait3A_960[%dma_wait3A_961, %dma_wait3A_962] : memref<8192x128xf32, #tpu.memory_space<hbm>> -> memref<8192x128xf32, #tpu.memory_space<hbm>>
    tpu.wait_indirect_dma semaphore(%arg10 : memref<!tpu.dma_semaphore, #tpu.memory_space<semaphore_mem>>) src(%dma_wait3A_963 : memref<8192x128xf32, #tpu.memory_space<hbm>>) dst(%arg6 : memref<128x128xf32, #tpu.memory_space<vmem>>)
    %dma_start3A_964 = arith.constant 0 : i32
    %dma_start3A_965 = arith.constant 0 : i32
    %dma_start3A_966 = tpu.memref_slice %arg4[%add3A, %dma_start3A_964, %dma_start3A_965] : memref<32x4096x128xf32, #tpu.memory_space<hbm>> -> memref<1x4096x128xf32, #tpu.memory_space<hbm>>
    %dma_start3A_967 = tpu.memref_squeeze %dma_start3A_966 : memref<1x4096x128xf32, #tpu.memory_space<hbm>> -> memref<4096x128xf32, #tpu.memory_space<hbm>>
    %dma_start3A_968 = arith.constant 2560 : i32
    %dma_start3A_969 = arith.constant 0 : i32
    %dma_start3A_970 = tpu.memref_slice %dma_start3A_967[%dma_start3A_968, %dma_start3A_969] : memref<4096x128xf32, #tpu.memory_space<hbm>> -> memref<128x128xf32, #tpu.memory_space<hbm>>
    %dma_start3A_971 = arith.constant 0 : i32
    %dma_start3A_972 = arith.constant 0 : i32
    %dma_start3A_973 = tpu.memref_slice %arg4[%add3A, %dma_start3A_971, %dma_start3A_972] : memref<32x4096x128xf32, #tpu.memory_space<hbm>> -> memref<1x4096x128xf32, #tpu.memory_space<hbm>>
    %dma_start3A_974 = tpu.memref_squeeze %dma_start3A_973 : memref<1x4096x128xf32, #tpu.memory_space<hbm>> -> memref<4096x128xf32, #tpu.memory_space<hbm>>
    %dma_start3A_975 = arith.constant 2560 : i32
    %dma_start3A_976 = arith.constant 0 : i32
    %dma_start3A_977 = tpu.memref_slice %dma_start3A_974[%dma_start3A_975, %dma_start3A_976] : memref<4096x128xf32, #tpu.memory_space<hbm>> -> memref<128x128xf32, #tpu.memory_space<hbm>>
    tpu.enqueue_dma source(%arg6 : memref<128x128xf32, #tpu.memory_space<vmem>>) target(%dma_start3A_977 : memref<128x128xf32, #tpu.memory_space<hbm>>) target_semaphore(%arg14 : memref<!tpu.dma_semaphore, #tpu.memory_space<semaphore_mem>>)
    %dma_wait3A_978 = arith.constant 0 : i32
    %dma_wait3A_979 = arith.constant 0 : i32
    %dma_wait3A_980 = tpu.memref_slice %arg4[%add3A, %dma_wait3A_978, %dma_wait3A_979] : memref<32x4096x128xf32, #tpu.memory_space<hbm>> -> memref<1x4096x128xf32, #tpu.memory_space<hbm>>
    %dma_wait3A_981 = tpu.memref_squeeze %dma_wait3A_980 : memref<1x4096x128xf32, #tpu.memory_space<hbm>> -> memref<4096x128xf32, #tpu.memory_space<hbm>>
    %dma_wait3A_982 = arith.constant 2560 : i32
    %dma_wait3A_983 = arith.constant 0 : i32
    %dma_wait3A_984 = tpu.memref_slice %dma_wait3A_981[%dma_wait3A_982, %dma_wait3A_983] : memref<4096x128xf32, #tpu.memory_space<hbm>> -> memref<128x128xf32, #tpu.memory_space<hbm>>
    %dma_wait3A_985 = arith.constant 0 : i32
    %dma_wait3A_986 = arith.constant 0 : i32
    %dma_wait3A_987 = tpu.memref_slice %arg4[%add3A, %dma_wait3A_985, %dma_wait3A_986] : memref<32x4096x128xf32, #tpu.memory_space<hbm>> -> memref<1x4096x128xf32, #tpu.memory_space<hbm>>
    %dma_wait3A_988 = tpu.memref_squeeze %dma_wait3A_987 : memref<1x4096x128xf32, #tpu.memory_space<hbm>> -> memref<4096x128xf32, #tpu.memory_space<hbm>>
    %dma_wait3A_989 = arith.constant 2560 : i32
    %dma_wait3A_990 = arith.constant 0 : i32
    %dma_wait3A_991 = tpu.memref_slice %dma_wait3A_988[%dma_wait3A_989, %dma_wait3A_990] : memref<4096x128xf32, #tpu.memory_space<hbm>> -> memref<128x128xf32, #tpu.memory_space<hbm>>
    tpu.wait_dma2 semaphore(%arg14 : memref<!tpu.dma_semaphore, #tpu.memory_space<semaphore_mem>>) src(%arg6 : memref<128x128xf32, #tpu.memory_space<vmem>>) dst(%dma_wait3A_991 : memref<128x128xf32, #tpu.memory_space<hbm>>)
    %dma_start3A_992 = arith.constant 3072 : i32
    %dma_start3A_993 = tpu.memref_slice %arg5[%dma_start3A_992] : memref<4096xi32, #tpu.memory_space<vmem>> -> memref<128xi32, #tpu.memory_space<vmem>>
    %dma_start3A_994 = arith.constant 0 : i32
    %dma_start3A_995 = arith.constant 0 : i32
    %dma_start3A_996 = tpu.memref_slice %arg2[%add3A, %dma_start3A_994, %dma_start3A_995] : memref<32x8192x128xf32, #tpu.memory_space<hbm>> -> memref<1x8192x128xf32, #tpu.memory_space<hbm>>
    %dma_start3A_997 = tpu.memref_squeeze %dma_start3A_996 : memref<1x8192x128xf32, #tpu.memory_space<hbm>> -> memref<8192x128xf32, #tpu.memory_space<hbm>>
    %dma_start3A_998 = arith.constant 0 : i32
    %dma_start3A_999 = arith.constant 0 : i32
    %dma_start3A_1000 = tpu.memref_slice %dma_start3A_997[%dma_start3A_998, %dma_start3A_999] : memref<8192x128xf32, #tpu.memory_space<hbm>> -> memref<8192x128xf32, #tpu.memory_space<hbm>>
    tpu.enqueue_indirect_dma source(%dma_start3A_1000 : memref<8192x128xf32, #tpu.memory_space<hbm>>) target(%arg6 : memref<128x128xf32, #tpu.memory_space<vmem>>) offsets(%dma_start3A_993 : memref<128xi32, #tpu.memory_space<vmem>>) semaphore(%arg10 : memref<!tpu.dma_semaphore, #tpu.memory_space<semaphore_mem>>)
    %dma_wait3A_1001 = arith.constant 2688 : i32
    %dma_wait3A_1002 = tpu.memref_slice %arg5[%dma_wait3A_1001] : memref<4096xi32, #tpu.memory_space<vmem>> -> memref<128xi32, #tpu.memory_space<vmem>>
    %dma_wait3A_1003 = arith.constant 0 : i32
    %dma_wait3A_1004 = arith.constant 0 : i32
    %dma_wait3A_1005 = tpu.memref_slice %arg2[%add3A, %dma_wait3A_1003, %dma_wait3A_1004] : memref<32x8192x128xf32, #tpu.memory_space<hbm>> -> memref<1x8192x128xf32, #tpu.memory_space<hbm>>
    %dma_wait3A_1006 = tpu.memref_squeeze %dma_wait3A_1005 : memref<1x8192x128xf32, #tpu.memory_space<hbm>> -> memref<8192x128xf32, #tpu.memory_space<hbm>>
    %dma_wait3A_1007 = arith.constant 0 : i32
    %dma_wait3A_1008 = arith.constant 0 : i32
    %dma_wait3A_1009 = tpu.memref_slice %dma_wait3A_1006[%dma_wait3A_1007, %dma_wait3A_1008] : memref<8192x128xf32, #tpu.memory_space<hbm>> -> memref<8192x128xf32, #tpu.memory_space<hbm>>
    tpu.wait_indirect_dma semaphore(%arg11 : memref<!tpu.dma_semaphore, #tpu.memory_space<semaphore_mem>>) src(%dma_wait3A_1009 : memref<8192x128xf32, #tpu.memory_space<hbm>>) dst(%arg7 : memref<128x128xf32, #tpu.memory_space<vmem>>)
    %dma_start3A_1010 = arith.constant 0 : i32
    %dma_start3A_1011 = arith.constant 0 : i32
    %dma_start3A_1012 = tpu.memref_slice %arg4[%add3A, %dma_start3A_1010, %dma_start3A_1011] : memref<32x4096x128xf32, #tpu.memory_space<hbm>> -> memref<1x4096x128xf32, #tpu.memory_space<hbm>>
    %dma_start3A_1013 = tpu.memref_squeeze %dma_start3A_1012 : memref<1x4096x128xf32, #tpu.memory_space<hbm>> -> memref<4096x128xf32, #tpu.memory_space<hbm>>
    %dma_start3A_1014 = arith.constant 2688 : i32
    %dma_start3A_1015 = arith.constant 0 : i32
    %dma_start3A_1016 = tpu.memref_slice %dma_start3A_1013[%dma_start3A_1014, %dma_start3A_1015] : memref<4096x128xf32, #tpu.memory_space<hbm>> -> memref<128x128xf32, #tpu.memory_space<hbm>>
    %dma_start3A_1017 = arith.constant 0 : i32
    %dma_start3A_1018 = arith.constant 0 : i32
    %dma_start3A_1019 = tpu.memref_slice %arg4[%add3A, %dma_start3A_1017, %dma_start3A_1018] : memref<32x4096x128xf32, #tpu.memory_space<hbm>> -> memref<1x4096x128xf32, #tpu.memory_space<hbm>>
    %dma_start3A_1020 = tpu.memref_squeeze %dma_start3A_1019 : memref<1x4096x128xf32, #tpu.memory_space<hbm>> -> memref<4096x128xf32, #tpu.memory_space<hbm>>
    %dma_start3A_1021 = arith.constant 2688 : i32
    %dma_start3A_1022 = arith.constant 0 : i32
    %dma_start3A_1023 = tpu.memref_slice %dma_start3A_1020[%dma_start3A_1021, %dma_start3A_1022] : memref<4096x128xf32, #tpu.memory_space<hbm>> -> memref<128x128xf32, #tpu.memory_space<hbm>>
    tpu.enqueue_dma source(%arg7 : memref<128x128xf32, #tpu.memory_space<vmem>>) target(%dma_start3A_1023 : memref<128x128xf32, #tpu.memory_space<hbm>>) target_semaphore(%arg15 : memref<!tpu.dma_semaphore, #tpu.memory_space<semaphore_mem>>)
    %dma_wait3A_1024 = arith.constant 0 : i32
    %dma_wait3A_1025 = arith.constant 0 : i32
    %dma_wait3A_1026 = tpu.memref_slice %arg4[%add3A, %dma_wait3A_1024, %dma_wait3A_1025] : memref<32x4096x128xf32, #tpu.memory_space<hbm>> -> memref<1x4096x128xf32, #tpu.memory_space<hbm>>
    %dma_wait3A_1027 = tpu.memref_squeeze %dma_wait3A_1026 : memref<1x4096x128xf32, #tpu.memory_space<hbm>> -> memref<4096x128xf32, #tpu.memory_space<hbm>>
    %dma_wait3A_1028 = arith.constant 2688 : i32
    %dma_wait3A_1029 = arith.constant 0 : i32
    %dma_wait3A_1030 = tpu.memref_slice %dma_wait3A_1027[%dma_wait3A_1028, %dma_wait3A_1029] : memref<4096x128xf32, #tpu.memory_space<hbm>> -> memref<128x128xf32, #tpu.memory_space<hbm>>
    %dma_wait3A_1031 = arith.constant 0 : i32
    %dma_wait3A_1032 = arith.constant 0 : i32
    %dma_wait3A_1033 = tpu.memref_slice %arg4[%add3A, %dma_wait3A_1031, %dma_wait3A_1032] : memref<32x4096x128xf32, #tpu.memory_space<hbm>> -> memref<1x4096x128xf32, #tpu.memory_space<hbm>>
    %dma_wait3A_1034 = tpu.memref_squeeze %dma_wait3A_1033 : memref<1x4096x128xf32, #tpu.memory_space<hbm>> -> memref<4096x128xf32, #tpu.memory_space<hbm>>
    %dma_wait3A_1035 = arith.constant 2688 : i32
    %dma_wait3A_1036 = arith.constant 0 : i32
    %dma_wait3A_1037 = tpu.memref_slice %dma_wait3A_1034[%dma_wait3A_1035, %dma_wait3A_1036] : memref<4096x128xf32, #tpu.memory_space<hbm>> -> memref<128x128xf32, #tpu.memory_space<hbm>>
    tpu.wait_dma2 semaphore(%arg15 : memref<!tpu.dma_semaphore, #tpu.memory_space<semaphore_mem>>) src(%arg7 : memref<128x128xf32, #tpu.memory_space<vmem>>) dst(%dma_wait3A_1037 : memref<128x128xf32, #tpu.memory_space<hbm>>)
    %dma_start3A_1038 = arith.constant 3200 : i32
    %dma_start3A_1039 = tpu.memref_slice %arg5[%dma_start3A_1038] : memref<4096xi32, #tpu.memory_space<vmem>> -> memref<128xi32, #tpu.memory_space<vmem>>
    %dma_start3A_1040 = arith.constant 0 : i32
    %dma_start3A_1041 = arith.constant 0 : i32
    %dma_start3A_1042 = tpu.memref_slice %arg2[%add3A, %dma_start3A_1040, %dma_start3A_1041] : memref<32x8192x128xf32, #tpu.memory_space<hbm>> -> memref<1x8192x128xf32, #tpu.memory_space<hbm>>
    %dma_start3A_1043 = tpu.memref_squeeze %dma_start3A_1042 : memref<1x8192x128xf32, #tpu.memory_space<hbm>> -> memref<8192x128xf32, #tpu.memory_space<hbm>>
    %dma_start3A_1044 = arith.constant 0 : i32
    %dma_start3A_1045 = arith.constant 0 : i32
    %dma_start3A_1046 = tpu.memref_slice %dma_start3A_1043[%dma_start3A_1044, %dma_start3A_1045] : memref<8192x128xf32, #tpu.memory_space<hbm>> -> memref<8192x128xf32, #tpu.memory_space<hbm>>
    tpu.enqueue_indirect_dma source(%dma_start3A_1046 : memref<8192x128xf32, #tpu.memory_space<hbm>>) target(%arg7 : memref<128x128xf32, #tpu.memory_space<vmem>>) offsets(%dma_start3A_1039 : memref<128xi32, #tpu.memory_space<vmem>>) semaphore(%arg11 : memref<!tpu.dma_semaphore, #tpu.memory_space<semaphore_mem>>)
    %dma_wait3A_1047 = arith.constant 2816 : i32
    %dma_wait3A_1048 = tpu.memref_slice %arg5[%dma_wait3A_1047] : memref<4096xi32, #tpu.memory_space<vmem>> -> memref<128xi32, #tpu.memory_space<vmem>>
    %dma_wait3A_1049 = arith.constant 0 : i32
    %dma_wait3A_1050 = arith.constant 0 : i32
    %dma_wait3A_1051 = tpu.memref_slice %arg2[%add3A, %dma_wait3A_1049, %dma_wait3A_1050] : memref<32x8192x128xf32, #tpu.memory_space<hbm>> -> memref<1x8192x128xf32, #tpu.memory_space<hbm>>
    %dma_wait3A_1052 = tpu.memref_squeeze %dma_wait3A_1051 : memref<1x8192x128xf32, #tpu.memory_space<hbm>> -> memref<8192x128xf32, #tpu.memory_space<hbm>>
    %dma_wait3A_1053 = arith.constant 0 : i32
    %dma_wait3A_1054 = arith.constant 0 : i32
    %dma_wait3A_1055 = tpu.memref_slice %dma_wait3A_1052[%dma_wait3A_1053, %dma_wait3A_1054] : memref<8192x128xf32, #tpu.memory_space<hbm>> -> memref<8192x128xf32, #tpu.memory_space<hbm>>
    tpu.wait_indirect_dma semaphore(%arg12 : memref<!tpu.dma_semaphore, #tpu.memory_space<semaphore_mem>>) src(%dma_wait3A_1055 : memref<8192x128xf32, #tpu.memory_space<hbm>>) dst(%arg8 : memref<128x128xf32, #tpu.memory_space<vmem>>)
    %dma_start3A_1056 = arith.constant 0 : i32
    %dma_start3A_1057 = arith.constant 0 : i32
    %dma_start3A_1058 = tpu.memref_slice %arg4[%add3A, %dma_start3A_1056, %dma_start3A_1057] : memref<32x4096x128xf32, #tpu.memory_space<hbm>> -> memref<1x4096x128xf32, #tpu.memory_space<hbm>>
    %dma_start3A_1059 = tpu.memref_squeeze %dma_start3A_1058 : memref<1x4096x128xf32, #tpu.memory_space<hbm>> -> memref<4096x128xf32, #tpu.memory_space<hbm>>
    %dma_start3A_1060 = arith.constant 2816 : i32
    %dma_start3A_1061 = arith.constant 0 : i32
    %dma_start3A_1062 = tpu.memref_slice %dma_start3A_1059[%dma_start3A_1060, %dma_start3A_1061] : memref<4096x128xf32, #tpu.memory_space<hbm>> -> memref<128x128xf32, #tpu.memory_space<hbm>>
    %dma_start3A_1063 = arith.constant 0 : i32
    %dma_start3A_1064 = arith.constant 0 : i32
    %dma_start3A_1065 = tpu.memref_slice %arg4[%add3A, %dma_start3A_1063, %dma_start3A_1064] : memref<32x4096x128xf32, #tpu.memory_space<hbm>> -> memref<1x4096x128xf32, #tpu.memory_space<hbm>>
    %dma_start3A_1066 = tpu.memref_squeeze %dma_start3A_1065 : memref<1x4096x128xf32, #tpu.memory_space<hbm>> -> memref<4096x128xf32, #tpu.memory_space<hbm>>
    %dma_start3A_1067 = arith.constant 2816 : i32
    %dma_start3A_1068 = arith.constant 0 : i32
    %dma_start3A_1069 = tpu.memref_slice %dma_start3A_1066[%dma_start3A_1067, %dma_start3A_1068] : memref<4096x128xf32, #tpu.memory_space<hbm>> -> memref<128x128xf32, #tpu.memory_space<hbm>>
    tpu.enqueue_dma source(%arg8 : memref<128x128xf32, #tpu.memory_space<vmem>>) target(%dma_start3A_1069 : memref<128x128xf32, #tpu.memory_space<hbm>>) target_semaphore(%arg16 : memref<!tpu.dma_semaphore, #tpu.memory_space<semaphore_mem>>)
    %dma_wait3A_1070 = arith.constant 0 : i32
    %dma_wait3A_1071 = arith.constant 0 : i32
    %dma_wait3A_1072 = tpu.memref_slice %arg4[%add3A, %dma_wait3A_1070, %dma_wait3A_1071] : memref<32x4096x128xf32, #tpu.memory_space<hbm>> -> memref<1x4096x128xf32, #tpu.memory_space<hbm>>
    %dma_wait3A_1073 = tpu.memref_squeeze %dma_wait3A_1072 : memref<1x4096x128xf32, #tpu.memory_space<hbm>> -> memref<4096x128xf32, #tpu.memory_space<hbm>>
    %dma_wait3A_1074 = arith.constant 2816 : i32
    %dma_wait3A_1075 = arith.constant 0 : i32
    %dma_wait3A_1076 = tpu.memref_slice %dma_wait3A_1073[%dma_wait3A_1074, %dma_wait3A_1075] : memref<4096x128xf32, #tpu.memory_space<hbm>> -> memref<128x128xf32, #tpu.memory_space<hbm>>
    %dma_wait3A_1077 = arith.constant 0 : i32
    %dma_wait3A_1078 = arith.constant 0 : i32
    %dma_wait3A_1079 = tpu.memref_slice %arg4[%add3A, %dma_wait3A_1077, %dma_wait3A_1078] : memref<32x4096x128xf32, #tpu.memory_space<hbm>> -> memref<1x4096x128xf32, #tpu.memory_space<hbm>>
    %dma_wait3A_1080 = tpu.memref_squeeze %dma_wait3A_1079 : memref<1x4096x128xf32, #tpu.memory_space<hbm>> -> memref<4096x128xf32, #tpu.memory_space<hbm>>
    %dma_wait3A_1081 = arith.constant 2816 : i32
    %dma_wait3A_1082 = arith.constant 0 : i32
    %dma_wait3A_1083 = tpu.memref_slice %dma_wait3A_1080[%dma_wait3A_1081, %dma_wait3A_1082] : memref<4096x128xf32, #tpu.memory_space<hbm>> -> memref<128x128xf32, #tpu.memory_space<hbm>>
    tpu.wait_dma2 semaphore(%arg16 : memref<!tpu.dma_semaphore, #tpu.memory_space<semaphore_mem>>) src(%arg8 : memref<128x128xf32, #tpu.memory_space<vmem>>) dst(%dma_wait3A_1083 : memref<128x128xf32, #tpu.memory_space<hbm>>)
    %dma_start3A_1084 = arith.constant 3328 : i32
    %dma_start3A_1085 = tpu.memref_slice %arg5[%dma_start3A_1084] : memref<4096xi32, #tpu.memory_space<vmem>> -> memref<128xi32, #tpu.memory_space<vmem>>
    %dma_start3A_1086 = arith.constant 0 : i32
    %dma_start3A_1087 = arith.constant 0 : i32
    %dma_start3A_1088 = tpu.memref_slice %arg2[%add3A, %dma_start3A_1086, %dma_start3A_1087] : memref<32x8192x128xf32, #tpu.memory_space<hbm>> -> memref<1x8192x128xf32, #tpu.memory_space<hbm>>
    %dma_start3A_1089 = tpu.memref_squeeze %dma_start3A_1088 : memref<1x8192x128xf32, #tpu.memory_space<hbm>> -> memref<8192x128xf32, #tpu.memory_space<hbm>>
    %dma_start3A_1090 = arith.constant 0 : i32
    %dma_start3A_1091 = arith.constant 0 : i32
    %dma_start3A_1092 = tpu.memref_slice %dma_start3A_1089[%dma_start3A_1090, %dma_start3A_1091] : memref<8192x128xf32, #tpu.memory_space<hbm>> -> memref<8192x128xf32, #tpu.memory_space<hbm>>
    tpu.enqueue_indirect_dma source(%dma_start3A_1092 : memref<8192x128xf32, #tpu.memory_space<hbm>>) target(%arg8 : memref<128x128xf32, #tpu.memory_space<vmem>>) offsets(%dma_start3A_1085 : memref<128xi32, #tpu.memory_space<vmem>>) semaphore(%arg12 : memref<!tpu.dma_semaphore, #tpu.memory_space<semaphore_mem>>)
    %dma_wait3A_1093 = arith.constant 2944 : i32
    %dma_wait3A_1094 = tpu.memref_slice %arg5[%dma_wait3A_1093] : memref<4096xi32, #tpu.memory_space<vmem>> -> memref<128xi32, #tpu.memory_space<vmem>>
    %dma_wait3A_1095 = arith.constant 0 : i32
    %dma_wait3A_1096 = arith.constant 0 : i32
    %dma_wait3A_1097 = tpu.memref_slice %arg2[%add3A, %dma_wait3A_1095, %dma_wait3A_1096] : memref<32x8192x128xf32, #tpu.memory_space<hbm>> -> memref<1x8192x128xf32, #tpu.memory_space<hbm>>
    %dma_wait3A_1098 = tpu.memref_squeeze %dma_wait3A_1097 : memref<1x8192x128xf32, #tpu.memory_space<hbm>> -> memref<8192x128xf32, #tpu.memory_space<hbm>>
    %dma_wait3A_1099 = arith.constant 0 : i32
    %dma_wait3A_1100 = arith.constant 0 : i32
    %dma_wait3A_1101 = tpu.memref_slice %dma_wait3A_1098[%dma_wait3A_1099, %dma_wait3A_1100] : memref<8192x128xf32, #tpu.memory_space<hbm>> -> memref<8192x128xf32, #tpu.memory_space<hbm>>
    tpu.wait_indirect_dma semaphore(%arg13 : memref<!tpu.dma_semaphore, #tpu.memory_space<semaphore_mem>>) src(%dma_wait3A_1101 : memref<8192x128xf32, #tpu.memory_space<hbm>>) dst(%arg9 : memref<128x128xf32, #tpu.memory_space<vmem>>)
    %dma_start3A_1102 = arith.constant 0 : i32
    %dma_start3A_1103 = arith.constant 0 : i32
    %dma_start3A_1104 = tpu.memref_slice %arg4[%add3A, %dma_start3A_1102, %dma_start3A_1103] : memref<32x4096x128xf32, #tpu.memory_space<hbm>> -> memref<1x4096x128xf32, #tpu.memory_space<hbm>>
    %dma_start3A_1105 = tpu.memref_squeeze %dma_start3A_1104 : memref<1x4096x128xf32, #tpu.memory_space<hbm>> -> memref<4096x128xf32, #tpu.memory_space<hbm>>
    %dma_start3A_1106 = arith.constant 2944 : i32
    %dma_start3A_1107 = arith.constant 0 : i32
    %dma_start3A_1108 = tpu.memref_slice %dma_start3A_1105[%dma_start3A_1106, %dma_start3A_1107] : memref<4096x128xf32, #tpu.memory_space<hbm>> -> memref<128x128xf32, #tpu.memory_space<hbm>>
    %dma_start3A_1109 = arith.constant 0 : i32
    %dma_start3A_1110 = arith.constant 0 : i32
    %dma_start3A_1111 = tpu.memref_slice %arg4[%add3A, %dma_start3A_1109, %dma_start3A_1110] : memref<32x4096x128xf32, #tpu.memory_space<hbm>> -> memref<1x4096x128xf32, #tpu.memory_space<hbm>>
    %dma_start3A_1112 = tpu.memref_squeeze %dma_start3A_1111 : memref<1x4096x128xf32, #tpu.memory_space<hbm>> -> memref<4096x128xf32, #tpu.memory_space<hbm>>
    %dma_start3A_1113 = arith.constant 2944 : i32
    %dma_start3A_1114 = arith.constant 0 : i32
    %dma_start3A_1115 = tpu.memref_slice %dma_start3A_1112[%dma_start3A_1113, %dma_start3A_1114] : memref<4096x128xf32, #tpu.memory_space<hbm>> -> memref<128x128xf32, #tpu.memory_space<hbm>>
    tpu.enqueue_dma source(%arg9 : memref<128x128xf32, #tpu.memory_space<vmem>>) target(%dma_start3A_1115 : memref<128x128xf32, #tpu.memory_space<hbm>>) target_semaphore(%arg17 : memref<!tpu.dma_semaphore, #tpu.memory_space<semaphore_mem>>)
    %dma_wait3A_1116 = arith.constant 0 : i32
    %dma_wait3A_1117 = arith.constant 0 : i32
    %dma_wait3A_1118 = tpu.memref_slice %arg4[%add3A, %dma_wait3A_1116, %dma_wait3A_1117] : memref<32x4096x128xf32, #tpu.memory_space<hbm>> -> memref<1x4096x128xf32, #tpu.memory_space<hbm>>
    %dma_wait3A_1119 = tpu.memref_squeeze %dma_wait3A_1118 : memref<1x4096x128xf32, #tpu.memory_space<hbm>> -> memref<4096x128xf32, #tpu.memory_space<hbm>>
    %dma_wait3A_1120 = arith.constant 2944 : i32
    %dma_wait3A_1121 = arith.constant 0 : i32
    %dma_wait3A_1122 = tpu.memref_slice %dma_wait3A_1119[%dma_wait3A_1120, %dma_wait3A_1121] : memref<4096x128xf32, #tpu.memory_space<hbm>> -> memref<128x128xf32, #tpu.memory_space<hbm>>
    %dma_wait3A_1123 = arith.constant 0 : i32
    %dma_wait3A_1124 = arith.constant 0 : i32
    %dma_wait3A_1125 = tpu.memref_slice %arg4[%add3A, %dma_wait3A_1123, %dma_wait3A_1124] : memref<32x4096x128xf32, #tpu.memory_space<hbm>> -> memref<1x4096x128xf32, #tpu.memory_space<hbm>>
    %dma_wait3A_1126 = tpu.memref_squeeze %dma_wait3A_1125 : memref<1x4096x128xf32, #tpu.memory_space<hbm>> -> memref<4096x128xf32, #tpu.memory_space<hbm>>
    %dma_wait3A_1127 = arith.constant 2944 : i32
    %dma_wait3A_1128 = arith.constant 0 : i32
    %dma_wait3A_1129 = tpu.memref_slice %dma_wait3A_1126[%dma_wait3A_1127, %dma_wait3A_1128] : memref<4096x128xf32, #tpu.memory_space<hbm>> -> memref<128x128xf32, #tpu.memory_space<hbm>>
    tpu.wait_dma2 semaphore(%arg17 : memref<!tpu.dma_semaphore, #tpu.memory_space<semaphore_mem>>) src(%arg9 : memref<128x128xf32, #tpu.memory_space<vmem>>) dst(%dma_wait3A_1129 : memref<128x128xf32, #tpu.memory_space<hbm>>)
    %dma_start3A_1130 = arith.constant 3456 : i32
    %dma_start3A_1131 = tpu.memref_slice %arg5[%dma_start3A_1130] : memref<4096xi32, #tpu.memory_space<vmem>> -> memref<128xi32, #tpu.memory_space<vmem>>
    %dma_start3A_1132 = arith.constant 0 : i32
    %dma_start3A_1133 = arith.constant 0 : i32
    %dma_start3A_1134 = tpu.memref_slice %arg2[%add3A, %dma_start3A_1132, %dma_start3A_1133] : memref<32x8192x128xf32, #tpu.memory_space<hbm>> -> memref<1x8192x128xf32, #tpu.memory_space<hbm>>
    %dma_start3A_1135 = tpu.memref_squeeze %dma_start3A_1134 : memref<1x8192x128xf32, #tpu.memory_space<hbm>> -> memref<8192x128xf32, #tpu.memory_space<hbm>>
    %dma_start3A_1136 = arith.constant 0 : i32
    %dma_start3A_1137 = arith.constant 0 : i32
    %dma_start3A_1138 = tpu.memref_slice %dma_start3A_1135[%dma_start3A_1136, %dma_start3A_1137] : memref<8192x128xf32, #tpu.memory_space<hbm>> -> memref<8192x128xf32, #tpu.memory_space<hbm>>
    tpu.enqueue_indirect_dma source(%dma_start3A_1138 : memref<8192x128xf32, #tpu.memory_space<hbm>>) target(%arg9 : memref<128x128xf32, #tpu.memory_space<vmem>>) offsets(%dma_start3A_1131 : memref<128xi32, #tpu.memory_space<vmem>>) semaphore(%arg13 : memref<!tpu.dma_semaphore, #tpu.memory_space<semaphore_mem>>)
    %dma_wait3A_1139 = arith.constant 3072 : i32
    %dma_wait3A_1140 = tpu.memref_slice %arg5[%dma_wait3A_1139] : memref<4096xi32, #tpu.memory_space<vmem>> -> memref<128xi32, #tpu.memory_space<vmem>>
    %dma_wait3A_1141 = arith.constant 0 : i32
    %dma_wait3A_1142 = arith.constant 0 : i32
    %dma_wait3A_1143 = tpu.memref_slice %arg2[%add3A, %dma_wait3A_1141, %dma_wait3A_1142] : memref<32x8192x128xf32, #tpu.memory_space<hbm>> -> memref<1x8192x128xf32, #tpu.memory_space<hbm>>
    %dma_wait3A_1144 = tpu.memref_squeeze %dma_wait3A_1143 : memref<1x8192x128xf32, #tpu.memory_space<hbm>> -> memref<8192x128xf32, #tpu.memory_space<hbm>>
    %dma_wait3A_1145 = arith.constant 0 : i32
    %dma_wait3A_1146 = arith.constant 0 : i32
    %dma_wait3A_1147 = tpu.memref_slice %dma_wait3A_1144[%dma_wait3A_1145, %dma_wait3A_1146] : memref<8192x128xf32, #tpu.memory_space<hbm>> -> memref<8192x128xf32, #tpu.memory_space<hbm>>
    tpu.wait_indirect_dma semaphore(%arg10 : memref<!tpu.dma_semaphore, #tpu.memory_space<semaphore_mem>>) src(%dma_wait3A_1147 : memref<8192x128xf32, #tpu.memory_space<hbm>>) dst(%arg6 : memref<128x128xf32, #tpu.memory_space<vmem>>)
    %dma_start3A_1148 = arith.constant 0 : i32
    %dma_start3A_1149 = arith.constant 0 : i32
    %dma_start3A_1150 = tpu.memref_slice %arg4[%add3A, %dma_start3A_1148, %dma_start3A_1149] : memref<32x4096x128xf32, #tpu.memory_space<hbm>> -> memref<1x4096x128xf32, #tpu.memory_space<hbm>>
    %dma_start3A_1151 = tpu.memref_squeeze %dma_start3A_1150 : memref<1x4096x128xf32, #tpu.memory_space<hbm>> -> memref<4096x128xf32, #tpu.memory_space<hbm>>
    %dma_start3A_1152 = arith.constant 3072 : i32
    %dma_start3A_1153 = arith.constant 0 : i32
    %dma_start3A_1154 = tpu.memref_slice %dma_start3A_1151[%dma_start3A_1152, %dma_start3A_1153] : memref<4096x128xf32, #tpu.memory_space<hbm>> -> memref<128x128xf32, #tpu.memory_space<hbm>>
    %dma_start3A_1155 = arith.constant 0 : i32
    %dma_start3A_1156 = arith.constant 0 : i32
    %dma_start3A_1157 = tpu.memref_slice %arg4[%add3A, %dma_start3A_1155, %dma_start3A_1156] : memref<32x4096x128xf32, #tpu.memory_space<hbm>> -> memref<1x4096x128xf32, #tpu.memory_space<hbm>>
    %dma_start3A_1158 = tpu.memref_squeeze %dma_start3A_1157 : memref<1x4096x128xf32, #tpu.memory_space<hbm>> -> memref<4096x128xf32, #tpu.memory_space<hbm>>
    %dma_start3A_1159 = arith.constant 3072 : i32
    %dma_start3A_1160 = arith.constant 0 : i32
    %dma_start3A_1161 = tpu.memref_slice %dma_start3A_1158[%dma_start3A_1159, %dma_start3A_1160] : memref<4096x128xf32, #tpu.memory_space<hbm>> -> memref<128x128xf32, #tpu.memory_space<hbm>>
    tpu.enqueue_dma source(%arg6 : memref<128x128xf32, #tpu.memory_space<vmem>>) target(%dma_start3A_1161 : memref<128x128xf32, #tpu.memory_space<hbm>>) target_semaphore(%arg14 : memref<!tpu.dma_semaphore, #tpu.memory_space<semaphore_mem>>)
    %dma_wait3A_1162 = arith.constant 0 : i32
    %dma_wait3A_1163 = arith.constant 0 : i32
    %dma_wait3A_1164 = tpu.memref_slice %arg4[%add3A, %dma_wait3A_1162, %dma_wait3A_1163] : memref<32x4096x128xf32, #tpu.memory_space<hbm>> -> memref<1x4096x128xf32, #tpu.memory_space<hbm>>
    %dma_wait3A_1165 = tpu.memref_squeeze %dma_wait3A_1164 : memref<1x4096x128xf32, #tpu.memory_space<hbm>> -> memref<4096x128xf32, #tpu.memory_space<hbm>>
    %dma_wait3A_1166 = arith.constant 3072 : i32
    %dma_wait3A_1167 = arith.constant 0 : i32
    %dma_wait3A_1168 = tpu.memref_slice %dma_wait3A_1165[%dma_wait3A_1166, %dma_wait3A_1167] : memref<4096x128xf32, #tpu.memory_space<hbm>> -> memref<128x128xf32, #tpu.memory_space<hbm>>
    %dma_wait3A_1169 = arith.constant 0 : i32
    %dma_wait3A_1170 = arith.constant 0 : i32
    %dma_wait3A_1171 = tpu.memref_slice %arg4[%add3A, %dma_wait3A_1169, %dma_wait3A_1170] : memref<32x4096x128xf32, #tpu.memory_space<hbm>> -> memref<1x4096x128xf32, #tpu.memory_space<hbm>>
    %dma_wait3A_1172 = tpu.memref_squeeze %dma_wait3A_1171 : memref<1x4096x128xf32, #tpu.memory_space<hbm>> -> memref<4096x128xf32, #tpu.memory_space<hbm>>
    %dma_wait3A_1173 = arith.constant 3072 : i32
    %dma_wait3A_1174 = arith.constant 0 : i32
    %dma_wait3A_1175 = tpu.memref_slice %dma_wait3A_1172[%dma_wait3A_1173, %dma_wait3A_1174] : memref<4096x128xf32, #tpu.memory_space<hbm>> -> memref<128x128xf32, #tpu.memory_space<hbm>>
    tpu.wait_dma2 semaphore(%arg14 : memref<!tpu.dma_semaphore, #tpu.memory_space<semaphore_mem>>) src(%arg6 : memref<128x128xf32, #tpu.memory_space<vmem>>) dst(%dma_wait3A_1175 : memref<128x128xf32, #tpu.memory_space<hbm>>)
    %dma_start3A_1176 = arith.constant 3584 : i32
    %dma_start3A_1177 = tpu.memref_slice %arg5[%dma_start3A_1176] : memref<4096xi32, #tpu.memory_space<vmem>> -> memref<128xi32, #tpu.memory_space<vmem>>
    %dma_start3A_1178 = arith.constant 0 : i32
    %dma_start3A_1179 = arith.constant 0 : i32
    %dma_start3A_1180 = tpu.memref_slice %arg2[%add3A, %dma_start3A_1178, %dma_start3A_1179] : memref<32x8192x128xf32, #tpu.memory_space<hbm>> -> memref<1x8192x128xf32, #tpu.memory_space<hbm>>
    %dma_start3A_1181 = tpu.memref_squeeze %dma_start3A_1180 : memref<1x8192x128xf32, #tpu.memory_space<hbm>> -> memref<8192x128xf32, #tpu.memory_space<hbm>>
    %dma_start3A_1182 = arith.constant 0 : i32
    %dma_start3A_1183 = arith.constant 0 : i32
    %dma_start3A_1184 = tpu.memref_slice %dma_start3A_1181[%dma_start3A_1182, %dma_start3A_1183] : memref<8192x128xf32, #tpu.memory_space<hbm>> -> memref<8192x128xf32, #tpu.memory_space<hbm>>
    tpu.enqueue_indirect_dma source(%dma_start3A_1184 : memref<8192x128xf32, #tpu.memory_space<hbm>>) target(%arg6 : memref<128x128xf32, #tpu.memory_space<vmem>>) offsets(%dma_start3A_1177 : memref<128xi32, #tpu.memory_space<vmem>>) semaphore(%arg10 : memref<!tpu.dma_semaphore, #tpu.memory_space<semaphore_mem>>)
    %dma_wait3A_1185 = arith.constant 3200 : i32
    %dma_wait3A_1186 = tpu.memref_slice %arg5[%dma_wait3A_1185] : memref<4096xi32, #tpu.memory_space<vmem>> -> memref<128xi32, #tpu.memory_space<vmem>>
    %dma_wait3A_1187 = arith.constant 0 : i32
    %dma_wait3A_1188 = arith.constant 0 : i32
    %dma_wait3A_1189 = tpu.memref_slice %arg2[%add3A, %dma_wait3A_1187, %dma_wait3A_1188] : memref<32x8192x128xf32, #tpu.memory_space<hbm>> -> memref<1x8192x128xf32, #tpu.memory_space<hbm>>
    %dma_wait3A_1190 = tpu.memref_squeeze %dma_wait3A_1189 : memref<1x8192x128xf32, #tpu.memory_space<hbm>> -> memref<8192x128xf32, #tpu.memory_space<hbm>>
    %dma_wait3A_1191 = arith.constant 0 : i32
    %dma_wait3A_1192 = arith.constant 0 : i32
    %dma_wait3A_1193 = tpu.memref_slice %dma_wait3A_1190[%dma_wait3A_1191, %dma_wait3A_1192] : memref<8192x128xf32, #tpu.memory_space<hbm>> -> memref<8192x128xf32, #tpu.memory_space<hbm>>
    tpu.wait_indirect_dma semaphore(%arg11 : memref<!tpu.dma_semaphore, #tpu.memory_space<semaphore_mem>>) src(%dma_wait3A_1193 : memref<8192x128xf32, #tpu.memory_space<hbm>>) dst(%arg7 : memref<128x128xf32, #tpu.memory_space<vmem>>)
    %dma_start3A_1194 = arith.constant 0 : i32
    %dma_start3A_1195 = arith.constant 0 : i32
    %dma_start3A_1196 = tpu.memref_slice %arg4[%add3A, %dma_start3A_1194, %dma_start3A_1195] : memref<32x4096x128xf32, #tpu.memory_space<hbm>> -> memref<1x4096x128xf32, #tpu.memory_space<hbm>>
    %dma_start3A_1197 = tpu.memref_squeeze %dma_start3A_1196 : memref<1x4096x128xf32, #tpu.memory_space<hbm>> -> memref<4096x128xf32, #tpu.memory_space<hbm>>
    %dma_start3A_1198 = arith.constant 3200 : i32
    %dma_start3A_1199 = arith.constant 0 : i32
    %dma_start3A_1200 = tpu.memref_slice %dma_start3A_1197[%dma_start3A_1198, %dma_start3A_1199] : memref<4096x128xf32, #tpu.memory_space<hbm>> -> memref<128x128xf32, #tpu.memory_space<hbm>>
    %dma_start3A_1201 = arith.constant 0 : i32
    %dma_start3A_1202 = arith.constant 0 : i32
    %dma_start3A_1203 = tpu.memref_slice %arg4[%add3A, %dma_start3A_1201, %dma_start3A_1202] : memref<32x4096x128xf32, #tpu.memory_space<hbm>> -> memref<1x4096x128xf32, #tpu.memory_space<hbm>>
    %dma_start3A_1204 = tpu.memref_squeeze %dma_start3A_1203 : memref<1x4096x128xf32, #tpu.memory_space<hbm>> -> memref<4096x128xf32, #tpu.memory_space<hbm>>
    %dma_start3A_1205 = arith.constant 3200 : i32
    %dma_start3A_1206 = arith.constant 0 : i32
    %dma_start3A_1207 = tpu.memref_slice %dma_start3A_1204[%dma_start3A_1205, %dma_start3A_1206] : memref<4096x128xf32, #tpu.memory_space<hbm>> -> memref<128x128xf32, #tpu.memory_space<hbm>>
    tpu.enqueue_dma source(%arg7 : memref<128x128xf32, #tpu.memory_space<vmem>>) target(%dma_start3A_1207 : memref<128x128xf32, #tpu.memory_space<hbm>>) target_semaphore(%arg15 : memref<!tpu.dma_semaphore, #tpu.memory_space<semaphore_mem>>)
    %dma_wait3A_1208 = arith.constant 0 : i32
    %dma_wait3A_1209 = arith.constant 0 : i32
    %dma_wait3A_1210 = tpu.memref_slice %arg4[%add3A, %dma_wait3A_1208, %dma_wait3A_1209] : memref<32x4096x128xf32, #tpu.memory_space<hbm>> -> memref<1x4096x128xf32, #tpu.memory_space<hbm>>
    %dma_wait3A_1211 = tpu.memref_squeeze %dma_wait3A_1210 : memref<1x4096x128xf32, #tpu.memory_space<hbm>> -> memref<4096x128xf32, #tpu.memory_space<hbm>>
    %dma_wait3A_1212 = arith.constant 3200 : i32
    %dma_wait3A_1213 = arith.constant 0 : i32
    %dma_wait3A_1214 = tpu.memref_slice %dma_wait3A_1211[%dma_wait3A_1212, %dma_wait3A_1213] : memref<4096x128xf32, #tpu.memory_space<hbm>> -> memref<128x128xf32, #tpu.memory_space<hbm>>
    %dma_wait3A_1215 = arith.constant 0 : i32
    %dma_wait3A_1216 = arith.constant 0 : i32
    %dma_wait3A_1217 = tpu.memref_slice %arg4[%add3A, %dma_wait3A_1215, %dma_wait3A_1216] : memref<32x4096x128xf32, #tpu.memory_space<hbm>> -> memref<1x4096x128xf32, #tpu.memory_space<hbm>>
    %dma_wait3A_1218 = tpu.memref_squeeze %dma_wait3A_1217 : memref<1x4096x128xf32, #tpu.memory_space<hbm>> -> memref<4096x128xf32, #tpu.memory_space<hbm>>
    %dma_wait3A_1219 = arith.constant 3200 : i32
    %dma_wait3A_1220 = arith.constant 0 : i32
    %dma_wait3A_1221 = tpu.memref_slice %dma_wait3A_1218[%dma_wait3A_1219, %dma_wait3A_1220] : memref<4096x128xf32, #tpu.memory_space<hbm>> -> memref<128x128xf32, #tpu.memory_space<hbm>>
    tpu.wait_dma2 semaphore(%arg15 : memref<!tpu.dma_semaphore, #tpu.memory_space<semaphore_mem>>) src(%arg7 : memref<128x128xf32, #tpu.memory_space<vmem>>) dst(%dma_wait3A_1221 : memref<128x128xf32, #tpu.memory_space<hbm>>)
    %dma_start3A_1222 = arith.constant 3712 : i32
    %dma_start3A_1223 = tpu.memref_slice %arg5[%dma_start3A_1222] : memref<4096xi32, #tpu.memory_space<vmem>> -> memref<128xi32, #tpu.memory_space<vmem>>
    %dma_start3A_1224 = arith.constant 0 : i32
    %dma_start3A_1225 = arith.constant 0 : i32
    %dma_start3A_1226 = tpu.memref_slice %arg2[%add3A, %dma_start3A_1224, %dma_start3A_1225] : memref<32x8192x128xf32, #tpu.memory_space<hbm>> -> memref<1x8192x128xf32, #tpu.memory_space<hbm>>
    %dma_start3A_1227 = tpu.memref_squeeze %dma_start3A_1226 : memref<1x8192x128xf32, #tpu.memory_space<hbm>> -> memref<8192x128xf32, #tpu.memory_space<hbm>>
    %dma_start3A_1228 = arith.constant 0 : i32
    %dma_start3A_1229 = arith.constant 0 : i32
    %dma_start3A_1230 = tpu.memref_slice %dma_start3A_1227[%dma_start3A_1228, %dma_start3A_1229] : memref<8192x128xf32, #tpu.memory_space<hbm>> -> memref<8192x128xf32, #tpu.memory_space<hbm>>
    tpu.enqueue_indirect_dma source(%dma_start3A_1230 : memref<8192x128xf32, #tpu.memory_space<hbm>>) target(%arg7 : memref<128x128xf32, #tpu.memory_space<vmem>>) offsets(%dma_start3A_1223 : memref<128xi32, #tpu.memory_space<vmem>>) semaphore(%arg11 : memref<!tpu.dma_semaphore, #tpu.memory_space<semaphore_mem>>)
    %dma_wait3A_1231 = arith.constant 3328 : i32
    %dma_wait3A_1232 = tpu.memref_slice %arg5[%dma_wait3A_1231] : memref<4096xi32, #tpu.memory_space<vmem>> -> memref<128xi32, #tpu.memory_space<vmem>>
    %dma_wait3A_1233 = arith.constant 0 : i32
    %dma_wait3A_1234 = arith.constant 0 : i32
    %dma_wait3A_1235 = tpu.memref_slice %arg2[%add3A, %dma_wait3A_1233, %dma_wait3A_1234] : memref<32x8192x128xf32, #tpu.memory_space<hbm>> -> memref<1x8192x128xf32, #tpu.memory_space<hbm>>
    %dma_wait3A_1236 = tpu.memref_squeeze %dma_wait3A_1235 : memref<1x8192x128xf32, #tpu.memory_space<hbm>> -> memref<8192x128xf32, #tpu.memory_space<hbm>>
    %dma_wait3A_1237 = arith.constant 0 : i32
    %dma_wait3A_1238 = arith.constant 0 : i32
    %dma_wait3A_1239 = tpu.memref_slice %dma_wait3A_1236[%dma_wait3A_1237, %dma_wait3A_1238] : memref<8192x128xf32, #tpu.memory_space<hbm>> -> memref<8192x128xf32, #tpu.memory_space<hbm>>
    tpu.wait_indirect_dma semaphore(%arg12 : memref<!tpu.dma_semaphore, #tpu.memory_space<semaphore_mem>>) src(%dma_wait3A_1239 : memref<8192x128xf32, #tpu.memory_space<hbm>>) dst(%arg8 : memref<128x128xf32, #tpu.memory_space<vmem>>)
    %dma_start3A_1240 = arith.constant 0 : i32
    %dma_start3A_1241 = arith.constant 0 : i32
    %dma_start3A_1242 = tpu.memref_slice %arg4[%add3A, %dma_start3A_1240, %dma_start3A_1241] : memref<32x4096x128xf32, #tpu.memory_space<hbm>> -> memref<1x4096x128xf32, #tpu.memory_space<hbm>>
    %dma_start3A_1243 = tpu.memref_squeeze %dma_start3A_1242 : memref<1x4096x128xf32, #tpu.memory_space<hbm>> -> memref<4096x128xf32, #tpu.memory_space<hbm>>
    %dma_start3A_1244 = arith.constant 3328 : i32
    %dma_start3A_1245 = arith.constant 0 : i32
    %dma_start3A_1246 = tpu.memref_slice %dma_start3A_1243[%dma_start3A_1244, %dma_start3A_1245] : memref<4096x128xf32, #tpu.memory_space<hbm>> -> memref<128x128xf32, #tpu.memory_space<hbm>>
    %dma_start3A_1247 = arith.constant 0 : i32
    %dma_start3A_1248 = arith.constant 0 : i32
    %dma_start3A_1249 = tpu.memref_slice %arg4[%add3A, %dma_start3A_1247, %dma_start3A_1248] : memref<32x4096x128xf32, #tpu.memory_space<hbm>> -> memref<1x4096x128xf32, #tpu.memory_space<hbm>>
    %dma_start3A_1250 = tpu.memref_squeeze %dma_start3A_1249 : memref<1x4096x128xf32, #tpu.memory_space<hbm>> -> memref<4096x128xf32, #tpu.memory_space<hbm>>
    %dma_start3A_1251 = arith.constant 3328 : i32
    %dma_start3A_1252 = arith.constant 0 : i32
    %dma_start3A_1253 = tpu.memref_slice %dma_start3A_1250[%dma_start3A_1251, %dma_start3A_1252] : memref<4096x128xf32, #tpu.memory_space<hbm>> -> memref<128x128xf32, #tpu.memory_space<hbm>>
    tpu.enqueue_dma source(%arg8 : memref<128x128xf32, #tpu.memory_space<vmem>>) target(%dma_start3A_1253 : memref<128x128xf32, #tpu.memory_space<hbm>>) target_semaphore(%arg16 : memref<!tpu.dma_semaphore, #tpu.memory_space<semaphore_mem>>)
    %dma_wait3A_1254 = arith.constant 0 : i32
    %dma_wait3A_1255 = arith.constant 0 : i32
    %dma_wait3A_1256 = tpu.memref_slice %arg4[%add3A, %dma_wait3A_1254, %dma_wait3A_1255] : memref<32x4096x128xf32, #tpu.memory_space<hbm>> -> memref<1x4096x128xf32, #tpu.memory_space<hbm>>
    %dma_wait3A_1257 = tpu.memref_squeeze %dma_wait3A_1256 : memref<1x4096x128xf32, #tpu.memory_space<hbm>> -> memref<4096x128xf32, #tpu.memory_space<hbm>>
    %dma_wait3A_1258 = arith.constant 3328 : i32
    %dma_wait3A_1259 = arith.constant 0 : i32
    %dma_wait3A_1260 = tpu.memref_slice %dma_wait3A_1257[%dma_wait3A_1258, %dma_wait3A_1259] : memref<4096x128xf32, #tpu.memory_space<hbm>> -> memref<128x128xf32, #tpu.memory_space<hbm>>
    %dma_wait3A_1261 = arith.constant 0 : i32
    %dma_wait3A_1262 = arith.constant 0 : i32
    %dma_wait3A_1263 = tpu.memref_slice %arg4[%add3A, %dma_wait3A_1261, %dma_wait3A_1262] : memref<32x4096x128xf32, #tpu.memory_space<hbm>> -> memref<1x4096x128xf32, #tpu.memory_space<hbm>>
    %dma_wait3A_1264 = tpu.memref_squeeze %dma_wait3A_1263 : memref<1x4096x128xf32, #tpu.memory_space<hbm>> -> memref<4096x128xf32, #tpu.memory_space<hbm>>
    %dma_wait3A_1265 = arith.constant 3328 : i32
    %dma_wait3A_1266 = arith.constant 0 : i32
    %dma_wait3A_1267 = tpu.memref_slice %dma_wait3A_1264[%dma_wait3A_1265, %dma_wait3A_1266] : memref<4096x128xf32, #tpu.memory_space<hbm>> -> memref<128x128xf32, #tpu.memory_space<hbm>>
    tpu.wait_dma2 semaphore(%arg16 : memref<!tpu.dma_semaphore, #tpu.memory_space<semaphore_mem>>) src(%arg8 : memref<128x128xf32, #tpu.memory_space<vmem>>) dst(%dma_wait3A_1267 : memref<128x128xf32, #tpu.memory_space<hbm>>)
    %dma_start3A_1268 = arith.constant 3840 : i32
    %dma_start3A_1269 = tpu.memref_slice %arg5[%dma_start3A_1268] : memref<4096xi32, #tpu.memory_space<vmem>> -> memref<128xi32, #tpu.memory_space<vmem>>
    %dma_start3A_1270 = arith.constant 0 : i32
    %dma_start3A_1271 = arith.constant 0 : i32
    %dma_start3A_1272 = tpu.memref_slice %arg2[%add3A, %dma_start3A_1270, %dma_start3A_1271] : memref<32x8192x128xf32, #tpu.memory_space<hbm>> -> memref<1x8192x128xf32, #tpu.memory_space<hbm>>
    %dma_start3A_1273 = tpu.memref_squeeze %dma_start3A_1272 : memref<1x8192x128xf32, #tpu.memory_space<hbm>> -> memref<8192x128xf32, #tpu.memory_space<hbm>>
    %dma_start3A_1274 = arith.constant 0 : i32
    %dma_start3A_1275 = arith.constant 0 : i32
    %dma_start3A_1276 = tpu.memref_slice %dma_start3A_1273[%dma_start3A_1274, %dma_start3A_1275] : memref<8192x128xf32, #tpu.memory_space<hbm>> -> memref<8192x128xf32, #tpu.memory_space<hbm>>
    tpu.enqueue_indirect_dma source(%dma_start3A_1276 : memref<8192x128xf32, #tpu.memory_space<hbm>>) target(%arg8 : memref<128x128xf32, #tpu.memory_space<vmem>>) offsets(%dma_start3A_1269 : memref<128xi32, #tpu.memory_space<vmem>>) semaphore(%arg12 : memref<!tpu.dma_semaphore, #tpu.memory_space<semaphore_mem>>)
    %dma_wait3A_1277 = arith.constant 3456 : i32
    %dma_wait3A_1278 = tpu.memref_slice %arg5[%dma_wait3A_1277] : memref<4096xi32, #tpu.memory_space<vmem>> -> memref<128xi32, #tpu.memory_space<vmem>>
    %dma_wait3A_1279 = arith.constant 0 : i32
    %dma_wait3A_1280 = arith.constant 0 : i32
    %dma_wait3A_1281 = tpu.memref_slice %arg2[%add3A, %dma_wait3A_1279, %dma_wait3A_1280] : memref<32x8192x128xf32, #tpu.memory_space<hbm>> -> memref<1x8192x128xf32, #tpu.memory_space<hbm>>
    %dma_wait3A_1282 = tpu.memref_squeeze %dma_wait3A_1281 : memref<1x8192x128xf32, #tpu.memory_space<hbm>> -> memref<8192x128xf32, #tpu.memory_space<hbm>>
    %dma_wait3A_1283 = arith.constant 0 : i32
    %dma_wait3A_1284 = arith.constant 0 : i32
    %dma_wait3A_1285 = tpu.memref_slice %dma_wait3A_1282[%dma_wait3A_1283, %dma_wait3A_1284] : memref<8192x128xf32, #tpu.memory_space<hbm>> -> memref<8192x128xf32, #tpu.memory_space<hbm>>
    tpu.wait_indirect_dma semaphore(%arg13 : memref<!tpu.dma_semaphore, #tpu.memory_space<semaphore_mem>>) src(%dma_wait3A_1285 : memref<8192x128xf32, #tpu.memory_space<hbm>>) dst(%arg9 : memref<128x128xf32, #tpu.memory_space<vmem>>)
    %dma_start3A_1286 = arith.constant 0 : i32
    %dma_start3A_1287 = arith.constant 0 : i32
    %dma_start3A_1288 = tpu.memref_slice %arg4[%add3A, %dma_start3A_1286, %dma_start3A_1287] : memref<32x4096x128xf32, #tpu.memory_space<hbm>> -> memref<1x4096x128xf32, #tpu.memory_space<hbm>>
    %dma_start3A_1289 = tpu.memref_squeeze %dma_start3A_1288 : memref<1x4096x128xf32, #tpu.memory_space<hbm>> -> memref<4096x128xf32, #tpu.memory_space<hbm>>
    %dma_start3A_1290 = arith.constant 3456 : i32
    %dma_start3A_1291 = arith.constant 0 : i32
    %dma_start3A_1292 = tpu.memref_slice %dma_start3A_1289[%dma_start3A_1290, %dma_start3A_1291] : memref<4096x128xf32, #tpu.memory_space<hbm>> -> memref<128x128xf32, #tpu.memory_space<hbm>>
    %dma_start3A_1293 = arith.constant 0 : i32
    %dma_start3A_1294 = arith.constant 0 : i32
    %dma_start3A_1295 = tpu.memref_slice %arg4[%add3A, %dma_start3A_1293, %dma_start3A_1294] : memref<32x4096x128xf32, #tpu.memory_space<hbm>> -> memref<1x4096x128xf32, #tpu.memory_space<hbm>>
    %dma_start3A_1296 = tpu.memref_squeeze %dma_start3A_1295 : memref<1x4096x128xf32, #tpu.memory_space<hbm>> -> memref<4096x128xf32, #tpu.memory_space<hbm>>
    %dma_start3A_1297 = arith.constant 3456 : i32
    %dma_start3A_1298 = arith.constant 0 : i32
    %dma_start3A_1299 = tpu.memref_slice %dma_start3A_1296[%dma_start3A_1297, %dma_start3A_1298] : memref<4096x128xf32, #tpu.memory_space<hbm>> -> memref<128x128xf32, #tpu.memory_space<hbm>>
    tpu.enqueue_dma source(%arg9 : memref<128x128xf32, #tpu.memory_space<vmem>>) target(%dma_start3A_1299 : memref<128x128xf32, #tpu.memory_space<hbm>>) target_semaphore(%arg17 : memref<!tpu.dma_semaphore, #tpu.memory_space<semaphore_mem>>)
    %dma_wait3A_1300 = arith.constant 0 : i32
    %dma_wait3A_1301 = arith.constant 0 : i32
    %dma_wait3A_1302 = tpu.memref_slice %arg4[%add3A, %dma_wait3A_1300, %dma_wait3A_1301] : memref<32x4096x128xf32, #tpu.memory_space<hbm>> -> memref<1x4096x128xf32, #tpu.memory_space<hbm>>
    %dma_wait3A_1303 = tpu.memref_squeeze %dma_wait3A_1302 : memref<1x4096x128xf32, #tpu.memory_space<hbm>> -> memref<4096x128xf32, #tpu.memory_space<hbm>>
    %dma_wait3A_1304 = arith.constant 3456 : i32
    %dma_wait3A_1305 = arith.constant 0 : i32
    %dma_wait3A_1306 = tpu.memref_slice %dma_wait3A_1303[%dma_wait3A_1304, %dma_wait3A_1305] : memref<4096x128xf32, #tpu.memory_space<hbm>> -> memref<128x128xf32, #tpu.memory_space<hbm>>
    %dma_wait3A_1307 = arith.constant 0 : i32
    %dma_wait3A_1308 = arith.constant 0 : i32
    %dma_wait3A_1309 = tpu.memref_slice %arg4[%add3A, %dma_wait3A_1307, %dma_wait3A_1308] : memref<32x4096x128xf32, #tpu.memory_space<hbm>> -> memref<1x4096x128xf32, #tpu.memory_space<hbm>>
    %dma_wait3A_1310 = tpu.memref_squeeze %dma_wait3A_1309 : memref<1x4096x128xf32, #tpu.memory_space<hbm>> -> memref<4096x128xf32, #tpu.memory_space<hbm>>
    %dma_wait3A_1311 = arith.constant 3456 : i32
    %dma_wait3A_1312 = arith.constant 0 : i32
    %dma_wait3A_1313 = tpu.memref_slice %dma_wait3A_1310[%dma_wait3A_1311, %dma_wait3A_1312] : memref<4096x128xf32, #tpu.memory_space<hbm>> -> memref<128x128xf32, #tpu.memory_space<hbm>>
    tpu.wait_dma2 semaphore(%arg17 : memref<!tpu.dma_semaphore, #tpu.memory_space<semaphore_mem>>) src(%arg9 : memref<128x128xf32, #tpu.memory_space<vmem>>) dst(%dma_wait3A_1313 : memref<128x128xf32, #tpu.memory_space<hbm>>)
    %dma_start3A_1314 = arith.constant 3968 : i32
    %dma_start3A_1315 = tpu.memref_slice %arg5[%dma_start3A_1314] : memref<4096xi32, #tpu.memory_space<vmem>> -> memref<128xi32, #tpu.memory_space<vmem>>
    %dma_start3A_1316 = arith.constant 0 : i32
    %dma_start3A_1317 = arith.constant 0 : i32
    %dma_start3A_1318 = tpu.memref_slice %arg2[%add3A, %dma_start3A_1316, %dma_start3A_1317] : memref<32x8192x128xf32, #tpu.memory_space<hbm>> -> memref<1x8192x128xf32, #tpu.memory_space<hbm>>
    %dma_start3A_1319 = tpu.memref_squeeze %dma_start3A_1318 : memref<1x8192x128xf32, #tpu.memory_space<hbm>> -> memref<8192x128xf32, #tpu.memory_space<hbm>>
    %dma_start3A_1320 = arith.constant 0 : i32
    %dma_start3A_1321 = arith.constant 0 : i32
    %dma_start3A_1322 = tpu.memref_slice %dma_start3A_1319[%dma_start3A_1320, %dma_start3A_1321] : memref<8192x128xf32, #tpu.memory_space<hbm>> -> memref<8192x128xf32, #tpu.memory_space<hbm>>
    tpu.enqueue_indirect_dma source(%dma_start3A_1322 : memref<8192x128xf32, #tpu.memory_space<hbm>>) target(%arg9 : memref<128x128xf32, #tpu.memory_space<vmem>>) offsets(%dma_start3A_1315 : memref<128xi32, #tpu.memory_space<vmem>>) semaphore(%arg13 : memref<!tpu.dma_semaphore, #tpu.memory_space<semaphore_mem>>)
    %dma_wait3A_1323 = arith.constant 3584 : i32
    %dma_wait3A_1324 = tpu.memref_slice %arg5[%dma_wait3A_1323] : memref<4096xi32, #tpu.memory_space<vmem>> -> memref<128xi32, #tpu.memory_space<vmem>>
    %dma_wait3A_1325 = arith.constant 0 : i32
    %dma_wait3A_1326 = arith.constant 0 : i32
    %dma_wait3A_1327 = tpu.memref_slice %arg2[%add3A, %dma_wait3A_1325, %dma_wait3A_1326] : memref<32x8192x128xf32, #tpu.memory_space<hbm>> -> memref<1x8192x128xf32, #tpu.memory_space<hbm>>
    %dma_wait3A_1328 = tpu.memref_squeeze %dma_wait3A_1327 : memref<1x8192x128xf32, #tpu.memory_space<hbm>> -> memref<8192x128xf32, #tpu.memory_space<hbm>>
    %dma_wait3A_1329 = arith.constant 0 : i32
    %dma_wait3A_1330 = arith.constant 0 : i32
    %dma_wait3A_1331 = tpu.memref_slice %dma_wait3A_1328[%dma_wait3A_1329, %dma_wait3A_1330] : memref<8192x128xf32, #tpu.memory_space<hbm>> -> memref<8192x128xf32, #tpu.memory_space<hbm>>
    tpu.wait_indirect_dma semaphore(%arg10 : memref<!tpu.dma_semaphore, #tpu.memory_space<semaphore_mem>>) src(%dma_wait3A_1331 : memref<8192x128xf32, #tpu.memory_space<hbm>>) dst(%arg6 : memref<128x128xf32, #tpu.memory_space<vmem>>)
    %dma_start3A_1332 = arith.constant 0 : i32
    %dma_start3A_1333 = arith.constant 0 : i32
    %dma_start3A_1334 = tpu.memref_slice %arg4[%add3A, %dma_start3A_1332, %dma_start3A_1333] : memref<32x4096x128xf32, #tpu.memory_space<hbm>> -> memref<1x4096x128xf32, #tpu.memory_space<hbm>>
    %dma_start3A_1335 = tpu.memref_squeeze %dma_start3A_1334 : memref<1x4096x128xf32, #tpu.memory_space<hbm>> -> memref<4096x128xf32, #tpu.memory_space<hbm>>
    %dma_start3A_1336 = arith.constant 3584 : i32
    %dma_start3A_1337 = arith.constant 0 : i32
    %dma_start3A_1338 = tpu.memref_slice %dma_start3A_1335[%dma_start3A_1336, %dma_start3A_1337] : memref<4096x128xf32, #tpu.memory_space<hbm>> -> memref<128x128xf32, #tpu.memory_space<hbm>>
    %dma_start3A_1339 = arith.constant 0 : i32
    %dma_start3A_1340 = arith.constant 0 : i32
    %dma_start3A_1341 = tpu.memref_slice %arg4[%add3A, %dma_start3A_1339, %dma_start3A_1340] : memref<32x4096x128xf32, #tpu.memory_space<hbm>> -> memref<1x4096x128xf32, #tpu.memory_space<hbm>>
    %dma_start3A_1342 = tpu.memref_squeeze %dma_start3A_1341 : memref<1x4096x128xf32, #tpu.memory_space<hbm>> -> memref<4096x128xf32, #tpu.memory_space<hbm>>
    %dma_start3A_1343 = arith.constant 3584 : i32
    %dma_start3A_1344 = arith.constant 0 : i32
    %dma_start3A_1345 = tpu.memref_slice %dma_start3A_1342[%dma_start3A_1343, %dma_start3A_1344] : memref<4096x128xf32, #tpu.memory_space<hbm>> -> memref<128x128xf32, #tpu.memory_space<hbm>>
    tpu.enqueue_dma source(%arg6 : memref<128x128xf32, #tpu.memory_space<vmem>>) target(%dma_start3A_1345 : memref<128x128xf32, #tpu.memory_space<hbm>>) target_semaphore(%arg14 : memref<!tpu.dma_semaphore, #tpu.memory_space<semaphore_mem>>)
    %dma_wait3A_1346 = arith.constant 3712 : i32
    %dma_wait3A_1347 = tpu.memref_slice %arg5[%dma_wait3A_1346] : memref<4096xi32, #tpu.memory_space<vmem>> -> memref<128xi32, #tpu.memory_space<vmem>>
    %dma_wait3A_1348 = arith.constant 0 : i32
    %dma_wait3A_1349 = arith.constant 0 : i32
    %dma_wait3A_1350 = tpu.memref_slice %arg2[%add3A, %dma_wait3A_1348, %dma_wait3A_1349] : memref<32x8192x128xf32, #tpu.memory_space<hbm>> -> memref<1x8192x128xf32, #tpu.memory_space<hbm>>
    %dma_wait3A_1351 = tpu.memref_squeeze %dma_wait3A_1350 : memref<1x8192x128xf32, #tpu.memory_space<hbm>> -> memref<8192x128xf32, #tpu.memory_space<hbm>>
    %dma_wait3A_1352 = arith.constant 0 : i32
    %dma_wait3A_1353 = arith.constant 0 : i32
    %dma_wait3A_1354 = tpu.memref_slice %dma_wait3A_1351[%dma_wait3A_1352, %dma_wait3A_1353] : memref<8192x128xf32, #tpu.memory_space<hbm>> -> memref<8192x128xf32, #tpu.memory_space<hbm>>
    tpu.wait_indirect_dma semaphore(%arg11 : memref<!tpu.dma_semaphore, #tpu.memory_space<semaphore_mem>>) src(%dma_wait3A_1354 : memref<8192x128xf32, #tpu.memory_space<hbm>>) dst(%arg7 : memref<128x128xf32, #tpu.memory_space<vmem>>)
    %dma_start3A_1355 = arith.constant 0 : i32
    %dma_start3A_1356 = arith.constant 0 : i32
    %dma_start3A_1357 = tpu.memref_slice %arg4[%add3A, %dma_start3A_1355, %dma_start3A_1356] : memref<32x4096x128xf32, #tpu.memory_space<hbm>> -> memref<1x4096x128xf32, #tpu.memory_space<hbm>>
    %dma_start3A_1358 = tpu.memref_squeeze %dma_start3A_1357 : memref<1x4096x128xf32, #tpu.memory_space<hbm>> -> memref<4096x128xf32, #tpu.memory_space<hbm>>
    %dma_start3A_1359 = arith.constant 3712 : i32
    %dma_start3A_1360 = arith.constant 0 : i32
    %dma_start3A_1361 = tpu.memref_slice %dma_start3A_1358[%dma_start3A_1359, %dma_start3A_1360] : memref<4096x128xf32, #tpu.memory_space<hbm>> -> memref<128x128xf32, #tpu.memory_space<hbm>>
    %dma_start3A_1362 = arith.constant 0 : i32
    %dma_start3A_1363 = arith.constant 0 : i32
    %dma_start3A_1364 = tpu.memref_slice %arg4[%add3A, %dma_start3A_1362, %dma_start3A_1363] : memref<32x4096x128xf32, #tpu.memory_space<hbm>> -> memref<1x4096x128xf32, #tpu.memory_space<hbm>>
    %dma_start3A_1365 = tpu.memref_squeeze %dma_start3A_1364 : memref<1x4096x128xf32, #tpu.memory_space<hbm>> -> memref<4096x128xf32, #tpu.memory_space<hbm>>
    %dma_start3A_1366 = arith.constant 3712 : i32
    %dma_start3A_1367 = arith.constant 0 : i32
    %dma_start3A_1368 = tpu.memref_slice %dma_start3A_1365[%dma_start3A_1366, %dma_start3A_1367] : memref<4096x128xf32, #tpu.memory_space<hbm>> -> memref<128x128xf32, #tpu.memory_space<hbm>>
    tpu.enqueue_dma source(%arg7 : memref<128x128xf32, #tpu.memory_space<vmem>>) target(%dma_start3A_1368 : memref<128x128xf32, #tpu.memory_space<hbm>>) target_semaphore(%arg15 : memref<!tpu.dma_semaphore, #tpu.memory_space<semaphore_mem>>)
    %dma_wait3A_1369 = arith.constant 3840 : i32
    %dma_wait3A_1370 = tpu.memref_slice %arg5[%dma_wait3A_1369] : memref<4096xi32, #tpu.memory_space<vmem>> -> memref<128xi32, #tpu.memory_space<vmem>>
    %dma_wait3A_1371 = arith.constant 0 : i32
    %dma_wait3A_1372 = arith.constant 0 : i32
    %dma_wait3A_1373 = tpu.memref_slice %arg2[%add3A, %dma_wait3A_1371, %dma_wait3A_1372] : memref<32x8192x128xf32, #tpu.memory_space<hbm>> -> memref<1x8192x128xf32, #tpu.memory_space<hbm>>
    %dma_wait3A_1374 = tpu.memref_squeeze %dma_wait3A_1373 : memref<1x8192x128xf32, #tpu.memory_space<hbm>> -> memref<8192x128xf32, #tpu.memory_space<hbm>>
    %dma_wait3A_1375 = arith.constant 0 : i32
    %dma_wait3A_1376 = arith.constant 0 : i32
    %dma_wait3A_1377 = tpu.memref_slice %dma_wait3A_1374[%dma_wait3A_1375, %dma_wait3A_1376] : memref<8192x128xf32, #tpu.memory_space<hbm>> -> memref<8192x128xf32, #tpu.memory_space<hbm>>
    tpu.wait_indirect_dma semaphore(%arg12 : memref<!tpu.dma_semaphore, #tpu.memory_space<semaphore_mem>>) src(%dma_wait3A_1377 : memref<8192x128xf32, #tpu.memory_space<hbm>>) dst(%arg8 : memref<128x128xf32, #tpu.memory_space<vmem>>)
    %dma_start3A_1378 = arith.constant 0 : i32
    %dma_start3A_1379 = arith.constant 0 : i32
    %dma_start3A_1380 = tpu.memref_slice %arg4[%add3A, %dma_start3A_1378, %dma_start3A_1379] : memref<32x4096x128xf32, #tpu.memory_space<hbm>> -> memref<1x4096x128xf32, #tpu.memory_space<hbm>>
    %dma_start3A_1381 = tpu.memref_squeeze %dma_start3A_1380 : memref<1x4096x128xf32, #tpu.memory_space<hbm>> -> memref<4096x128xf32, #tpu.memory_space<hbm>>
    %dma_start3A_1382 = arith.constant 3840 : i32
    %dma_start3A_1383 = arith.constant 0 : i32
    %dma_start3A_1384 = tpu.memref_slice %dma_start3A_1381[%dma_start3A_1382, %dma_start3A_1383] : memref<4096x128xf32, #tpu.memory_space<hbm>> -> memref<128x128xf32, #tpu.memory_space<hbm>>
    %dma_start3A_1385 = arith.constant 0 : i32
    %dma_start3A_1386 = arith.constant 0 : i32
    %dma_start3A_1387 = tpu.memref_slice %arg4[%add3A, %dma_start3A_1385, %dma_start3A_1386] : memref<32x4096x128xf32, #tpu.memory_space<hbm>> -> memref<1x4096x128xf32, #tpu.memory_space<hbm>>
    %dma_start3A_1388 = tpu.memref_squeeze %dma_start3A_1387 : memref<1x4096x128xf32, #tpu.memory_space<hbm>> -> memref<4096x128xf32, #tpu.memory_space<hbm>>
    %dma_start3A_1389 = arith.constant 3840 : i32
    %dma_start3A_1390 = arith.constant 0 : i32
    %dma_start3A_1391 = tpu.memref_slice %dma_start3A_1388[%dma_start3A_1389, %dma_start3A_1390] : memref<4096x128xf32, #tpu.memory_space<hbm>> -> memref<128x128xf32, #tpu.memory_space<hbm>>
    tpu.enqueue_dma source(%arg8 : memref<128x128xf32, #tpu.memory_space<vmem>>) target(%dma_start3A_1391 : memref<128x128xf32, #tpu.memory_space<hbm>>) target_semaphore(%arg16 : memref<!tpu.dma_semaphore, #tpu.memory_space<semaphore_mem>>)
    %dma_wait3A_1392 = arith.constant 3968 : i32
    %dma_wait3A_1393 = tpu.memref_slice %arg5[%dma_wait3A_1392] : memref<4096xi32, #tpu.memory_space<vmem>> -> memref<128xi32, #tpu.memory_space<vmem>>
    %dma_wait3A_1394 = arith.constant 0 : i32
    %dma_wait3A_1395 = arith.constant 0 : i32
    %dma_wait3A_1396 = tpu.memref_slice %arg2[%add3A, %dma_wait3A_1394, %dma_wait3A_1395] : memref<32x8192x128xf32, #tpu.memory_space<hbm>> -> memref<1x8192x128xf32, #tpu.memory_space<hbm>>
    %dma_wait3A_1397 = tpu.memref_squeeze %dma_wait3A_1396 : memref<1x8192x128xf32, #tpu.memory_space<hbm>> -> memref<8192x128xf32, #tpu.memory_space<hbm>>
    %dma_wait3A_1398 = arith.constant 0 : i32
    %dma_wait3A_1399 = arith.constant 0 : i32
    %dma_wait3A_1400 = tpu.memref_slice %dma_wait3A_1397[%dma_wait3A_1398, %dma_wait3A_1399] : memref<8192x128xf32, #tpu.memory_space<hbm>> -> memref<8192x128xf32, #tpu.memory_space<hbm>>
    tpu.wait_indirect_dma semaphore(%arg13 : memref<!tpu.dma_semaphore, #tpu.memory_space<semaphore_mem>>) src(%dma_wait3A_1400 : memref<8192x128xf32, #tpu.memory_space<hbm>>) dst(%arg9 : memref<128x128xf32, #tpu.memory_space<vmem>>)
    %dma_start3A_1401 = arith.constant 0 : i32
    %dma_start3A_1402 = arith.constant 0 : i32
    %dma_start3A_1403 = tpu.memref_slice %arg4[%add3A, %dma_start3A_1401, %dma_start3A_1402] : memref<32x4096x128xf32, #tpu.memory_space<hbm>> -> memref<1x4096x128xf32, #tpu.memory_space<hbm>>
    %dma_start3A_1404 = tpu.memref_squeeze %dma_start3A_1403 : memref<1x4096x128xf32, #tpu.memory_space<hbm>> -> memref<4096x128xf32, #tpu.memory_space<hbm>>
    %dma_start3A_1405 = arith.constant 3968 : i32
    %dma_start3A_1406 = arith.constant 0 : i32
    %dma_start3A_1407 = tpu.memref_slice %dma_start3A_1404[%dma_start3A_1405, %dma_start3A_1406] : memref<4096x128xf32, #tpu.memory_space<hbm>> -> memref<128x128xf32, #tpu.memory_space<hbm>>
    %dma_start3A_1408 = arith.constant 0 : i32
    %dma_start3A_1409 = arith.constant 0 : i32
    %dma_start3A_1410 = tpu.memref_slice %arg4[%add3A, %dma_start3A_1408, %dma_start3A_1409] : memref<32x4096x128xf32, #tpu.memory_space<hbm>> -> memref<1x4096x128xf32, #tpu.memory_space<hbm>>
    %dma_start3A_1411 = tpu.memref_squeeze %dma_start3A_1410 : memref<1x4096x128xf32, #tpu.memory_space<hbm>> -> memref<4096x128xf32, #tpu.memory_space<hbm>>
    %dma_start3A_1412 = arith.constant 3968 : i32
    %dma_start3A_1413 = arith.constant 0 : i32
    %dma_start3A_1414 = tpu.memref_slice %dma_start3A_1411[%dma_start3A_1412, %dma_start3A_1413] : memref<4096x128xf32, #tpu.memory_space<hbm>> -> memref<128x128xf32, #tpu.memory_space<hbm>>
    tpu.enqueue_dma source(%arg9 : memref<128x128xf32, #tpu.memory_space<vmem>>) target(%dma_start3A_1414 : memref<128x128xf32, #tpu.memory_space<hbm>>) target_semaphore(%arg17 : memref<!tpu.dma_semaphore, #tpu.memory_space<semaphore_mem>>)
    %dma_wait3A_1415 = arith.constant 0 : i32
    %dma_wait3A_1416 = arith.constant 0 : i32
    %dma_wait3A_1417 = tpu.memref_slice %arg4[%add3A, %dma_wait3A_1415, %dma_wait3A_1416] : memref<32x4096x128xf32, #tpu.memory_space<hbm>> -> memref<1x4096x128xf32, #tpu.memory_space<hbm>>
    %dma_wait3A_1418 = tpu.memref_squeeze %dma_wait3A_1417 : memref<1x4096x128xf32, #tpu.memory_space<hbm>> -> memref<4096x128xf32, #tpu.memory_space<hbm>>
    %dma_wait3A_1419 = arith.constant 3584 : i32
    %dma_wait3A_1420 = arith.constant 0 : i32
    %dma_wait3A_1421 = tpu.memref_slice %dma_wait3A_1418[%dma_wait3A_1419, %dma_wait3A_1420] : memref<4096x128xf32, #tpu.memory_space<hbm>> -> memref<128x128xf32, #tpu.memory_space<hbm>>
    %dma_wait3A_1422 = arith.constant 0 : i32
    %dma_wait3A_1423 = arith.constant 0 : i32
    %dma_wait3A_1424 = tpu.memref_slice %arg4[%add3A, %dma_wait3A_1422, %dma_wait3A_1423] : memref<32x4096x128xf32, #tpu.memory_space<hbm>> -> memref<1x4096x128xf32, #tpu.memory_space<hbm>>
    %dma_wait3A_1425 = tpu.memref_squeeze %dma_wait3A_1424 : memref<1x4096x128xf32, #tpu.memory_space<hbm>> -> memref<4096x128xf32, #tpu.memory_space<hbm>>
    %dma_wait3A_1426 = arith.constant 3584 : i32
    %dma_wait3A_1427 = arith.constant 0 : i32
    %dma_wait3A_1428 = tpu.memref_slice %dma_wait3A_1425[%dma_wait3A_1426, %dma_wait3A_1427] : memref<4096x128xf32, #tpu.memory_space<hbm>> -> memref<128x128xf32, #tpu.memory_space<hbm>>
    tpu.wait_dma2 semaphore(%arg14 : memref<!tpu.dma_semaphore, #tpu.memory_space<semaphore_mem>>) src(%arg6 : memref<128x128xf32, #tpu.memory_space<vmem>>) dst(%dma_wait3A_1428 : memref<128x128xf32, #tpu.memory_space<hbm>>)
    %dma_wait3A_1429 = arith.constant 0 : i32
    %dma_wait3A_1430 = arith.constant 0 : i32
    %dma_wait3A_1431 = tpu.memref_slice %arg4[%add3A, %dma_wait3A_1429, %dma_wait3A_1430] : memref<32x4096x128xf32, #tpu.memory_space<hbm>> -> memref<1x4096x128xf32, #tpu.memory_space<hbm>>
    %dma_wait3A_1432 = tpu.memref_squeeze %dma_wait3A_1431 : memref<1x4096x128xf32, #tpu.memory_space<hbm>> -> memref<4096x128xf32, #tpu.memory_space<hbm>>
    %dma_wait3A_1433 = arith.constant 3712 : i32
    %dma_wait3A_1434 = arith.constant 0 : i32
    %dma_wait3A_1435 = tpu.memref_slice %dma_wait3A_1432[%dma_wait3A_1433, %dma_wait3A_1434] : memref<4096x128xf32, #tpu.memory_space<hbm>> -> memref<128x128xf32, #tpu.memory_space<hbm>>
    %dma_wait3A_1436 = arith.constant 0 : i32
    %dma_wait3A_1437 = arith.constant 0 : i32
    %dma_wait3A_1438 = tpu.memref_slice %arg4[%add3A, %dma_wait3A_1436, %dma_wait3A_1437] : memref<32x4096x128xf32, #tpu.memory_space<hbm>> -> memref<1x4096x128xf32, #tpu.memory_space<hbm>>
    %dma_wait3A_1439 = tpu.memref_squeeze %dma_wait3A_1438 : memref<1x4096x128xf32, #tpu.memory_space<hbm>> -> memref<4096x128xf32, #tpu.memory_space<hbm>>
    %dma_wait3A_1440 = arith.constant 3712 : i32
    %dma_wait3A_1441 = arith.constant 0 : i32
    %dma_wait3A_1442 = tpu.memref_slice %dma_wait3A_1439[%dma_wait3A_1440, %dma_wait3A_1441] : memref<4096x128xf32, #tpu.memory_space<hbm>> -> memref<128x128xf32, #tpu.memory_space<hbm>>
    tpu.wait_dma2 semaphore(%arg15 : memref<!tpu.dma_semaphore, #tpu.memory_space<semaphore_mem>>) src(%arg7 : memref<128x128xf32, #tpu.memory_space<vmem>>) dst(%dma_wait3A_1442 : memref<128x128xf32, #tpu.memory_space<hbm>>)
    %dma_wait3A_1443 = arith.constant 0 : i32
    %dma_wait3A_1444 = arith.constant 0 : i32
    %dma_wait3A_1445 = tpu.memref_slice %arg4[%add3A, %dma_wait3A_1443, %dma_wait3A_1444] : memref<32x4096x128xf32, #tpu.memory_space<hbm>> -> memref<1x4096x128xf32, #tpu.memory_space<hbm>>
    %dma_wait3A_1446 = tpu.memref_squeeze %dma_wait3A_1445 : memref<1x4096x128xf32, #tpu.memory_space<hbm>> -> memref<4096x128xf32, #tpu.memory_space<hbm>>
    %dma_wait3A_1447 = arith.constant 3840 : i32
    %dma_wait3A_1448 = arith.constant 0 : i32
    %dma_wait3A_1449 = tpu.memref_slice %dma_wait3A_1446[%dma_wait3A_1447, %dma_wait3A_1448] : memref<4096x128xf32, #tpu.memory_space<hbm>> -> memref<128x128xf32, #tpu.memory_space<hbm>>
    %dma_wait3A_1450 = arith.constant 0 : i32
    %dma_wait3A_1451 = arith.constant 0 : i32
    %dma_wait3A_1452 = tpu.memref_slice %arg4[%add3A, %dma_wait3A_1450, %dma_wait3A_1451] : memref<32x4096x128xf32, #tpu.memory_space<hbm>> -> memref<1x4096x128xf32, #tpu.memory_space<hbm>>
    %dma_wait3A_1453 = tpu.memref_squeeze %dma_wait3A_1452 : memref<1x4096x128xf32, #tpu.memory_space<hbm>> -> memref<4096x128xf32, #tpu.memory_space<hbm>>
    %dma_wait3A_1454 = arith.constant 3840 : i32
    %dma_wait3A_1455 = arith.constant 0 : i32
    %dma_wait3A_1456 = tpu.memref_slice %dma_wait3A_1453[%dma_wait3A_1454, %dma_wait3A_1455] : memref<4096x128xf32, #tpu.memory_space<hbm>> -> memref<128x128xf32, #tpu.memory_space<hbm>>
    tpu.wait_dma2 semaphore(%arg16 : memref<!tpu.dma_semaphore, #tpu.memory_space<semaphore_mem>>) src(%arg8 : memref<128x128xf32, #tpu.memory_space<vmem>>) dst(%dma_wait3A_1456 : memref<128x128xf32, #tpu.memory_space<hbm>>)
    %dma_wait3A_1457 = arith.constant 0 : i32
    %dma_wait3A_1458 = arith.constant 0 : i32
    %dma_wait3A_1459 = tpu.memref_slice %arg4[%add3A, %dma_wait3A_1457, %dma_wait3A_1458] : memref<32x4096x128xf32, #tpu.memory_space<hbm>> -> memref<1x4096x128xf32, #tpu.memory_space<hbm>>
    %dma_wait3A_1460 = tpu.memref_squeeze %dma_wait3A_1459 : memref<1x4096x128xf32, #tpu.memory_space<hbm>> -> memref<4096x128xf32, #tpu.memory_space<hbm>>
    %dma_wait3A_1461 = arith.constant 3968 : i32
    %dma_wait3A_1462 = arith.constant 0 : i32
    %dma_wait3A_1463 = tpu.memref_slice %dma_wait3A_1460[%dma_wait3A_1461, %dma_wait3A_1462] : memref<4096x128xf32, #tpu.memory_space<hbm>> -> memref<128x128xf32, #tpu.memory_space<hbm>>
    %dma_wait3A_1464 = arith.constant 0 : i32
    %dma_wait3A_1465 = arith.constant 0 : i32
    %dma_wait3A_1466 = tpu.memref_slice %arg4[%add3A, %dma_wait3A_1464, %dma_wait3A_1465] : memref<32x4096x128xf32, #tpu.memory_space<hbm>> -> memref<1x4096x128xf32, #tpu.memory_space<hbm>>
    %dma_wait3A_1467 = tpu.memref_squeeze %dma_wait3A_1466 : memref<1x4096x128xf32, #tpu.memory_space<hbm>> -> memref<4096x128xf32, #tpu.memory_space<hbm>>
    %dma_wait3A_1468 = arith.constant 3968 : i32
    %dma_wait3A_1469 = arith.constant 0 : i32
    %dma_wait3A_1470 = tpu.memref_slice %dma_wait3A_1467[%dma_wait3A_1468, %dma_wait3A_1469] : memref<4096x128xf32, #tpu.memory_space<hbm>> -> memref<128x128xf32, #tpu.memory_space<hbm>>
    tpu.wait_dma2 semaphore(%arg17 : memref<!tpu.dma_semaphore, #tpu.memory_space<semaphore_mem>>) src(%arg9 : memref<128x128xf32, #tpu.memory_space<vmem>>) dst(%dma_wait3A_1470 : memref<128x128xf32, #tpu.memory_space<hbm>>)
    return
  }
}

</mosaic_0001>

<sc_bundles>
// kernel: _direct_slice.3.cloned.1.call-start
scs
__scs_entry_jumppad:
0x0: {  	(pc) =	sbr.rel $0x88, $3  }
0x1: {  	(tag) =	ssettag $0x0;
	lr =	simm.s32 $0x1  }
0x2: {  	[smem:$0x3F9F] =	sst lr;
	_ =	strace $0xD0000000  }
0x3: {  	_ = 	snop  }
0x4: {  	_ = 	snop  }
0x5: {  	_ = 	snop  }
0x6: {  	_ = 	snop  }
0x7: {  	_ = 	snop  }
__scs_overlays_trampoline_lowered:
0x8: {  	[smem:$0x3FAE] =	sst s0  }
0x9: {  	[smem:$0x3FAF] =	sst s1  }
0xa: {  	[smem:$0x3FB0] =	sst s2  }
0xb: {  	[smem:$0x3FB1] =	sst s3  }
0xc: {  	[smem:$0x3FB2] =	sst s4  }
0xd: {  	[smem:$0x3FB3] =	sst s5  }
0xe: {  	[smem:$0x3FB4] =	sst s6  }
0xf: {  	[smem:$0x3FB5] =	sst s7  }
0x10: {  	[smem:$0x3FB6] =	sst s8  }
0x11: {  	[smem:$0x3FB7] =	sst s9;
	s0 =	simm.s32 @!p0 $0x0  }
0x12: {  	s1 =	sld [smem:$0x3F9D];
	s0 =	simm.s32 @p0 $0x1  }
0x13: {  	[smem:$0x3FB8] =	sst s0;
	s0 =	simm.s32 @!p1 $0x0  }
0x14: {  	s2 =	sld [smem:$0x3F9C];
	s0 =	simm.s32 @p1 $0x1  }
0x15: {  	[smem:$0x3FB9] =	sst s0;
	s0 =	simm.s32 @!p2 $0x0  }
0x16: {  	s3 =	sld [smem:$0x3FDB];
	s0 =	simm.s32 @p2 $0x1  }
0x17: {  	s4 =	simm.s32 $0x1BF5;
	[smem:$0x3FBB] =	sst s0  }
0x18: {  	s0 =	sld [smem:$0x3F9E];
	_ =	swait.ge [sflag:s4], $0x0  }
0x19: {  	s7 =	sld [smem:$0x3F9F]  }
0x1a: {  	s8 =	sadd.s32 $0xFFFFE003, lr  }
0x1b: {  	s9 =	sadd.s32 $0xFFFFFEF7, lr;
	s5 =	simm.s32 $0xFFFFFFFF;
	p2 =	slt.u32 s8, $0xFFFFF086  }
0x1c: {  	p1 =	slt.u32 s9, $0xF7A;
	s5 =	simm.s32 @!p2 $0x0  }
0x1d: {  	s5 =	simm.s32 @p1 $0x1;
	p0 =	seq.s32 s7, s2  }
0x1e: {  	s7 =	smul.u32 @!p0 $0xF7A, s2;
	p2 =	seq.s32 @!p0 s5, $0x0  }
0x1f: {  	s9 =	smul.u32 $0xF7A, s1;
	s8 =	simm.s32 @!p0 $0x1BF5;
	p2 =	por !p2, p0  }
0x20: {  	[sflag:s8] =	ssyncset.s32 @!p0 $0xFFFFF086;
	s6 =	sadd.s32 @!p0 s3, s7;
	s7 =	simm.s32 @!p0 $0x108  }
0x21: {  	s3 =	sadd.s32 s3, s9;
	s6 =	sadd.s32 @!p0 $0x88, s6;
	s7 =	simm.s32 @p2 $0x1082  }
0x22: {  	[simem:s7], [sflag:s8] =	dma.local @!p0 [hbm:s6], $0xF7A  }
0x23: {  	s9 =	sor.u32 $0xD0000000, s2;
	s6 =	simm.s32 $0x108;
	_ =	swait.ge @!p0 [sflag:s8], $0x0  }
0x24: {  	s3 =	sadd.s32 $0x88, s3;
	s6 =	simm.s32 @!p1 $0x1082;
	[sflag:s4] =	ssyncset.s32 $0xFFFFF086  }
0x25: {  	[simem:s6], [sflag:s4] =	dma.local [hbm:s3], $0xF7A  }
0x26: {  	[smem:$0x3F9F] =	sst s1;
	(tag) =	ssettag s2;
	_ =	strace s9  }
0x27: {  	s1 =	sld [smem:$0x3FAF]  }
0x28: {  	s2 =	sld [smem:$0x3FB0]  }
0x29: {  	s4 =	sld [smem:$0x3FB2]  }
0x2a: {  	p0 =	seq.s32 s5, $0x0;
	s5 =	sld [smem:$0x3FB3]  }
0x2b: {  	s6 =	sld [smem:$0x3FB4]  }
0x2c: {  	s7 =	sld [smem:$0x3FB5]  }
0x2d: {  	s3 =	simm.s32 $0x108;
	s8 =	sld [smem:$0x3FB6]  }
0x2e: {  	s3 =	simm.s32 @!p0 $0x1082;
	s9 =	sld [smem:$0x3FB7]  }
0x2f: {  	lr =	sadd.s32 s0, s3;
	s0 =	sld [smem:$0x3FAE]  }
0x30: {  	s3 =	sld [smem:$0x3FB1]  }
0x31: {  	[smem:$0x3FBA] =	sst s10  }
0x32: {  	s10 =	sld [smem:$0x3FB8];
	_ =	sdelay $0x3  }
0x33: {  	p0 =	seq.s32 s10, $0x1;
	s10 =	sld [smem:$0x3FBA];
	_ =	sdelay $0x3  }
0x34: {  	[smem:$0x3FBA] =	sst s10  }
0x35: {  	s10 =	sld [smem:$0x3FB9];
	_ =	sdelay $0x3  }
0x36: {  	p1 =	seq.s32 s10, $0x1;
	s10 =	sld [smem:$0x3FBA];
	_ =	sdelay $0x3  }
0x37: {  	[smem:$0x3FBA] =	sst s10  }
0x38: {  	s10 =	sld [smem:$0x3FBB]  }
0x39: {  	_ = 	snop;
	(pc) =	sbr.ind lr, $3  }
0x3a: {  	_ = 	snop  }
0x3b: {  	_ = 	snop  }
0x3c: {  	p2 =	seq.s32 s10, $0x1;
	s10 =	sld [smem:$0x3FBA]  }
0x3d: {  	_ =	shalt  }
0x3e: {  	_ =	shalt  }
0x3f: {  	_ =	shalt  }
0x40: {  	_ =	shalt  }
0x41: {  	_ =	shalt  }
0x42: {  	_ =	shalt  }
0x43: {  	_ =	shalt  }
0x44: {  	_ =	shalt  }
0x45: {  	_ =	shalt  }
0x46: {  	_ =	shalt  }
0x47: {  	_ =	shalt  }
0x48: {  	_ =	shalt  }
0x49: {  	_ =	shalt  }
0x4a: {  	_ =	shalt  }
0x4b: {  	_ =	shalt  }
0x4c: {  	_ =	shalt  }
0x4d: {  	_ =	shalt  }
0x4e: {  	_ =	shalt  }
0x4f: {  	_ =	shalt  }
0x50: {  	_ =	shalt  }
0x51: {  	_ =	shalt  }
0x52: {  	_ =	shalt  }
0x53: {  	_ =	shalt  }
0x54: {  	_ =	shalt  }
0x55: {  	_ =	shalt  }
0x56: {  	_ =	shalt  }
0x57: {  	_ =	shalt  }
0x58: {  	_ =	shalt  }
0x59: {  	_ =	shalt  }
0x5a: {  	_ =	shalt  }
0x5b: {  	_ =	shalt  }
0x5c: {  	_ =	shalt  }
0x5d: {  	_ =	shalt  }
0x5e: {  	_ =	shalt  }
0x5f: {  	_ =	shalt  }
0x60: {  	_ =	shalt  }
0x61: {  	_ =	shalt  }
0x62: {  	_ =	shalt  }
0x63: {  	_ =	shalt  }
0x64: {  	_ =	shalt  }
0x65: {  	_ =	shalt  }
0x66: {  	_ =	shalt  }
0x67: {  	_ =	shalt  }
0x68: {  	_ =	shalt  }
0x69: {  	_ =	shalt  }
0x6a: {  	_ =	shalt  }
0x6b: {  	_ =	shalt  }
0x6c: {  	_ =	shalt  }
0x6d: {  	_ =	shalt  }
0x6e: {  	_ =	shalt  }
0x6f: {  	_ =	shalt  }
0x70: {  	_ =	shalt  }
0x71: {  	_ =	shalt  }
0x72: {  	_ =	shalt  }
0x73: {  	_ =	shalt  }
0x74: {  	_ =	shalt  }
0x75: {  	_ =	shalt  }
0x76: {  	_ =	shalt  }
0x77: {  	_ =	shalt  }
0x78: {  	_ =	shalt  }
0x79: {  	_ =	shalt  }
0x7a: {  	_ =	shalt  }
0x7b: {  	_ =	shalt  }
0x7c: {  	_ =	shalt  }
0x7d: {  	_ =	shalt  }
0x7e: {  	_ =	shalt  }
0x7f: {  	_ =	shalt  }
0x80: {  	_ =	shalt  }
0x81: {  	_ =	shalt  }
0x82: {  	_ =	shalt  }
0x83: {  	_ =	shalt  }
0x84: {  	_ =	shalt  }
0x85: {  	_ =	shalt  }
0x86: {  	_ =	shalt  }
0x87: {  	_ =	shalt  }
.Lfunc_end0:
.L_simem_size_0:
called_computation_lowered:
.L_overlay_start_0:
0x88: {  	s2 =	sld [smem:$0x3FD9]  }
0x89: {  	s3 =	sld [smem:$0x3FFE];
	_ =	sdelay $0x1  }
0x8a: {  	s1 =	srdreg.scid  }
0x8b: {  	s0 =	sand.u32 $0x1, s1  }
0x8c: {  	s18 =	sshll.u32 s0, $0xA;
	s2 =	sadd.s32 s3, s2  }
0x8d: {  	s2 =	sadd.s32 s2, s18  }
0x8e: {  	[smem:$0x3FC6] =	sst s2  }
0x8f: {  	_ = 	snop  }
0x90: {  	s2 =	sld [smem:$0x3FC9]  }
0x91: {  	s19 =	sld [smem:$0x3FC8]  }
0x92: {  	s4 =	sld [smem:$0x3FD0];
	(tm) =	ssettm $0x1  }
0x93: {  	s5 =	sld [smem:$0x3FFB];
	_ =	sdelay $0x3  }
0x94: {  	_ =	strace s5  }
0x95: {  	s5 =	sld [smem:$0x3FFC];
	_ =	sdelay $0x3  }
0x96: {  	_ =	strace s5  }
0x97: {  	s5 =	sld [smem:$0x3FFD];
	_ =	sdelay $0x3  }
0x98: {  	_ =	strace s5  }
0x99: {  	_ =	strace $0x8FFFFFFF  }
0x9a: {  	s20 =	sld [smem:$0x3FDB];
	_ =	sdelay $0x1  }
0x9b: {  	s6 =	simm.s32 $_scs_section_size  }
0x9c: {  	s7 =	simm.s32 $_size__tile_overlayer_lowered;
	s8 =	simm.s32 $_tile_overlayer_lowered  }
0x9d: {  	s23 =	simm.s32 $0x1BFF;
	s22 =	sshll.u32 s8, $0x1;
	s5 =	sadd.s32 s6, s20  }
0x9e: {  	s9 =	simm.s32 $0x0;
	s21 =	sshll.u32 s7, $0x1;
	s7 =	sadd.s32 s22, s5  }
0x9f: {  	[timem:s9], [sflag:s23] =	dma.local [hbm:s7], s21  }
0xa0: {  	_ =	swait.ge [sflag:s23], s21  }
0xa1: {  	s6 =	ssub.s32 $0x0, s21;
	[sflag:s23] =	ssyncset.done $0x0  }
0xa2: {  	[sflag:s23] =	ssyncadd.s32 s6;
	_ =	sdelay $0x1  }
0xa3: {  	s24 =	simm.s32 $0x1B8B  }
0xa4: {  	_ =	swait.ge [sflag:s24], $0x1  }
0xa5: {  	[sflag:s24] =	ssyncset.done $0x0  }
0xa6: {  	s25 =	simm.s32 $0x1B8E;
	[sflag:s24] =	ssyncadd.s32 $0xFFFFFFFF  }
0xa7: {  	s26 =	simm.s32 $execute0_lowered;
	[smem:$0x3FD2] =	sst s25  }
0xa8: {  	s6 =	sshll.u32 s26, $0x1;
	_ =	strace $0x80000046;
	[dreg:$0x1] =	wrdreg $0xFFFFFFFF  }
0xa9: {  	s28 =	simm.s32 $_size_execute0_lowered;
	s5 =	sadd.s32 s5, s6;
	[dreg:$0x0] =	wrdreg $0x0  }
0xaa: {  	s6 =	sshll.u32 s28, $0x1;
	[dreg:$0x2] =	wrdreg s5  }
0xab: {  	[dreg:$0x3] =	wrdreg s6  }
0xac: {  	[dreg:$0x4] =	wrdreg $0xC0  }
0xad: {  	_ =	task [dreg:s9], $0x5FFFF  }
0xae: {  	[dreg:$0x1] =	wrdreg $0xFFFFFFFF  }
0xaf: {  	[dreg:$0x0] =	wrdreg $0x60  }
0xb0: {  	[dreg:$0x2] =	wrdreg s2  }
0xb1: {  	[dreg:$0x3] =	wrdreg s19  }
0xb2: {  	[dreg:$0x4] =	wrdreg s4  }
0xb3: {  	[dreg:$0x5] =	wrdreg $0x9  }
0xb4: {  	_ =	task.clear_ibuf [dreg:s9], $0x6FFFF;
	_ =	strace $0x90000046  }
0xb5: {  	s29 =	simm.s32 $0x9;
	_ =	strace $0x80000048  }
0xb6: {  	_ =	swait.ge [sflag:s29], $0x1  }
0xb7: {  	[sflag:s29] =	ssyncadd.s32 $0xFFFFFFFF  }
0xb8: {  	_ =	strace $0x90000048  }
0xb9: {  	_ =	sfence  }
0xba: {  	s30 =	sld [smem:$0x0];
	_ =	sdelay $0x2  }
0xbb: {  	s31 =	sshll.u32 s1, $0xD;
	s1 =	sshrl.u32 s1, $0x2  }
0xbc: {  	s3 =	sand.u32 $0x4000, s31;
	s1 =	sadd.s32 s1, s30  }
0xbd: {  	s0 =	sor.u32 s3, s0;
	s1 =	sshll.u32 s1, $0x11  }
0xbe: {  	s0 =	sor.u32 s1, s0  }
0xbf: {  	s0 =	sadd.s32 $0x8F2B, s0  }
0xc0: {  	[sflag:s0] =	ssyncadd.remote.s32 $0x1  }
0xc1: {  	_ =	sfence.sel $0xFFFF  }
0xc2: {  	[dreg:$0x0] =	wrdreg $0xFFFFFFFF;
	(pc) =	sbr.abs _section_cstart, $3  }
0xc3: {  	[dreg:$0x1] =	wrdreg $0xFFFFFFFF  }
0xc4: {  	_ =	task.clear_ibuf [dreg:s9], $0x2FFFF;
	_ =	strace $0x9FFFFFFF  }
0xc5: {  	(tm) =	ssettm $0x7FFFFFFF  }
tec
execute0_lowered:
.L_overlay_start_1:
0x0: {  	(tag) =	ssettag $0x1  }
0x1: {  	s0 =	rddreg [dreg:$0x0]  }
0x2: {  	s1 =	rddreg [dreg:$0x1]  }
0x3: {  	s9 =	rddreg [dreg:$0x2]  }
0x4: {  	s19 =	rddreg [dreg:$0x3]  }
0x5: {  	s2 =	simm.s32 $0x0;
	[dreg:$0x4] =	wrdreg s1  }
0x6: {  	s5 =	simm.s32 $0x100;
	[smem:$0x7FF] =	sst s2  }
0x7: {  	s10 =	simm.s32 $0x180;
	_ =	strace $0x80000047;
	[dreg:$0x5] =	wrdreg s5  }
0x8: {  	s11 =	simm.s32 $0x200;
	[dreg:$0x6] =	wrdreg s10  }
0x9: {  	s13 =	simm.s32 $0x280;
	[dreg:$0x7] =	wrdreg s11  }
0xa: {  	s15 =	simm.s32 $0x300;
	[dreg:$0x9] =	wrdreg s13  }
0xb: {  	s17 =	simm.s32 $0x380;
	[dreg:$0xb] =	wrdreg s15  }
0xc: {  	s18 =	simm.s32 $0x400;
	[dreg:$0xd] =	wrdreg s17  }
0xd: {  	s22 =	simm.s32 $0x480;
	[dreg:$0xe] =	wrdreg s18  }
0xe: {  	s23 =	simm.s32 $0x500;
	[dreg:$0xf] =	wrdreg s22  }
0xf: {  	s3 =	srdreg.scid;
	s24 =	simm.s32 $0x580;
	[dreg:$0x10] =	wrdreg s23  }
0x10: {  	s21 =	stileid.u32;
	s25 =	simm.s32 $0x600;
	[dreg:$0x11] =	wrdreg s24  }
0x11: {  	s26 =	simm.s32 $0x680;
	s29 =	simm.s32 $0x700;
	[dreg:$0x12] =	wrdreg s25  }
0x12: {  	s30 =	simm.s32 $0x780;
	s31 =	simm.s32 $0x800;
	[dreg:$0x13] =	wrdreg s26  }
0x13: {  	s8 =	simm.s32 $0x5000;
	s7 =	simm.s32 $0x5;
	[dreg:$0x14] =	wrdreg s29  }
0x14: {  	p0 =	por $0x0, $0x0;
	s3 =	sand.u32 $0x1, s3;
	[dreg:$0x15] =	wrdreg s30  }
0x15: {  	s4 =	sshll.u32 s21, $0x1;
	s1 =	simm.s32 $0x880;
	[dreg:$0x16] =	wrdreg s31  }
0x16: {  	s4 =	sor.u32 s3, s4;
	[dreg:$0x17] =	wrdreg s1;
	s13 =	simm.s32 $0x900  }
0x17: {  	s3 =	ssub.s32 $0x2, s3;
	s15 =	simm.s32 $0xA00;
	[dreg:$0x18] =	wrdreg s13  }
0x18: {  	s18 =	simm.s32 $0x9;
	s17 =	simm.s32 $0xB00;
	[dreg:$0x1a] =	wrdreg s15  }
0x19: {  	s11 =	simm.s32 $0x80;
	s22 =	simm.s32 $0xB80;
	[dreg:$0x1c] =	wrdreg s17  }
0x1a: {  	s5 =	simm.s32 $0xD000;
	s23 =	simm.s32 $0xC00;
	[dreg:$0x1d] =	wrdreg s22  }
0x1b: {  	s24 =	simm.s32 $0xC80;
	s25 =	simm.s32 $0xD00;
	[dreg:$0x1e] =	wrdreg s23  }
0x1c: {  	s26 =	simm.s32 $0xD80;
	s10 =	simm.s32 $0x6;
	[dreg:$0x1f] =	wrdreg s24  }
0x1d: {  	s29 =	simm.s32 $0xE80;
	s30 =	simm.s32 $0xF00;
	[smem:$0x7F8] =	sst s25  }
0x1e: {  	s31 =	simm.s32 $0xF80;
	s6 =	sshll.u32 s4, $0x10;
	[smem:$0x7F9] =	sst s26  }
0x1f: {  	s28 =	sshrl.u32 s3, $0x1;
	s4 =	sshll.u32 s4, $0x11;
	[smem:$0x7FB] =	sst s29  }
0x20: {  	s15 =	simm.s32 $0x2;
	s17 =	simm.s32 $0x4;
	[smem:$0x7FC] =	sst s30  }
0x21: {  	s13 =	simm.s32 $0x8;
	[smem:$0x7FD] =	sst s31;
	s20 =	sadd.s32 s9, s6  }
0x22: {  	s3 =	ssub.s32 s3, s28;
	s4 =	sadd.s32 s0, s4;
	s28 =	simm.s32 $0xE00  }
0x23: {  	s12 =	sadd.s32 $0x800, s20;
	s3 =	smax.u32 s3, $0x1;
	[smem:$0x7FA] =	sst s28  }
0x24: {  	s14 =	sadd.s32 $0x1000, s20;
	[dreg:$0x8] =	wrdreg s12;
	p1 =	sne.s32 s3, $0x1  }
.Ltmp0:
0x25: {  	s16 =	sadd.s32 $0x1800, s20;
	[dreg:$0xa] =	wrdreg s14;
	(pc) =	sbr.rel @!p1 .LBB2_5-.Ltmp0, $4  }
0x26: {  	s9 =	simm.s32 $0x1000;
	s6 =	simm.s32 $0x9000;
	[dreg:$0xc] =	wrdreg s16  }
0x27: {  	s14 =	simm.s32 $0x980;
	s1 =	sadd.s32 $0xFFFFFFFF, s3;
	s3 =	rddreg [dreg:$0x4]  }
0x28: {  	s16 =	simm.s32 $0xA80;
	s12 =	simm.s32 $0x7;
	[dreg:$0x19] =	wrdreg s14  }
0x29: {  	[dreg:$0x1b] =	wrdreg s16;
	s14 =	simm.s32 $0x1;
	s16 =	simm.s32 $0x3  }
0x2a: {  	[tilespmem:s2], [sflag:$0x9] =	stream.linear.gather [hbm4b:s3+s2], $0x1000, $0x38;
	[tilespmem:$0x11000] =	vst v63  }
0x2b: {  	_ =	swait.ge [sflag:s18], $0x1000  }
0x2c: {  	[sflag:s18] =	ssyncset.done $0x0  }
0x2d: {  	[sflag:s18] =	ssyncadd.s32 $0xFFFFF000  }
0x2e: {  	[tilespmem:s9], [sflag:$0x1] =	stream.indirect.gather [hbm4b:s4+s11], $0x80, s2, s11, $0xb8;
	[tilespmem:$0x11000] =	vst v63  }
0x2f: {  	_ = 	snop  }
0x30: {  	[tilespmem:s8], [sflag:$0x2] =	stream.indirect.gather [hbm4b:s4+s11], $0x80, s11, s11, $0xb8;
	[tilespmem:$0x11000] =	vst v63  }
0x31: {  	s0 =	rddreg [dreg:$0x5]  }
0x32: {  	[tilespmem:s6], [sflag:$0x3] =	stream.indirect.gather [hbm4b:s4+s11], $0x80, s0, s11, $0xb8;
	[tilespmem:$0x11000] =	vst v63  }
0x33: {  	s19 =	rddreg [dreg:$0x6]  }
0x34: {  	[tilespmem:s5], [sflag:$0x4] =	stream.indirect.gather [hbm4b:s4+s11], $0x80, s19, s11, $0xb8;
	[tilespmem:$0x11000] =	vst v63  }
0x35: {  	_ =	swait.ge [sflag:s14], $0x4000  }
0x36: {  	[sflag:s14] =	ssyncset.done $0x0  }
0x37: {  	[sflag:s14] =	ssyncadd.s32 $0xFFFFC000  }
0x38: {  	[hbm4b:s20+s2] =	stream.linear.scatter [tilespmem:s9], [sflag:$0x5], $0x4000, $0x38;
	[tilespmem:$0x11000] =	vst v63  }
0x39: {  	_ =	swait.ge [sflag:s7], $0x4000  }
0x3a: {  	[sflag:s7] =	ssyncset.done $0x0  }
0x3b: {  	s21 =	rddreg [dreg:$0x7];
	[sflag:s7] =	ssyncadd.s32 $0xFFFFC000  }
0x3c: {  	[tilespmem:s9], [sflag:$0x1] =	stream.indirect.gather [hbm4b:s4+s11], $0x80, s21, s11, $0xb8;
	[tilespmem:$0x11000] =	vst v63  }
0x3d: {  	_ =	swait.ge [sflag:s15], $0x4000  }
0x3e: {  	[sflag:s15] =	ssyncset.done $0x0  }
0x3f: {  	s22 =	rddreg [dreg:$0x8];
	[sflag:s15] =	ssyncadd.s32 $0xFFFFC000  }
0x40: {  	[hbm4b:s22+s2] =	stream.linear.scatter [tilespmem:s8], [sflag:$0x6], $0x4000, $0x38;
	[tilespmem:$0x11000] =	vst v63  }
0x41: {  	_ =	swait.ge [sflag:s10], $0x4000  }
0x42: {  	[sflag:s10] =	ssyncset.done $0x0  }
0x43: {  	s23 =	rddreg [dreg:$0x9];
	[sflag:s10] =	ssyncadd.s32 $0xFFFFC000  }
0x44: {  	[tilespmem:s8], [sflag:$0x2] =	stream.indirect.gather [hbm4b:s4+s11], $0x80, s23, s11, $0xb8;
	[tilespmem:$0x11000] =	vst v63  }
0x45: {  	_ =	swait.ge [sflag:s16], $0x4000  }
0x46: {  	[sflag:s16] =	ssyncset.done $0x0  }
0x47: {  	s24 =	rddreg [dreg:$0xa];
	[sflag:s16] =	ssyncadd.s32 $0xFFFFC000  }
0x48: {  	[hbm4b:s24+s2] =	stream.linear.scatter [tilespmem:s6], [sflag:$0x7], $0x4000, $0x38;
	[tilespmem:$0x11000] =	vst v63  }
0x49: {  	_ =	swait.ge [sflag:s12], $0x4000  }
0x4a: {  	[sflag:s12] =	ssyncset.done $0x0  }
0x4b: {  	s25 =	rddreg [dreg:$0xb];
	[sflag:s12] =	ssyncadd.s32 $0xFFFFC000  }
0x4c: {  	[tilespmem:s6], [sflag:$0x3] =	stream.indirect.gather [hbm4b:s4+s11], $0x80, s25, s11, $0xb8;
	[tilespmem:$0x11000] =	vst v63  }
0x4d: {  	_ =	swait.ge [sflag:s17], $0x4000  }
0x4e: {  	[sflag:s17] =	ssyncset.done $0x0  }
0x4f: {  	s26 =	rddreg [dreg:$0xc];
	[sflag:s17] =	ssyncadd.s32 $0xFFFFC000  }
0x50: {  	[hbm4b:s26+s2] =	stream.linear.scatter [tilespmem:s5], [sflag:$0x8], $0x4000, $0x38;
	[tilespmem:$0x11000] =	vst v63  }
0x51: {  	_ =	swait.ge [sflag:s13], $0x4000  }
0x52: {  	[sflag:s13] =	ssyncset.done $0x0  }
0x53: {  	s3 =	rddreg [dreg:$0xd];
	[sflag:s13] =	ssyncadd.s32 $0xFFFFC000  }
0x54: {  	[tilespmem:s5], [sflag:$0x4] =	stream.indirect.gather [hbm4b:s4+s11], $0x80, s3, s11, $0xb8;
	[tilespmem:$0x11000] =	vst v63  }
0x55: {  	_ =	swait.ge [sflag:s14], $0x4000  }
0x56: {  	s19 =	sadd.s32 $0x2000, s20;
	[sflag:s14] =	ssyncset.done $0x0  }
0x57: {  	[smem:$0x7E7] =	sst s19;
	[sflag:s14] =	ssyncadd.s32 $0xFFFFC000  }
0x58: {  	[hbm4b:s19+s2] =	stream.linear.scatter [tilespmem:s9], [sflag:$0x5], $0x4000, $0x38;
	[tilespmem:$0x11000] =	vst v63  }
0x59: {  	_ =	swait.ge [sflag:s7], $0x4000  }
0x5a: {  	[sflag:s7] =	ssyncset.done $0x0  }
0x5b: {  	s21 =	rddreg [dreg:$0xe];
	[sflag:s7] =	ssyncadd.s32 $0xFFFFC000  }
0x5c: {  	[tilespmem:s9], [sflag:$0x1] =	stream.indirect.gather [hbm4b:s4+s11], $0x80, s21, s11, $0xb8;
	[tilespmem:$0x11000] =	vst v63  }
0x5d: {  	_ =	swait.ge [sflag:s15], $0x4000  }
0x5e: {  	s22 =	sadd.s32 $0x2800, s20;
	[sflag:s15] =	ssyncset.done $0x0  }
0x5f: {  	[smem:$0x7E8] =	sst s22;
	[sflag:s15] =	ssyncadd.s32 $0xFFFFC000  }
0x60: {  	[hbm4b:s22+s2] =	stream.linear.scatter [tilespmem:s8], [sflag:$0x6], $0x4000, $0x38;
	[tilespmem:$0x11000] =	vst v63  }
0x61: {  	_ =	swait.ge [sflag:s10], $0x4000  }
0x62: {  	[sflag:s10] =	ssyncset.done $0x0  }
0x63: {  	s23 =	rddreg [dreg:$0xf];
	[sflag:s10] =	ssyncadd.s32 $0xFFFFC000  }
0x64: {  	[tilespmem:s8], [sflag:$0x2] =	stream.indirect.gather [hbm4b:s4+s11], $0x80, s23, s11, $0xb8;
	[tilespmem:$0x11000] =	vst v63  }
0x65: {  	_ =	swait.ge [sflag:s16], $0x4000  }
0x66: {  	s24 =	sadd.s32 $0x3000, s20;
	[sflag:s16] =	ssyncset.done $0x0  }
0x67: {  	[smem:$0x7E9] =	sst s24;
	[sflag:s16] =	ssyncadd.s32 $0xFFFFC000  }
0x68: {  	[hbm4b:s24+s2] =	stream.linear.scatter [tilespmem:s6], [sflag:$0x7], $0x4000, $0x38;
	[tilespmem:$0x11000] =	vst v63  }
0x69: {  	_ =	swait.ge [sflag:s12], $0x4000  }
0x6a: {  	[sflag:s12] =	ssyncset.done $0x0  }
0x6b: {  	s25 =	rddreg [dreg:$0x10];
	[sflag:s12] =	ssyncadd.s32 $0xFFFFC000  }
0x6c: {  	[tilespmem:s6], [sflag:$0x3] =	stream.indirect.gather [hbm4b:s4+s11], $0x80, s25, s11, $0xb8;
	[tilespmem:$0x11000] =	vst v63  }
0x6d: {  	_ =	swait.ge [sflag:s17], $0x4000  }
0x6e: {  	s26 =	sadd.s32 $0x3800, s20;
	[sflag:s17] =	ssyncset.done $0x0  }
0x6f: {  	[smem:$0x7EA] =	sst s26;
	[sflag:s17] =	ssyncadd.s32 $0xFFFFC000  }
0x70: {  	[hbm4b:s26+s2] =	stream.linear.scatter [tilespmem:s5], [sflag:$0x8], $0x4000, $0x38;
	[tilespmem:$0x11000] =	vst v63  }
0x71: {  	_ =	swait.ge [sflag:s13], $0x4000  }
0x72: {  	[sflag:s13] =	ssyncset.done $0x0  }
0x73: {  	s3 =	rddreg [dreg:$0x11];
	[sflag:s13] =	ssyncadd.s32 $0xFFFFC000  }
0x74: {  	[tilespmem:s5], [sflag:$0x4] =	stream.indirect.gather [hbm4b:s4+s11], $0x80, s3, s11, $0xb8;
	[tilespmem:$0x11000] =	vst v63  }
0x75: {  	_ =	swait.ge [sflag:s14], $0x4000  }
0x76: {  	s19 =	sadd.s32 $0x4000, s20;
	[sflag:s14] =	ssyncset.done $0x0  }
0x77: {  	[smem:$0x7EB] =	sst s19;
	[sflag:s14] =	ssyncadd.s32 $0xFFFFC000  }
0x78: {  	[hbm4b:s19+s2] =	stream.linear.scatter [tilespmem:s9], [sflag:$0x5], $0x4000, $0x38;
	[tilespmem:$0x11000] =	vst v63  }
0x79: {  	_ =	swait.ge [sflag:s7], $0x4000  }
0x7a: {  	[sflag:s7] =	ssyncset.done $0x0  }
0x7b: {  	s21 =	rddreg [dreg:$0x12];
	[sflag:s7] =	ssyncadd.s32 $0xFFFFC000  }
0x7c: {  	[tilespmem:s9], [sflag:$0x1] =	stream.indirect.gather [hbm4b:s4+s11], $0x80, s21, s11, $0xb8;
	[tilespmem:$0x11000] =	vst v63  }
0x7d: {  	_ =	swait.ge [sflag:s15], $0x4000  }
0x7e: {  	s22 =	sadd.s32 $0x4800, s20;
	[sflag:s15] =	ssyncset.done $0x0  }
0x7f: {  	[smem:$0x7EC] =	sst s22;
	[sflag:s15] =	ssyncadd.s32 $0xFFFFC000  }
0x80: {  	[hbm4b:s22+s2] =	stream.linear.scatter [tilespmem:s8], [sflag:$0x6], $0x4000, $0x38;
	[tilespmem:$0x11000] =	vst v63  }
0x81: {  	_ =	swait.ge [sflag:s10], $0x4000  }
0x82: {  	[sflag:s10] =	ssyncset.done $0x0  }
0x83: {  	s23 =	rddreg [dreg:$0x13];
	[sflag:s10] =	ssyncadd.s32 $0xFFFFC000  }
0x84: {  	[tilespmem:s8], [sflag:$0x2] =	stream.indirect.gather [hbm4b:s4+s11], $0x80, s23, s11, $0xb8;
	[tilespmem:$0x11000] =	vst v63  }
0x85: {  	_ =	swait.ge [sflag:s16], $0x4000  }
0x86: {  	s24 =	sadd.s32 $0x5000, s20;
	[sflag:s16] =	ssyncset.done $0x0  }
0x87: {  	[smem:$0x7ED] =	sst s24;
	[sflag:s16] =	ssyncadd.s32 $0xFFFFC000  }
0x88: {  	[hbm4b:s24+s2] =	stream.linear.scatter [tilespmem:s6], [sflag:$0x7], $0x4000, $0x38;
	[tilespmem:$0x11000] =	vst v63  }
0x89: {  	_ =	swait.ge [sflag:s12], $0x4000  }
0x8a: {  	[sflag:s12] =	ssyncset.done $0x0  }
0x8b: {  	s25 =	rddreg [dreg:$0x14];
	[sflag:s12] =	ssyncadd.s32 $0xFFFFC000  }
0x8c: {  	[tilespmem:s6], [sflag:$0x3] =	stream.indirect.gather [hbm4b:s4+s11], $0x80, s25, s11, $0xb8;
	[tilespmem:$0x11000] =	vst v63  }
0x8d: {  	_ =	swait.ge [sflag:s17], $0x4000  }
0x8e: {  	s26 =	sadd.s32 $0x5800, s20;
	[sflag:s17] =	ssyncset.done $0x0  }
0x8f: {  	[smem:$0x7EE] =	sst s26;
	[sflag:s17] =	ssyncadd.s32 $0xFFFFC000  }
0x90: {  	[hbm4b:s26+s2] =	stream.linear.scatter [tilespmem:s5], [sflag:$0x8], $0x4000, $0x38;
	[tilespmem:$0x11000] =	vst v63  }
0x91: {  	_ =	swait.ge [sflag:s13], $0x4000  }
0x92: {  	[sflag:s13] =	ssyncset.done $0x0  }
0x93: {  	s3 =	rddreg [dreg:$0x15];
	[sflag:s13] =	ssyncadd.s32 $0xFFFFC000  }
0x94: {  	[tilespmem:s5], [sflag:$0x4] =	stream.indirect.gather [hbm4b:s4+s11], $0x80, s3, s11, $0xb8;
	[tilespmem:$0x11000] =	vst v63  }
0x95: {  	_ =	swait.ge [sflag:s14], $0x4000  }
0x96: {  	s19 =	sadd.s32 $0x6000, s20;
	[sflag:s14] =	ssyncset.done $0x0  }
0x97: {  	[smem:$0x7EF] =	sst s19;
	[sflag:s14] =	ssyncadd.s32 $0xFFFFC000  }
0x98: {  	[hbm4b:s19+s2] =	stream.linear.scatter [tilespmem:s9], [sflag:$0x5], $0x4000, $0x38;
	[tilespmem:$0x11000] =	vst v63  }
0x99: {  	_ =	swait.ge [sflag:s7], $0x4000  }
0x9a: {  	[sflag:s7] =	ssyncset.done $0x0  }
0x9b: {  	s21 =	rddreg [dreg:$0x16];
	[sflag:s7] =	ssyncadd.s32 $0xFFFFC000  }
0x9c: {  	[tilespmem:s9], [sflag:$0x1] =	stream.indirect.gather [hbm4b:s4+s11], $0x80, s21, s11, $0xb8;
	[tilespmem:$0x11000] =	vst v63  }
0x9d: {  	_ =	swait.ge [sflag:s15], $0x4000  }
0x9e: {  	s22 =	sadd.s32 $0x6800, s20;
	[sflag:s15] =	ssyncset.done $0x0  }
0x9f: {  	[smem:$0x7F0] =	sst s22;
	[sflag:s15] =	ssyncadd.s32 $0xFFFFC000  }
0xa0: {  	[hbm4b:s22+s2] =	stream.linear.scatter [tilespmem:s8], [sflag:$0x6], $0x4000, $0x38;
	[tilespmem:$0x11000] =	vst v63  }
0xa1: {  	_ =	swait.ge [sflag:s10], $0x4000  }
0xa2: {  	[sflag:s10] =	ssyncset.done $0x0  }
0xa3: {  	s23 =	rddreg [dreg:$0x17];
	[sflag:s10] =	ssyncadd.s32 $0xFFFFC000  }
0xa4: {  	[tilespmem:s8], [sflag:$0x2] =	stream.indirect.gather [hbm4b:s4+s11], $0x80, s23, s11, $0xb8;
	[tilespmem:$0x11000] =	vst v63  }
0xa5: {  	_ =	swait.ge [sflag:s16], $0x4000  }
0xa6: {  	s24 =	sadd.s32 $0x7000, s20;
	[sflag:s16] =	ssyncset.done $0x0  }
0xa7: {  	[smem:$0x7F1] =	sst s24;
	[sflag:s16] =	ssyncadd.s32 $0xFFFFC000  }
0xa8: {  	[hbm4b:s24+s2] =	stream.linear.scatter [tilespmem:s6], [sflag:$0x7], $0x4000, $0x38;
	[tilespmem:$0x11000] =	vst v63  }
0xa9: {  	_ =	swait.ge [sflag:s12], $0x4000  }
0xaa: {  	[sflag:s12] =	ssyncset.done $0x0  }
0xab: {  	s25 =	rddreg [dreg:$0x18];
	[sflag:s12] =	ssyncadd.s32 $0xFFFFC000  }
0xac: {  	[tilespmem:s6], [sflag:$0x3] =	stream.indirect.gather [hbm4b:s4+s11], $0x80, s25, s11, $0xb8;
	[tilespmem:$0x11000] =	vst v63  }
0xad: {  	_ =	swait.ge [sflag:s17], $0x4000  }
0xae: {  	s26 =	sadd.s32 $0x7800, s20;
	[sflag:s17] =	ssyncset.done $0x0  }
0xaf: {  	[smem:$0x7F2] =	sst s26;
	[sflag:s17] =	ssyncadd.s32 $0xFFFFC000  }
0xb0: {  	[hbm4b:s26+s2] =	stream.linear.scatter [tilespmem:s5], [sflag:$0x8], $0x4000, $0x38;
	[tilespmem:$0x11000] =	vst v63  }
0xb1: {  	_ =	swait.ge [sflag:s13], $0x4000  }
0xb2: {  	[sflag:s13] =	ssyncset.done $0x0  }
0xb3: {  	s3 =	rddreg [dreg:$0x19];
	[sflag:s13] =	ssyncadd.s32 $0xFFFFC000  }
0xb4: {  	[tilespmem:s5], [sflag:$0x4] =	stream.indirect.gather [hbm4b:s4+s11], $0x80, s3, s11, $0xb8;
	[tilespmem:$0x11000] =	vst v63  }
0xb5: {  	_ =	swait.ge [sflag:s14], $0x4000  }
0xb6: {  	s19 =	sadd.s32 $0x8000, s20;
	[sflag:s14] =	ssyncset.done $0x0  }
0xb7: {  	[smem:$0x7F3] =	sst s19;
	[sflag:s14] =	ssyncadd.s32 $0xFFFFC000  }
0xb8: {  	[hbm4b:s19+s2] =	stream.linear.scatter [tilespmem:s9], [sflag:$0x5], $0x4000, $0x38;
	[tilespmem:$0x11000] =	vst v63  }
0xb9: {  	_ =	swait.ge [sflag:s7], $0x4000  }
0xba: {  	[sflag:s7] =	ssyncset.done $0x0  }
0xbb: {  	s21 =	rddreg [dreg:$0x1a];
	[sflag:s7] =	ssyncadd.s32 $0xFFFFC000  }
0xbc: {  	[tilespmem:s9], [sflag:$0x1] =	stream.indirect.gather [hbm4b:s4+s11], $0x80, s21, s11, $0xb8;
	[tilespmem:$0x11000] =	vst v63  }
0xbd: {  	_ =	swait.ge [sflag:s15], $0x4000  }
0xbe: {  	s22 =	sadd.s32 $0x8800, s20;
	[sflag:s15] =	ssyncset.done $0x0  }
0xbf: {  	[smem:$0x7F4] =	sst s22;
	[sflag:s15] =	ssyncadd.s32 $0xFFFFC000  }
0xc0: {  	[hbm4b:s22+s2] =	stream.linear.scatter [tilespmem:s8], [sflag:$0x6], $0x4000, $0x38;
	[tilespmem:$0x11000] =	vst v63  }
0xc1: {  	_ =	swait.ge [sflag:s10], $0x4000  }
0xc2: {  	[sflag:s10] =	ssyncset.done $0x0  }
0xc3: {  	s23 =	rddreg [dreg:$0x1b];
	[sflag:s10] =	ssyncadd.s32 $0xFFFFC000  }
0xc4: {  	[tilespmem:s8], [sflag:$0x2] =	stream.indirect.gather [hbm4b:s4+s11], $0x80, s23, s11, $0xb8;
	[tilespmem:$0x11000] =	vst v63  }
0xc5: {  	_ =	swait.ge [sflag:s16], $0x4000  }
0xc6: {  	s24 =	sadd.s32 $0x9000, s20;
	[sflag:s16] =	ssyncset.done $0x0  }
0xc7: {  	[smem:$0x7F5] =	sst s24;
	[sflag:s16] =	ssyncadd.s32 $0xFFFFC000  }
0xc8: {  	[hbm4b:s24+s2] =	stream.linear.scatter [tilespmem:s6], [sflag:$0x7], $0x4000, $0x38;
	[tilespmem:$0x11000] =	vst v63  }
0xc9: {  	_ =	swait.ge [sflag:s12], $0x4000  }
0xca: {  	[sflag:s12] =	ssyncset.done $0x0  }
0xcb: {  	s25 =	rddreg [dreg:$0x1c];
	[sflag:s12] =	ssyncadd.s32 $0xFFFFC000  }
0xcc: {  	[tilespmem:s6], [sflag:$0x3] =	stream.indirect.gather [hbm4b:s4+s11], $0x80, s25, s11, $0xb8;
	[tilespmem:$0x11000] =	vst v63  }
0xcd: {  	_ =	swait.ge [sflag:s17], $0x4000  }
0xce: {  	s26 =	sadd.s32 $0x9800, s20;
	[sflag:s17] =	ssyncset.done $0x0  }
0xcf: {  	[smem:$0x7F6] =	sst s26;
	[sflag:s17] =	ssyncadd.s32 $0xFFFFC000  }
0xd0: {  	[hbm4b:s26+s2] =	stream.linear.scatter [tilespmem:s5], [sflag:$0x8], $0x4000, $0x38;
	[tilespmem:$0x11000] =	vst v63  }
0xd1: {  	_ =	swait.ge [sflag:s13], $0x4000  }
0xd2: {  	[sflag:s13] =	ssyncset.done $0x0  }
0xd3: {  	s3 =	rddreg [dreg:$0x1d];
	[sflag:s13] =	ssyncadd.s32 $0xFFFFC000  }
0xd4: {  	[tilespmem:s5], [sflag:$0x4] =	stream.indirect.gather [hbm4b:s4+s11], $0x80, s3, s11, $0xb8;
	[tilespmem:$0x11000] =	vst v63  }
0xd5: {  	_ =	swait.ge [sflag:s14], $0x4000  }
0xd6: {  	s19 =	sadd.s32 $0xA000, s20;
	[sflag:s14] =	ssyncset.done $0x0  }
0xd7: {  	[smem:$0x7F7] =	sst s19;
	[sflag:s14] =	ssyncadd.s32 $0xFFFFC000  }
0xd8: {  	[hbm4b:s19+s2] =	stream.linear.scatter [tilespmem:s9], [sflag:$0x5], $0x4000, $0x38;
	[tilespmem:$0x11000] =	vst v63  }
0xd9: {  	_ =	swait.ge [sflag:s7], $0x4000  }
0xda: {  	[sflag:s7] =	ssyncset.done $0x0  }
0xdb: {  	s21 =	rddreg [dreg:$0x1e];
	[sflag:s7] =	ssyncadd.s32 $0xFFFFC000  }
0xdc: {  	[tilespmem:s9], [sflag:$0x1] =	stream.indirect.gather [hbm4b:s4+s11], $0x80, s21, s11, $0xb8;
	[tilespmem:$0x11000] =	vst v63  }
0xdd: {  	_ =	swait.ge [sflag:s15], $0x4000  }
0xde: {  	[sflag:s15] =	ssyncset.done $0x0  }
0xdf: {  	s21 =	sadd.s32 $0xA800, s20;
	[sflag:s15] =	ssyncadd.s32 $0xFFFFC000  }
0xe0: {  	[hbm4b:s21+s2] =	stream.linear.scatter [tilespmem:s8], [sflag:$0x6], $0x4000, $0x38;
	[tilespmem:$0x11000] =	vst v63  }
0xe1: {  	_ =	swait.ge [sflag:s10], $0x4000  }
0xe2: {  	[sflag:s10] =	ssyncset.done $0x0  }
0xe3: {  	s22 =	rddreg [dreg:$0x1f];
	[sflag:s10] =	ssyncadd.s32 $0xFFFFC000  }
0xe4: {  	[tilespmem:s8], [sflag:$0x2] =	stream.indirect.gather [hbm4b:s4+s11], $0x80, s22, s11, $0xb8;
	[tilespmem:$0x11000] =	vst v63  }
0xe5: {  	_ =	swait.ge [sflag:s16], $0x4000  }
0xe6: {  	[sflag:s16] =	ssyncset.done $0x0  }
0xe7: {  	s22 =	sadd.s32 $0xB000, s20;
	[sflag:s16] =	ssyncadd.s32 $0xFFFFC000  }
0xe8: {  	[hbm4b:s22+s2] =	stream.linear.scatter [tilespmem:s6], [sflag:$0x7], $0x4000, $0x38;
	[tilespmem:$0x11000] =	vst v63  }
0xe9: {  	_ =	swait.ge [sflag:s12], $0x4000  }
0xea: {  	s23 =	sld [smem:$0x7F8]  }
0xeb: {  	[sflag:s12] =	ssyncset.done $0x0  }
0xec: {  	[sflag:s12] =	ssyncadd.s32 $0xFFFFC000  }
0xed: {  	[tilespmem:s6], [sflag:$0x3] =	stream.indirect.gather [hbm4b:s4+s11], $0x80, s23, s11, $0xb8;
	[tilespmem:$0x11000] =	vst v63  }
0xee: {  	_ =	swait.ge [sflag:s17], $0x4000  }
0xef: {  	[sflag:s17] =	ssyncset.done $0x0  }
0xf0: {  	s23 =	sadd.s32 $0xB800, s20;
	[sflag:s17] =	ssyncadd.s32 $0xFFFFC000  }
0xf1: {  	[hbm4b:s23+s2] =	stream.linear.scatter [tilespmem:s5], [sflag:$0x8], $0x4000, $0x38;
	[tilespmem:$0x11000] =	vst v63  }
0xf2: {  	_ =	swait.ge [sflag:s13], $0x4000  }
0xf3: {  	s24 =	sld [smem:$0x7F9]  }
0xf4: {  	[sflag:s13] =	ssyncset.done $0x0  }
0xf5: {  	[sflag:s13] =	ssyncadd.s32 $0xFFFFC000  }
0xf6: {  	[tilespmem:s5], [sflag:$0x4] =	stream.indirect.gather [hbm4b:s4+s11], $0x80, s24, s11, $0xb8;
	[tilespmem:$0x11000] =	vst v63  }
0xf7: {  	_ =	swait.ge [sflag:s14], $0x4000  }
0xf8: {  	[sflag:s14] =	ssyncset.done $0x0  }
0xf9: {  	s24 =	sadd.s32 $0xC000, s20;
	[sflag:s14] =	ssyncadd.s32 $0xFFFFC000  }
0xfa: {  	[hbm4b:s24+s2] =	stream.linear.scatter [tilespmem:s9], [sflag:$0x5], $0x4000, $0x38;
	[tilespmem:$0x11000] =	vst v63  }
0xfb: {  	_ =	swait.ge [sflag:s7], $0x4000  }
0xfc: {  	s25 =	sld [smem:$0x7FA]  }
0xfd: {  	[sflag:s7] =	ssyncset.done $0x0  }
0xfe: {  	[sflag:s7] =	ssyncadd.s32 $0xFFFFC000  }
0xff: {  	[tilespmem:s9], [sflag:$0x1] =	stream.indirect.gather [hbm4b:s4+s11], $0x80, s25, s11, $0xb8;
	[tilespmem:$0x11000] =	vst v63  }
0x100: {  	_ =	swait.ge [sflag:s15], $0x4000  }
0x101: {  	[sflag:s15] =	ssyncset.done $0x0  }
0x102: {  	s25 =	sadd.s32 $0xC800, s20;
	[sflag:s15] =	ssyncadd.s32 $0xFFFFC000  }
0x103: {  	[hbm4b:s25+s2] =	stream.linear.scatter [tilespmem:s8], [sflag:$0x6], $0x4000, $0x38;
	[tilespmem:$0x11000] =	vst v63  }
0x104: {  	_ =	swait.ge [sflag:s10], $0x4000  }
0x105: {  	s26 =	sld [smem:$0x7FB]  }
0x106: {  	[sflag:s10] =	ssyncset.done $0x0  }
0x107: {  	[sflag:s10] =	ssyncadd.s32 $0xFFFFC000  }
0x108: {  	[tilespmem:s8], [sflag:$0x2] =	stream.indirect.gather [hbm4b:s4+s11], $0x80, s26, s11, $0xb8;
	[tilespmem:$0x11000] =	vst v63  }
0x109: {  	_ =	swait.ge [sflag:s16], $0x4000  }
0x10a: {  	[sflag:s16] =	ssyncset.done $0x0  }
0x10b: {  	s26 =	sadd.s32 $0xD000, s20;
	[sflag:s16] =	ssyncadd.s32 $0xFFFFC000  }
0x10c: {  	[hbm4b:s26+s2] =	stream.linear.scatter [tilespmem:s6], [sflag:$0x7], $0x4000, $0x38;
	[tilespmem:$0x11000] =	vst v63  }
0x10d: {  	_ =	swait.ge [sflag:s12], $0x4000  }
0x10e: {  	s3 =	sld [smem:$0x7FC]  }
0x10f: {  	[sflag:s12] =	ssyncset.done $0x0  }
0x110: {  	[sflag:s12] =	ssyncadd.s32 $0xFFFFC000  }
0x111: {  	[tilespmem:s6], [sflag:$0x3] =	stream.indirect.gather [hbm4b:s4+s11], $0x80, s3, s11, $0xb8;
	[tilespmem:$0x11000] =	vst v63  }
0x112: {  	_ =	swait.ge [sflag:s17], $0x4000  }
0x113: {  	[sflag:s17] =	ssyncset.done $0x0  }
0x114: {  	s28 =	sadd.s32 $0xD800, s20;
	[sflag:s17] =	ssyncadd.s32 $0xFFFFC000  }
0x115: {  	[hbm4b:s28+s2] =	stream.linear.scatter [tilespmem:s5], [sflag:$0x8], $0x4000, $0x38;
	[tilespmem:$0x11000] =	vst v63  }
0x116: {  	_ =	swait.ge [sflag:s13], $0x4000  }
0x117: {  	s19 =	sld [smem:$0x7FD]  }
0x118: {  	[sflag:s13] =	ssyncset.done $0x0  }
0x119: {  	[sflag:s13] =	ssyncadd.s32 $0xFFFFC000  }
0x11a: {  	[tilespmem:s5], [sflag:$0x4] =	stream.indirect.gather [hbm4b:s4+s11], $0x80, s19, s11, $0xb8;
	[tilespmem:$0x11000] =	vst v63  }
0x11b: {  	_ =	swait.ge [sflag:s14], $0x4000  }
0x11c: {  	[sflag:s14] =	ssyncset.done $0x0  }
0x11d: {  	s29 =	sadd.s32 $0xE000, s20;
	[sflag:s14] =	ssyncadd.s32 $0xFFFFC000  }
0x11e: {  	[hbm4b:s29+s2] =	stream.linear.scatter [tilespmem:s9], [sflag:$0x5], $0x4000, $0x38;
	[tilespmem:$0x11000] =	vst v63  }
0x11f: {  	_ =	swait.ge [sflag:s15], $0x4000  }
0x120: {  	[sflag:s15] =	ssyncset.done $0x0  }
0x121: {  	s30 =	sadd.s32 $0xE800, s20;
	[sflag:s15] =	ssyncadd.s32 $0xFFFFC000  }
0x122: {  	[hbm4b:s30+s2] =	stream.linear.scatter [tilespmem:s8], [sflag:$0x6], $0x4000, $0x38;
	[tilespmem:$0x11000] =	vst v63  }
0x123: {  	_ =	swait.ge [sflag:s16], $0x4000  }
0x124: {  	[sflag:s16] =	ssyncset.done $0x0  }
0x125: {  	s31 =	sadd.s32 $0xF000, s20;
	[sflag:s16] =	ssyncadd.s32 $0xFFFFC000  }
0x126: {  	[hbm4b:s31+s2] =	stream.linear.scatter [tilespmem:s6], [sflag:$0x7], $0x4000, $0x38;
	[tilespmem:$0x11000] =	vst v63  }
0x127: {  	_ =	swait.ge [sflag:s17], $0x4000  }
0x128: {  	[sflag:s17] =	ssyncset.done $0x0  }
0x129: {  	s0 =	sadd.s32 $0xF800, s20;
	[sflag:s17] =	ssyncadd.s32 $0xFFFFC000  }
0x12a: {  	[hbm4b:s0+s2] =	stream.linear.scatter [tilespmem:s5], [sflag:$0x8], $0x4000, $0x38;
	[tilespmem:$0x11000] =	vst v63  }
0x12b: {  	_ =	swait.ge [sflag:s7], $0x4000  }
0x12c: {  	[sflag:s7] =	ssyncset.done $0x0  }
0x12d: {  	[sflag:s7] =	ssyncadd.s32 $0xFFFFC000  }
0x12e: {  	_ =	swait.ge [sflag:s10], $0x4000  }
0x12f: {  	[sflag:s10] =	ssyncset.done $0x0  }
0x130: {  	p1 =	sne.s32 s1, $0x1;
	[sflag:s10] =	ssyncadd.s32 $0xFFFFC000  }
.Ltmp1:
0x131: {  	_ =	swait.ge [sflag:s12], $0x4000;
	(pc) =	sbr.rel @!p1 .LBB2_2-.Ltmp1, $4  }
0x132: {  	[sflag:s12] =	ssyncset.done $0x0  }
0x133: {  	[sflag:s12] =	ssyncadd.s32 $0xFFFFC000  }
0x134: {  	s1 =	sadd.s32 $0xFFFFFFFF, s1;
	_ =	swait.ge [sflag:s13], $0x4000  }
0x135: {  	p0 =	por $0x1, $0x1;
	[sflag:s13] =	ssyncset.done $0x0;
	s3 =	rddreg [dreg:$0x4]  }
.LBB2_3:
0x136: {  	[sflag:s13] =	ssyncadd.s32 $0xFFFFC000  }
0x137: {  	[tilespmem:s2], [sflag:$0x9] =	stream.linear.gather [hbm4b:s3+s2], $0x1000, $0x38;
	[tilespmem:$0x11000] =	vst v63  }
0x138: {  	_ =	swait.ge [sflag:s18], $0x1000  }
0x139: {  	[sflag:s18] =	ssyncset.done $0x0  }
0x13a: {  	[sflag:s18] =	ssyncadd.s32 $0xFFFFF000  }
0x13b: {  	[tilespmem:s9], [sflag:$0x1] =	stream.indirect.gather [hbm4b:s4+s11], $0x80, s2, s11, $0xb8;
	[tilespmem:$0x11000] =	vst v63  }
0x13c: {  	_ = 	snop  }
0x13d: {  	[tilespmem:s8], [sflag:$0x2] =	stream.indirect.gather [hbm4b:s4+s11], $0x80, s11, s11, $0xb8;
	[tilespmem:$0x11000] =	vst v63  }
0x13e: {  	s3 =	rddreg [dreg:$0x5]  }
0x13f: {  	[tilespmem:s6], [sflag:$0x3] =	stream.indirect.gather [hbm4b:s4+s11], $0x80, s3, s11, $0xb8;
	[tilespmem:$0x11000] =	vst v63  }
0x140: {  	s19 =	rddreg [dreg:$0x6]  }
0x141: {  	[tilespmem:s5], [sflag:$0x4] =	stream.indirect.gather [hbm4b:s4+s11], $0x80, s19, s11, $0xb8;
	[tilespmem:$0x11000] =	vst v63  }
0x142: {  	_ =	swait.ge [sflag:s14], $0x4000  }
0x143: {  	[sflag:s14] =	ssyncset.done $0x0  }
0x144: {  	[sflag:s14] =	ssyncadd.s32 $0xFFFFC000  }
0x145: {  	[hbm4b:s20+s2] =	stream.linear.scatter [tilespmem:s9], [sflag:$0x5], $0x4000, $0x38;
	[tilespmem:$0x11000] =	vst v63  }
0x146: {  	_ =	swait.ge [sflag:s7], $0x4000  }
0x147: {  	[sflag:s7] =	ssyncset.done $0x0  }
0x148: {  	s19 =	rddreg [dreg:$0x7];
	[sflag:s7] =	ssyncadd.s32 $0xFFFFC000  }
0x149: {  	[tilespmem:s9], [sflag:$0x1] =	stream.indirect.gather [hbm4b:s4+s11], $0x80, s19, s11, $0xb8;
	[tilespmem:$0x11000] =	vst v63  }
0x14a: {  	_ =	swait.ge [sflag:s15], $0x4000  }
0x14b: {  	[sflag:s15] =	ssyncset.done $0x0  }
0x14c: {  	s19 =	rddreg [dreg:$0x8];
	[sflag:s15] =	ssyncadd.s32 $0xFFFFC000  }
0x14d: {  	[hbm4b:s19+s2] =	stream.linear.scatter [tilespmem:s8], [sflag:$0x6], $0x4000, $0x38;
	[tilespmem:$0x11000] =	vst v63  }
0x14e: {  	_ =	swait.ge [sflag:s10], $0x4000  }
0x14f: {  	[sflag:s10] =	ssyncset.done $0x0  }
0x150: {  	s19 =	rddreg [dreg:$0x9];
	[sflag:s10] =	ssyncadd.s32 $0xFFFFC000  }
0x151: {  	[tilespmem:s8], [sflag:$0x2] =	stream.indirect.gather [hbm4b:s4+s11], $0x80, s19, s11, $0xb8;
	[tilespmem:$0x11000] =	vst v63  }
0x152: {  	_ =	swait.ge [sflag:s16], $0x4000  }
0x153: {  	[sflag:s16] =	ssyncset.done $0x0  }
0x154: {  	s19 =	rddreg [dreg:$0xa];
	[sflag:s16] =	ssyncadd.s32 $0xFFFFC000  }
0x155: {  	[hbm4b:s19+s2] =	stream.linear.scatter [tilespmem:s6], [sflag:$0x7], $0x4000, $0x38;
	[tilespmem:$0x11000] =	vst v63  }
0x156: {  	_ =	swait.ge [sflag:s12], $0x4000  }
0x157: {  	[sflag:s12] =	ssyncset.done $0x0  }
0x158: {  	s19 =	rddreg [dreg:$0xb];
	[sflag:s12] =	ssyncadd.s32 $0xFFFFC000  }
0x159: {  	[tilespmem:s6], [sflag:$0x3] =	stream.indirect.gather [hbm4b:s4+s11], $0x80, s19, s11, $0xb8;
	[tilespmem:$0x11000] =	vst v63  }
0x15a: {  	_ =	swait.ge [sflag:s17], $0x4000  }
0x15b: {  	[sflag:s17] =	ssyncset.done $0x0  }
0x15c: {  	s19 =	rddreg [dreg:$0xc];
	[sflag:s17] =	ssyncadd.s32 $0xFFFFC000  }
0x15d: {  	[hbm4b:s19+s2] =	stream.linear.scatter [tilespmem:s5], [sflag:$0x8], $0x4000, $0x38;
	[tilespmem:$0x11000] =	vst v63  }
0x15e: {  	_ =	swait.ge [sflag:s13], $0x4000  }
0x15f: {  	[sflag:s13] =	ssyncset.done $0x0  }
0x160: {  	s19 =	rddreg [dreg:$0xd];
	[sflag:s13] =	ssyncadd.s32 $0xFFFFC000  }
0x161: {  	[tilespmem:s5], [sflag:$0x4] =	stream.indirect.gather [hbm4b:s4+s11], $0x80, s19, s11, $0xb8;
	[tilespmem:$0x11000] =	vst v63  }
0x162: {  	_ =	swait.ge [sflag:s14], $0x4000  }
0x163: {  	s19 =	sld [smem:$0x7E7]  }
0x164: {  	[sflag:s14] =	ssyncset.done $0x0  }
0x165: {  	[sflag:s14] =	ssyncadd.s32 $0xFFFFC000  }
0x166: {  	[hbm4b:s19+s2] =	stream.linear.scatter [tilespmem:s9], [sflag:$0x5], $0x4000, $0x38;
	[tilespmem:$0x11000] =	vst v63  }
0x167: {  	_ =	swait.ge [sflag:s7], $0x4000  }
0x168: {  	[sflag:s7] =	ssyncset.done $0x0  }
0x169: {  	s19 =	rddreg [dreg:$0xe];
	[sflag:s7] =	ssyncadd.s32 $0xFFFFC000  }
0x16a: {  	[tilespmem:s9], [sflag:$0x1] =	stream.indirect.gather [hbm4b:s4+s11], $0x80, s19, s11, $0xb8;
	[tilespmem:$0x11000] =	vst v63  }
0x16b: {  	_ =	swait.ge [sflag:s15], $0x4000  }
0x16c: {  	s19 =	sld [smem:$0x7E8]  }
0x16d: {  	[sflag:s15] =	ssyncset.done $0x0  }
0x16e: {  	[sflag:s15] =	ssyncadd.s32 $0xFFFFC000  }
0x16f: {  	[hbm4b:s19+s2] =	stream.linear.scatter [tilespmem:s8], [sflag:$0x6], $0x4000, $0x38;
	[tilespmem:$0x11000] =	vst v63  }
0x170: {  	_ =	swait.ge [sflag:s10], $0x4000  }
0x171: {  	[sflag:s10] =	ssyncset.done $0x0  }
0x172: {  	s19 =	rddreg [dreg:$0xf];
	[sflag:s10] =	ssyncadd.s32 $0xFFFFC000  }
0x173: {  	[tilespmem:s8], [sflag:$0x2] =	stream.indirect.gather [hbm4b:s4+s11], $0x80, s19, s11, $0xb8;
	[tilespmem:$0x11000] =	vst v63  }
0x174: {  	_ =	swait.ge [sflag:s16], $0x4000  }
0x175: {  	s19 =	sld [smem:$0x7E9]  }
0x176: {  	[sflag:s16] =	ssyncset.done $0x0  }
0x177: {  	[sflag:s16] =	ssyncadd.s32 $0xFFFFC000  }
0x178: {  	[hbm4b:s19+s2] =	stream.linear.scatter [tilespmem:s6], [sflag:$0x7], $0x4000, $0x38;
	[tilespmem:$0x11000] =	vst v63  }
0x179: {  	_ =	swait.ge [sflag:s12], $0x4000  }
0x17a: {  	[sflag:s12] =	ssyncset.done $0x0  }
0x17b: {  	s19 =	rddreg [dreg:$0x10];
	[sflag:s12] =	ssyncadd.s32 $0xFFFFC000  }
0x17c: {  	[tilespmem:s6], [sflag:$0x3] =	stream.indirect.gather [hbm4b:s4+s11], $0x80, s19, s11, $0xb8;
	[tilespmem:$0x11000] =	vst v63  }
0x17d: {  	_ =	swait.ge [sflag:s17], $0x4000  }
0x17e: {  	s19 =	sld [smem:$0x7EA]  }
0x17f: {  	[sflag:s17] =	ssyncset.done $0x0  }
0x180: {  	[sflag:s17] =	ssyncadd.s32 $0xFFFFC000  }
0x181: {  	[hbm4b:s19+s2] =	stream.linear.scatter [tilespmem:s5], [sflag:$0x8], $0x4000, $0x38;
	[tilespmem:$0x11000] =	vst v63  }
0x182: {  	_ =	swait.ge [sflag:s13], $0x4000  }
0x183: {  	[sflag:s13] =	ssyncset.done $0x0  }
0x184: {  	s19 =	rddreg [dreg:$0x11];
	[sflag:s13] =	ssyncadd.s32 $0xFFFFC000  }
0x185: {  	[tilespmem:s5], [sflag:$0x4] =	stream.indirect.gather [hbm4b:s4+s11], $0x80, s19, s11, $0xb8;
	[tilespmem:$0x11000] =	vst v63  }
0x186: {  	_ =	swait.ge [sflag:s14], $0x4000  }
0x187: {  	s19 =	sld [smem:$0x7EB]  }
0x188: {  	[sflag:s14] =	ssyncset.done $0x0  }
0x189: {  	[sflag:s14] =	ssyncadd.s32 $0xFFFFC000  }
0x18a: {  	[hbm4b:s19+s2] =	stream.linear.scatter [tilespmem:s9], [sflag:$0x5], $0x4000, $0x38;
	[tilespmem:$0x11000] =	vst v63  }
0x18b: {  	_ =	swait.ge [sflag:s7], $0x4000  }
0x18c: {  	[sflag:s7] =	ssyncset.done $0x0  }
0x18d: {  	s19 =	rddreg [dreg:$0x12];
	[sflag:s7] =	ssyncadd.s32 $0xFFFFC000  }
0x18e: {  	[tilespmem:s9], [sflag:$0x1] =	stream.indirect.gather [hbm4b:s4+s11], $0x80, s19, s11, $0xb8;
	[tilespmem:$0x11000] =	vst v63  }
0x18f: {  	_ =	swait.ge [sflag:s15], $0x4000  }
0x190: {  	s19 =	sld [smem:$0x7EC]  }
0x191: {  	[sflag:s15] =	ssyncset.done $0x0  }
0x192: {  	[sflag:s15] =	ssyncadd.s32 $0xFFFFC000  }
0x193: {  	[hbm4b:s19+s2] =	stream.linear.scatter [tilespmem:s8], [sflag:$0x6], $0x4000, $0x38;
	[tilespmem:$0x11000] =	vst v63  }
0x194: {  	_ =	swait.ge [sflag:s10], $0x4000  }
0x195: {  	[sflag:s10] =	ssyncset.done $0x0  }
0x196: {  	s19 =	rddreg [dreg:$0x13];
	[sflag:s10] =	ssyncadd.s32 $0xFFFFC000  }
0x197: {  	[tilespmem:s8], [sflag:$0x2] =	stream.indirect.gather [hbm4b:s4+s11], $0x80, s19, s11, $0xb8;
	[tilespmem:$0x11000] =	vst v63  }
0x198: {  	_ =	swait.ge [sflag:s16], $0x4000  }
0x199: {  	s19 =	sld [smem:$0x7ED]  }
0x19a: {  	[sflag:s16] =	ssyncset.done $0x0  }
0x19b: {  	[sflag:s16] =	ssyncadd.s32 $0xFFFFC000  }
0x19c: {  	[hbm4b:s19+s2] =	stream.linear.scatter [tilespmem:s6], [sflag:$0x7], $0x4000, $0x38;
	[tilespmem:$0x11000] =	vst v63  }
0x19d: {  	_ =	swait.ge [sflag:s12], $0x4000  }
0x19e: {  	[sflag:s12] =	ssyncset.done $0x0  }
0x19f: {  	s19 =	rddreg [dreg:$0x14];
	[sflag:s12] =	ssyncadd.s32 $0xFFFFC000  }
0x1a0: {  	[tilespmem:s6], [sflag:$0x3] =	stream.indirect.gather [hbm4b:s4+s11], $0x80, s19, s11, $0xb8;
	[tilespmem:$0x11000] =	vst v63  }
0x1a1: {  	_ =	swait.ge [sflag:s17], $0x4000  }
0x1a2: {  	s19 =	sld [smem:$0x7EE]  }
0x1a3: {  	[sflag:s17] =	ssyncset.done $0x0  }
0x1a4: {  	[sflag:s17] =	ssyncadd.s32 $0xFFFFC000  }
0x1a5: {  	[hbm4b:s19+s2] =	stream.linear.scatter [tilespmem:s5], [sflag:$0x8], $0x4000, $0x38;
	[tilespmem:$0x11000] =	vst v63  }
0x1a6: {  	_ =	swait.ge [sflag:s13], $0x4000  }
0x1a7: {  	[sflag:s13] =	ssyncset.done $0x0  }
0x1a8: {  	s19 =	rddreg [dreg:$0x15];
	[sflag:s13] =	ssyncadd.s32 $0xFFFFC000  }
0x1a9: {  	[tilespmem:s5], [sflag:$0x4] =	stream.indirect.gather [hbm4b:s4+s11], $0x80, s19, s11, $0xb8;
	[tilespmem:$0x11000] =	vst v63  }
0x1aa: {  	_ =	swait.ge [sflag:s14], $0x4000  }
0x1ab: {  	s19 =	sld [smem:$0x7EF]  }
0x1ac: {  	[sflag:s14] =	ssyncset.done $0x0  }
0x1ad: {  	[sflag:s14] =	ssyncadd.s32 $0xFFFFC000  }
0x1ae: {  	[hbm4b:s19+s2] =	stream.linear.scatter [tilespmem:s9], [sflag:$0x5], $0x4000, $0x38;
	[tilespmem:$0x11000] =	vst v63  }
0x1af: {  	_ =	swait.ge [sflag:s7], $0x4000  }
0x1b0: {  	[sflag:s7] =	ssyncset.done $0x0  }
0x1b1: {  	s19 =	rddreg [dreg:$0x16];
	[sflag:s7] =	ssyncadd.s32 $0xFFFFC000  }
0x1b2: {  	[tilespmem:s9], [sflag:$0x1] =	stream.indirect.gather [hbm4b:s4+s11], $0x80, s19, s11, $0xb8;
	[tilespmem:$0x11000] =	vst v63  }
0x1b3: {  	_ =	swait.ge [sflag:s15], $0x4000  }
0x1b4: {  	s19 =	sld [smem:$0x7F0]  }
0x1b5: {  	[sflag:s15] =	ssyncset.done $0x0  }
0x1b6: {  	[sflag:s15] =	ssyncadd.s32 $0xFFFFC000  }
0x1b7: {  	[hbm4b:s19+s2] =	stream.linear.scatter [tilespmem:s8], [sflag:$0x6], $0x4000, $0x38;
	[tilespmem:$0x11000] =	vst v63  }
0x1b8: {  	_ =	swait.ge [sflag:s10], $0x4000  }
0x1b9: {  	[sflag:s10] =	ssyncset.done $0x0  }
0x1ba: {  	s19 =	rddreg [dreg:$0x17];
	[sflag:s10] =	ssyncadd.s32 $0xFFFFC000  }
0x1bb: {  	[tilespmem:s8], [sflag:$0x2] =	stream.indirect.gather [hbm4b:s4+s11], $0x80, s19, s11, $0xb8;
	[tilespmem:$0x11000] =	vst v63  }
0x1bc: {  	_ =	swait.ge [sflag:s16], $0x4000  }
0x1bd: {  	s19 =	sld [smem:$0x7F1]  }
0x1be: {  	[sflag:s16] =	ssyncset.done $0x0  }
0x1bf: {  	[sflag:s16] =	ssyncadd.s32 $0xFFFFC000  }
0x1c0: {  	[hbm4b:s19+s2] =	stream.linear.scatter [tilespmem:s6], [sflag:$0x7], $0x4000, $0x38;
	[tilespmem:$0x11000] =	vst v63  }
0x1c1: {  	_ =	swait.ge [sflag:s12], $0x4000  }
0x1c2: {  	[sflag:s12] =	ssyncset.done $0x0  }
0x1c3: {  	s19 =	rddreg [dreg:$0x18];
	[sflag:s12] =	ssyncadd.s32 $0xFFFFC000  }
0x1c4: {  	[tilespmem:s6], [sflag:$0x3] =	stream.indirect.gather [hbm4b:s4+s11], $0x80, s19, s11, $0xb8;
	[tilespmem:$0x11000] =	vst v63  }
0x1c5: {  	_ =	swait.ge [sflag:s17], $0x4000  }
0x1c6: {  	s19 =	sld [smem:$0x7F2]  }
0x1c7: {  	[sflag:s17] =	ssyncset.done $0x0  }
0x1c8: {  	[sflag:s17] =	ssyncadd.s32 $0xFFFFC000  }
0x1c9: {  	[hbm4b:s19+s2] =	stream.linear.scatter [tilespmem:s5], [sflag:$0x8], $0x4000, $0x38;
	[tilespmem:$0x11000] =	vst v63  }
0x1ca: {  	_ =	swait.ge [sflag:s13], $0x4000  }
0x1cb: {  	[sflag:s13] =	ssyncset.done $0x0  }
0x1cc: {  	s19 =	rddreg [dreg:$0x19];
	[sflag:s13] =	ssyncadd.s32 $0xFFFFC000  }
0x1cd: {  	[tilespmem:s5], [sflag:$0x4] =	stream.indirect.gather [hbm4b:s4+s11], $0x80, s19, s11, $0xb8;
	[tilespmem:$0x11000] =	vst v63  }
0x1ce: {  	_ =	swait.ge [sflag:s14], $0x4000  }
0x1cf: {  	s19 =	sld [smem:$0x7F3]  }
0x1d0: {  	[sflag:s14] =	ssyncset.done $0x0  }
0x1d1: {  	[sflag:s14] =	ssyncadd.s32 $0xFFFFC000  }
0x1d2: {  	[hbm4b:s19+s2] =	stream.linear.scatter [tilespmem:s9], [sflag:$0x5], $0x4000, $0x38;
	[tilespmem:$0x11000] =	vst v63  }
0x1d3: {  	_ =	swait.ge [sflag:s7], $0x4000  }
0x1d4: {  	[sflag:s7] =	ssyncset.done $0x0  }
0x1d5: {  	s19 =	rddreg [dreg:$0x1a];
	[sflag:s7] =	ssyncadd.s32 $0xFFFFC000  }
0x1d6: {  	[tilespmem:s9], [sflag:$0x1] =	stream.indirect.gather [hbm4b:s4+s11], $0x80, s19, s11, $0xb8;
	[tilespmem:$0x11000] =	vst v63  }
0x1d7: {  	_ =	swait.ge [sflag:s15], $0x4000  }
0x1d8: {  	s19 =	sld [smem:$0x7F4]  }
0x1d9: {  	[sflag:s15] =	ssyncset.done $0x0  }
0x1da: {  	[sflag:s15] =	ssyncadd.s32 $0xFFFFC000  }
0x1db: {  	[hbm4b:s19+s2] =	stream.linear.scatter [tilespmem:s8], [sflag:$0x6], $0x4000, $0x38;
	[tilespmem:$0x11000] =	vst v63  }
0x1dc: {  	_ =	swait.ge [sflag:s10], $0x4000  }
0x1dd: {  	[sflag:s10] =	ssyncset.done $0x0  }
0x1de: {  	s19 =	rddreg [dreg:$0x1b];
	[sflag:s10] =	ssyncadd.s32 $0xFFFFC000  }
0x1df: {  	[tilespmem:s8], [sflag:$0x2] =	stream.indirect.gather [hbm4b:s4+s11], $0x80, s19, s11, $0xb8;
	[tilespmem:$0x11000] =	vst v63  }
0x1e0: {  	_ =	swait.ge [sflag:s16], $0x4000  }
0x1e1: {  	s19 =	sld [smem:$0x7F5]  }
0x1e2: {  	[sflag:s16] =	ssyncset.done $0x0  }
0x1e3: {  	[sflag:s16] =	ssyncadd.s32 $0xFFFFC000  }
0x1e4: {  	[hbm4b:s19+s2] =	stream.linear.scatter [tilespmem:s6], [sflag:$0x7], $0x4000, $0x38;
	[tilespmem:$0x11000] =	vst v63  }
0x1e5: {  	_ =	swait.ge [sflag:s12], $0x4000  }
0x1e6: {  	[sflag:s12] =	ssyncset.done $0x0  }
0x1e7: {  	s19 =	rddreg [dreg:$0x1c];
	[sflag:s12] =	ssyncadd.s32 $0xFFFFC000  }
0x1e8: {  	[tilespmem:s6], [sflag:$0x3] =	stream.indirect.gather [hbm4b:s4+s11], $0x80, s19, s11, $0xb8;
	[tilespmem:$0x11000] =	vst v63  }
0x1e9: {  	_ =	swait.ge [sflag:s17], $0x4000  }
0x1ea: {  	s19 =	sld [smem:$0x7F6]  }
0x1eb: {  	[sflag:s17] =	ssyncset.done $0x0  }
0x1ec: {  	[sflag:s17] =	ssyncadd.s32 $0xFFFFC000  }
0x1ed: {  	[hbm4b:s19+s2] =	stream.linear.scatter [tilespmem:s5], [sflag:$0x8], $0x4000, $0x38;
	[tilespmem:$0x11000] =	vst v63  }
0x1ee: {  	_ =	swait.ge [sflag:s13], $0x4000  }
0x1ef: {  	[sflag:s13] =	ssyncset.done $0x0  }
0x1f0: {  	s19 =	rddreg [dreg:$0x1d];
	[sflag:s13] =	ssyncadd.s32 $0xFFFFC000  }
0x1f1: {  	[tilespmem:s5], [sflag:$0x4] =	stream.indirect.gather [hbm4b:s4+s11], $0x80, s19, s11, $0xb8;
	[tilespmem:$0x11000] =	vst v63  }
0x1f2: {  	_ =	swait.ge [sflag:s14], $0x4000  }
0x1f3: {  	s19 =	sld [smem:$0x7F7]  }
0x1f4: {  	[sflag:s14] =	ssyncset.done $0x0  }
0x1f5: {  	[sflag:s14] =	ssyncadd.s32 $0xFFFFC000  }
0x1f6: {  	[hbm4b:s19+s2] =	stream.linear.scatter [tilespmem:s9], [sflag:$0x5], $0x4000, $0x38;
	[tilespmem:$0x11000] =	vst v63  }
0x1f7: {  	_ =	swait.ge [sflag:s7], $0x4000  }
0x1f8: {  	[sflag:s7] =	ssyncset.done $0x0  }
0x1f9: {  	s19 =	rddreg [dreg:$0x1e];
	[sflag:s7] =	ssyncadd.s32 $0xFFFFC000  }
0x1fa: {  	[tilespmem:s9], [sflag:$0x1] =	stream.indirect.gather [hbm4b:s4+s11], $0x80, s19, s11, $0xb8;
	[tilespmem:$0x11000] =	vst v63  }
0x1fb: {  	_ =	swait.ge [sflag:s15], $0x4000  }
0x1fc: {  	[sflag:s15] =	ssyncset.done $0x0  }
0x1fd: {  	[sflag:s15] =	ssyncadd.s32 $0xFFFFC000  }
0x1fe: {  	[hbm4b:s21+s2] =	stream.linear.scatter [tilespmem:s8], [sflag:$0x6], $0x4000, $0x38;
	[tilespmem:$0x11000] =	vst v63  }
0x1ff: {  	_ =	swait.ge [sflag:s10], $0x4000  }
0x200: {  	[sflag:s10] =	ssyncset.done $0x0  }
0x201: {  	s19 =	rddreg [dreg:$0x1f];
	[sflag:s10] =	ssyncadd.s32 $0xFFFFC000  }
0x202: {  	[tilespmem:s8], [sflag:$0x2] =	stream.indirect.gather [hbm4b:s4+s11], $0x80, s19, s11, $0xb8;
	[tilespmem:$0x11000] =	vst v63  }
0x203: {  	_ =	swait.ge [sflag:s16], $0x4000  }
0x204: {  	[sflag:s16] =	ssyncset.done $0x0  }
0x205: {  	[sflag:s16] =	ssyncadd.s32 $0xFFFFC000  }
0x206: {  	[hbm4b:s22+s2] =	stream.linear.scatter [tilespmem:s6], [sflag:$0x7], $0x4000, $0x38;
	[tilespmem:$0x11000] =	vst v63  }
0x207: {  	_ =	swait.ge [sflag:s12], $0x4000  }
0x208: {  	s19 =	sld [smem:$0x7F8]  }
0x209: {  	[sflag:s12] =	ssyncset.done $0x0  }
0x20a: {  	[sflag:s12] =	ssyncadd.s32 $0xFFFFC000  }
0x20b: {  	[tilespmem:s6], [sflag:$0x3] =	stream.indirect.gather [hbm4b:s4+s11], $0x80, s19, s11, $0xb8;
	[tilespmem:$0x11000] =	vst v63  }
0x20c: {  	_ =	swait.ge [sflag:s17], $0x4000  }
0x20d: {  	[sflag:s17] =	ssyncset.done $0x0  }
0x20e: {  	[sflag:s17] =	ssyncadd.s32 $0xFFFFC000  }
0x20f: {  	[hbm4b:s23+s2] =	stream.linear.scatter [tilespmem:s5], [sflag:$0x8], $0x4000, $0x38;
	[tilespmem:$0x11000] =	vst v63  }
0x210: {  	_ =	swait.ge [sflag:s13], $0x4000  }
0x211: {  	s19 =	sld [smem:$0x7F9]  }
0x212: {  	[sflag:s13] =	ssyncset.done $0x0  }
0x213: {  	[sflag:s13] =	ssyncadd.s32 $0xFFFFC000  }
0x214: {  	[tilespmem:s5], [sflag:$0x4] =	stream.indirect.gather [hbm4b:s4+s11], $0x80, s19, s11, $0xb8;
	[tilespmem:$0x11000] =	vst v63  }
0x215: {  	_ =	swait.ge [sflag:s14], $0x4000  }
0x216: {  	[sflag:s14] =	ssyncset.done $0x0  }
0x217: {  	[sflag:s14] =	ssyncadd.s32 $0xFFFFC000  }
0x218: {  	[hbm4b:s24+s2] =	stream.linear.scatter [tilespmem:s9], [sflag:$0x5], $0x4000, $0x38;
	[tilespmem:$0x11000] =	vst v63  }
0x219: {  	_ =	swait.ge [sflag:s7], $0x4000  }
0x21a: {  	s19 =	sld [smem:$0x7FA]  }
0x21b: {  	[sflag:s7] =	ssyncset.done $0x0  }
0x21c: {  	[sflag:s7] =	ssyncadd.s32 $0xFFFFC000  }
0x21d: {  	[tilespmem:s9], [sflag:$0x1] =	stream.indirect.gather [hbm4b:s4+s11], $0x80, s19, s11, $0xb8;
	[tilespmem:$0x11000] =	vst v63  }
0x21e: {  	_ =	swait.ge [sflag:s15], $0x4000  }
0x21f: {  	[sflag:s15] =	ssyncset.done $0x0  }
0x220: {  	[sflag:s15] =	ssyncadd.s32 $0xFFFFC000  }
0x221: {  	[hbm4b:s25+s2] =	stream.linear.scatter [tilespmem:s8], [sflag:$0x6], $0x4000, $0x38;
	[tilespmem:$0x11000] =	vst v63  }
0x222: {  	_ =	swait.ge [sflag:s10], $0x4000  }
0x223: {  	s19 =	sld [smem:$0x7FB]  }
0x224: {  	[sflag:s10] =	ssyncset.done $0x0  }
0x225: {  	[sflag:s10] =	ssyncadd.s32 $0xFFFFC000  }
0x226: {  	[tilespmem:s8], [sflag:$0x2] =	stream.indirect.gather [hbm4b:s4+s11], $0x80, s19, s11, $0xb8;
	[tilespmem:$0x11000] =	vst v63  }
0x227: {  	_ =	swait.ge [sflag:s16], $0x4000  }
0x228: {  	[sflag:s16] =	ssyncset.done $0x0  }
0x229: {  	[sflag:s16] =	ssyncadd.s32 $0xFFFFC000  }
0x22a: {  	[hbm4b:s26+s2] =	stream.linear.scatter [tilespmem:s6], [sflag:$0x7], $0x4000, $0x38;
	[tilespmem:$0x11000] =	vst v63  }
0x22b: {  	_ =	swait.ge [sflag:s12], $0x4000  }
0x22c: {  	s19 =	sld [smem:$0x7FC]  }
0x22d: {  	[sflag:s12] =	ssyncset.done $0x0  }
0x22e: {  	[sflag:s12] =	ssyncadd.s32 $0xFFFFC000  }
0x22f: {  	[tilespmem:s6], [sflag:$0x3] =	stream.indirect.gather [hbm4b:s4+s11], $0x80, s19, s11, $0xb8;
	[tilespmem:$0x11000] =	vst v63  }
0x230: {  	_ =	swait.ge [sflag:s17], $0x4000  }
0x231: {  	[sflag:s17] =	ssyncset.done $0x0  }
0x232: {  	[sflag:s17] =	ssyncadd.s32 $0xFFFFC000  }
0x233: {  	[hbm4b:s28+s2] =	stream.linear.scatter [tilespmem:s5], [sflag:$0x8], $0x4000, $0x38;
	[tilespmem:$0x11000] =	vst v63  }
0x234: {  	_ =	swait.ge [sflag:s13], $0x4000  }
0x235: {  	s19 =	sld [smem:$0x7FD]  }
0x236: {  	[sflag:s13] =	ssyncset.done $0x0  }
0x237: {  	[sflag:s13] =	ssyncadd.s32 $0xFFFFC000  }
0x238: {  	[tilespmem:s5], [sflag:$0x4] =	stream.indirect.gather [hbm4b:s4+s11], $0x80, s19, s11, $0xb8;
	[tilespmem:$0x11000] =	vst v63  }
0x239: {  	_ =	swait.ge [sflag:s14], $0x4000  }
0x23a: {  	[sflag:s14] =	ssyncset.done $0x0  }
0x23b: {  	[sflag:s14] =	ssyncadd.s32 $0xFFFFC000  }
0x23c: {  	[hbm4b:s29+s2] =	stream.linear.scatter [tilespmem:s9], [sflag:$0x5], $0x4000, $0x38;
	[tilespmem:$0x11000] =	vst v63  }
0x23d: {  	_ =	swait.ge [sflag:s15], $0x4000  }
0x23e: {  	[sflag:s15] =	ssyncset.done $0x0  }
0x23f: {  	[sflag:s15] =	ssyncadd.s32 $0xFFFFC000  }
0x240: {  	[hbm4b:s30+s2] =	stream.linear.scatter [tilespmem:s8], [sflag:$0x6], $0x4000, $0x38;
	[tilespmem:$0x11000] =	vst v63  }
0x241: {  	_ =	swait.ge [sflag:s16], $0x4000  }
0x242: {  	[sflag:s16] =	ssyncset.done $0x0  }
0x243: {  	[sflag:s16] =	ssyncadd.s32 $0xFFFFC000  }
0x244: {  	[hbm4b:s31+s2] =	stream.linear.scatter [tilespmem:s6], [sflag:$0x7], $0x4000, $0x38;
	[tilespmem:$0x11000] =	vst v63  }
0x245: {  	_ =	swait.ge [sflag:s17], $0x4000  }
0x246: {  	[sflag:s17] =	ssyncset.done $0x0  }
0x247: {  	[sflag:s17] =	ssyncadd.s32 $0xFFFFC000  }
0x248: {  	[hbm4b:s0+s2] =	stream.linear.scatter [tilespmem:s5], [sflag:$0x8], $0x4000, $0x38;
	[tilespmem:$0x11000] =	vst v63  }
0x249: {  	_ =	swait.ge [sflag:s7], $0x4000  }
0x24a: {  	[sflag:s7] =	ssyncset.done $0x0  }
0x24b: {  	[sflag:s7] =	ssyncadd.s32 $0xFFFFC000  }
0x24c: {  	_ =	swait.ge [sflag:s10], $0x4000  }
0x24d: {  	[sflag:s10] =	ssyncset.done $0x0  }
0x24e: {  	p1 =	sne.s32 s1, $0x1;
	[sflag:s10] =	ssyncadd.s32 $0xFFFFC000  }
.Ltmp2:
0x24f: {  	_ =	swait.ge [sflag:s12], $0x4000;
	(pc) =	sbr.rel @p1 .LBB2_3-.Ltmp2, $4  }
0x250: {  	[sflag:s12] =	ssyncset.done $0x0  }
0x251: {  	[sflag:s12] =	ssyncadd.s32 $0xFFFFC000  }
0x252: {  	_ =	swait.ge [sflag:s13], $0x4000  }
0x253: {  	s1 =	sadd.s32 $0xFFFFFFFF, s1;
	s3 =	rddreg [dreg:$0x4];
	[sflag:s13] =	ssyncset.done $0x0  }
0x254: {  	s19 =	rddreg [dreg:$0x3];
	s21 =	stileid.u32  }
.LBB2_5:
0x255: {  	[sflag:s13] =	ssyncadd.s32 @p0 $0xFFFFC000  }
0x256: {  	[tilespmem:s2], [sflag:$0x9] =	stream.linear.gather [hbm4b:s3+s2], $0x1000, $0x38;
	[tilespmem:$0x11000] =	vst v63  }
0x257: {  	_ =	swait.ge [sflag:s18], $0x1000  }
0x258: {  	[sflag:s18] =	ssyncset.done $0x0  }
0x259: {  	[sflag:s18] =	ssyncadd.s32 $0xFFFFF000  }
0x25a: {  	[tilespmem:s9], [sflag:$0x1] =	stream.indirect.gather [hbm4b:s4+s11], $0x80, s2, s11, $0xb8;
	[tilespmem:$0x11000] =	vst v63  }
0x25b: {  	_ = 	snop  }
0x25c: {  	[tilespmem:s8], [sflag:$0x2] =	stream.indirect.gather [hbm4b:s4+s11], $0x80, s11, s11, $0xb8;
	[tilespmem:$0x11000] =	vst v63  }
0x25d: {  	s0 =	rddreg [dreg:$0x5]  }
0x25e: {  	[tilespmem:s6], [sflag:$0x3] =	stream.indirect.gather [hbm4b:s4+s11], $0x80, s0, s11, $0xb8;
	[tilespmem:$0x11000] =	vst v63  }
0x25f: {  	s1 =	rddreg [dreg:$0x6]  }
0x260: {  	[tilespmem:s5], [sflag:$0x4] =	stream.indirect.gather [hbm4b:s4+s11], $0x80, s1, s11, $0xb8;
	[tilespmem:$0x11000] =	vst v63  }
0x261: {  	_ =	swait.ge [sflag:s14], $0x4000  }
0x262: {  	[sflag:s14] =	ssyncset.done $0x0  }
0x263: {  	[sflag:s14] =	ssyncadd.s32 $0xFFFFC000  }
0x264: {  	[hbm4b:s20+s2] =	stream.linear.scatter [tilespmem:s9], [sflag:$0x5], $0x4000, $0x38;
	[tilespmem:$0x11000] =	vst v63  }
0x265: {  	_ =	swait.ge [sflag:s7], $0x4000  }
0x266: {  	[sflag:s7] =	ssyncset.done $0x0  }
0x267: {  	s3 =	rddreg [dreg:$0x7];
	[sflag:s7] =	ssyncadd.s32 $0xFFFFC000  }
0x268: {  	[tilespmem:s9], [sflag:$0x1] =	stream.indirect.gather [hbm4b:s4+s11], $0x80, s3, s11, $0xb8;
	[tilespmem:$0x11000] =	vst v63  }
0x269: {  	_ =	swait.ge [sflag:s15], $0x4000  }
0x26a: {  	[sflag:s15] =	ssyncset.done $0x0  }
0x26b: {  	s18 =	rddreg [dreg:$0x8];
	[sflag:s15] =	ssyncadd.s32 $0xFFFFC000  }
0x26c: {  	[hbm4b:s18+s2] =	stream.linear.scatter [tilespmem:s8], [sflag:$0x6], $0x4000, $0x38;
	[tilespmem:$0x11000] =	vst v63  }
0x26d: {  	_ =	swait.ge [sflag:s10], $0x4000  }
0x26e: {  	[sflag:s10] =	ssyncset.done $0x0  }
0x26f: {  	s22 =	rddreg [dreg:$0x9];
	[sflag:s10] =	ssyncadd.s32 $0xFFFFC000  }
0x270: {  	[tilespmem:s8], [sflag:$0x2] =	stream.indirect.gather [hbm4b:s4+s11], $0x80, s22, s11, $0xb8;
	[tilespmem:$0x11000] =	vst v63  }
0x271: {  	_ =	swait.ge [sflag:s16], $0x4000  }
0x272: {  	[sflag:s16] =	ssyncset.done $0x0  }
0x273: {  	s23 =	rddreg [dreg:$0xa];
	[sflag:s16] =	ssyncadd.s32 $0xFFFFC000  }
0x274: {  	[hbm4b:s23+s2] =	stream.linear.scatter [tilespmem:s6], [sflag:$0x7], $0x4000, $0x38;
	[tilespmem:$0x11000] =	vst v63  }
0x275: {  	_ =	swait.ge [sflag:s12], $0x4000  }
0x276: {  	[sflag:s12] =	ssyncset.done $0x0  }
0x277: {  	s24 =	rddreg [dreg:$0xb];
	[sflag:s12] =	ssyncadd.s32 $0xFFFFC000  }
0x278: {  	[tilespmem:s6], [sflag:$0x3] =	stream.indirect.gather [hbm4b:s4+s11], $0x80, s24, s11, $0xb8;
	[tilespmem:$0x11000] =	vst v63  }
0x279: {  	_ =	swait.ge [sflag:s17], $0x4000  }
0x27a: {  	[sflag:s17] =	ssyncset.done $0x0  }
0x27b: {  	s25 =	rddreg [dreg:$0xc];
	[sflag:s17] =	ssyncadd.s32 $0xFFFFC000  }
0x27c: {  	[hbm4b:s25+s2] =	stream.linear.scatter [tilespmem:s5], [sflag:$0x8], $0x4000, $0x38;
	[tilespmem:$0x11000] =	vst v63  }
0x27d: {  	_ =	swait.ge [sflag:s13], $0x4000  }
0x27e: {  	[sflag:s13] =	ssyncset.done $0x0  }
0x27f: {  	s26 =	rddreg [dreg:$0xd];
	[sflag:s13] =	ssyncadd.s32 $0xFFFFC000  }
0x280: {  	[tilespmem:s5], [sflag:$0x4] =	stream.indirect.gather [hbm4b:s4+s11], $0x80, s26, s11, $0xb8;
	[tilespmem:$0x11000] =	vst v63  }
0x281: {  	_ =	swait.ge [sflag:s14], $0x4000  }
0x282: {  	[sflag:s14] =	ssyncset.done $0x0  }
0x283: {  	s28 =	sadd.s32 $0x2000, s20;
	[sflag:s14] =	ssyncadd.s32 $0xFFFFC000  }
0x284: {  	[hbm4b:s28+s2] =	stream.linear.scatter [tilespmem:s9], [sflag:$0x5], $0x4000, $0x38;
	[tilespmem:$0x11000] =	vst v63  }
0x285: {  	_ =	swait.ge [sflag:s7], $0x4000  }
0x286: {  	[sflag:s7] =	ssyncset.done $0x0  }
0x287: {  	s29 =	rddreg [dreg:$0xe];
	[sflag:s7] =	ssyncadd.s32 $0xFFFFC000  }
0x288: {  	[tilespmem:s9], [sflag:$0x1] =	stream.indirect.gather [hbm4b:s4+s11], $0x80, s29, s11, $0xb8;
	[tilespmem:$0x11000] =	vst v63  }
0x289: {  	_ =	swait.ge [sflag:s15], $0x4000  }
0x28a: {  	[sflag:s15] =	ssyncset.done $0x0  }
0x28b: {  	s30 =	sadd.s32 $0x2800, s20;
	[sflag:s15] =	ssyncadd.s32 $0xFFFFC000  }
0x28c: {  	[hbm4b:s30+s2] =	stream.linear.scatter [tilespmem:s8], [sflag:$0x6], $0x4000, $0x38;
	[tilespmem:$0x11000] =	vst v63  }
0x28d: {  	_ =	swait.ge [sflag:s10], $0x4000  }
0x28e: {  	[sflag:s10] =	ssyncset.done $0x0  }
0x28f: {  	s31 =	rddreg [dreg:$0xf];
	[sflag:s10] =	ssyncadd.s32 $0xFFFFC000  }
0x290: {  	[tilespmem:s8], [sflag:$0x2] =	stream.indirect.gather [hbm4b:s4+s11], $0x80, s31, s11, $0xb8;
	[tilespmem:$0x11000] =	vst v63  }
0x291: {  	_ =	swait.ge [sflag:s16], $0x4000  }
0x292: {  	[sflag:s16] =	ssyncset.done $0x0  }
0x293: {  	s1 =	sadd.s32 $0x3000, s20;
	[sflag:s16] =	ssyncadd.s32 $0xFFFFC000  }
0x294: {  	[hbm4b:s1+s2] =	stream.linear.scatter [tilespmem:s6], [sflag:$0x7], $0x4000, $0x38;
	[tilespmem:$0x11000] =	vst v63  }
0x295: {  	_ =	swait.ge [sflag:s12], $0x4000  }
0x296: {  	[sflag:s12] =	ssyncset.done $0x0  }
0x297: {  	s3 =	rddreg [dreg:$0x10];
	[sflag:s12] =	ssyncadd.s32 $0xFFFFC000  }
0x298: {  	[tilespmem:s6], [sflag:$0x3] =	stream.indirect.gather [hbm4b:s4+s11], $0x80, s3, s11, $0xb8;
	[tilespmem:$0x11000] =	vst v63  }
0x299: {  	_ =	swait.ge [sflag:s17], $0x4000  }
0x29a: {  	[sflag:s17] =	ssyncset.done $0x0  }
0x29b: {  	s18 =	sadd.s32 $0x3800, s20;
	[sflag:s17] =	ssyncadd.s32 $0xFFFFC000  }
0x29c: {  	[hbm4b:s18+s2] =	stream.linear.scatter [tilespmem:s5], [sflag:$0x8], $0x4000, $0x38;
	[tilespmem:$0x11000] =	vst v63  }
0x29d: {  	_ =	swait.ge [sflag:s13], $0x4000  }
0x29e: {  	[sflag:s13] =	ssyncset.done $0x0  }
0x29f: {  	s22 =	rddreg [dreg:$0x11];
	[sflag:s13] =	ssyncadd.s32 $0xFFFFC000  }
0x2a0: {  	[tilespmem:s5], [sflag:$0x4] =	stream.indirect.gather [hbm4b:s4+s11], $0x80, s22, s11, $0xb8;
	[tilespmem:$0x11000] =	vst v63  }
0x2a1: {  	_ =	swait.ge [sflag:s14], $0x4000  }
0x2a2: {  	[sflag:s14] =	ssyncset.done $0x0  }
0x2a3: {  	s23 =	sadd.s32 $0x4000, s20;
	[sflag:s14] =	ssyncadd.s32 $0xFFFFC000  }
0x2a4: {  	[hbm4b:s23+s2] =	stream.linear.scatter [tilespmem:s9], [sflag:$0x5], $0x4000, $0x38;
	[tilespmem:$0x11000] =	vst v63  }
0x2a5: {  	_ =	swait.ge [sflag:s7], $0x4000  }
0x2a6: {  	[sflag:s7] =	ssyncset.done $0x0  }
0x2a7: {  	s24 =	rddreg [dreg:$0x12];
	[sflag:s7] =	ssyncadd.s32 $0xFFFFC000  }
0x2a8: {  	[tilespmem:s9], [sflag:$0x1] =	stream.indirect.gather [hbm4b:s4+s11], $0x80, s24, s11, $0xb8;
	[tilespmem:$0x11000] =	vst v63  }
0x2a9: {  	_ =	swait.ge [sflag:s15], $0x4000  }
0x2aa: {  	[sflag:s15] =	ssyncset.done $0x0  }
0x2ab: {  	s25 =	sadd.s32 $0x4800, s20;
	[sflag:s15] =	ssyncadd.s32 $0xFFFFC000  }
0x2ac: {  	[hbm4b:s25+s2] =	stream.linear.scatter [tilespmem:s8], [sflag:$0x6], $0x4000, $0x38;
	[tilespmem:$0x11000] =	vst v63  }
0x2ad: {  	_ =	swait.ge [sflag:s10], $0x4000  }
0x2ae: {  	[sflag:s10] =	ssyncset.done $0x0  }
0x2af: {  	s26 =	rddreg [dreg:$0x13];
	[sflag:s10] =	ssyncadd.s32 $0xFFFFC000  }
0x2b0: {  	[tilespmem:s8], [sflag:$0x2] =	stream.indirect.gather [hbm4b:s4+s11], $0x80, s26, s11, $0xb8;
	[tilespmem:$0x11000] =	vst v63  }
0x2b1: {  	_ =	swait.ge [sflag:s16], $0x4000  }
0x2b2: {  	[sflag:s16] =	ssyncset.done $0x0  }
0x2b3: {  	s28 =	sadd.s32 $0x5000, s20;
	[sflag:s16] =	ssyncadd.s32 $0xFFFFC000  }
0x2b4: {  	[hbm4b:s28+s2] =	stream.linear.scatter [tilespmem:s6], [sflag:$0x7], $0x4000, $0x38;
	[tilespmem:$0x11000] =	vst v63  }
0x2b5: {  	_ =	swait.ge [sflag:s12], $0x4000  }
0x2b6: {  	[sflag:s12] =	ssyncset.done $0x0  }
0x2b7: {  	s29 =	rddreg [dreg:$0x14];
	[sflag:s12] =	ssyncadd.s32 $0xFFFFC000  }
0x2b8: {  	[tilespmem:s6], [sflag:$0x3] =	stream.indirect.gather [hbm4b:s4+s11], $0x80, s29, s11, $0xb8;
	[tilespmem:$0x11000] =	vst v63  }
0x2b9: {  	_ =	swait.ge [sflag:s17], $0x4000  }
0x2ba: {  	[sflag:s17] =	ssyncset.done $0x0  }
0x2bb: {  	s30 =	sadd.s32 $0x5800, s20;
	[sflag:s17] =	ssyncadd.s32 $0xFFFFC000  }
0x2bc: {  	[hbm4b:s30+s2] =	stream.linear.scatter [tilespmem:s5], [sflag:$0x8], $0x4000, $0x38;
	[tilespmem:$0x11000] =	vst v63  }
0x2bd: {  	_ =	swait.ge [sflag:s13], $0x4000  }
0x2be: {  	[sflag:s13] =	ssyncset.done $0x0  }
0x2bf: {  	s31 =	rddreg [dreg:$0x15];
	[sflag:s13] =	ssyncadd.s32 $0xFFFFC000  }
0x2c0: {  	[tilespmem:s5], [sflag:$0x4] =	stream.indirect.gather [hbm4b:s4+s11], $0x80, s31, s11, $0xb8;
	[tilespmem:$0x11000] =	vst v63  }
0x2c1: {  	_ =	swait.ge [sflag:s14], $0x4000  }
0x2c2: {  	[sflag:s14] =	ssyncset.done $0x0  }
0x2c3: {  	s1 =	sadd.s32 $0x6000, s20;
	[sflag:s14] =	ssyncadd.s32 $0xFFFFC000  }
0x2c4: {  	[hbm4b:s1+s2] =	stream.linear.scatter [tilespmem:s9], [sflag:$0x5], $0x4000, $0x38;
	[tilespmem:$0x11000] =	vst v63  }
0x2c5: {  	_ =	swait.ge [sflag:s7], $0x4000  }
0x2c6: {  	[sflag:s7] =	ssyncset.done $0x0  }
0x2c7: {  	s3 =	rddreg [dreg:$0x16];
	[sflag:s7] =	ssyncadd.s32 $0xFFFFC000  }
0x2c8: {  	[tilespmem:s9], [sflag:$0x1] =	stream.indirect.gather [hbm4b:s4+s11], $0x80, s3, s11, $0xb8;
	[tilespmem:$0x11000] =	vst v63  }
0x2c9: {  	_ =	swait.ge [sflag:s15], $0x4000  }
0x2ca: {  	[sflag:s15] =	ssyncset.done $0x0  }
0x2cb: {  	s18 =	sadd.s32 $0x6800, s20;
	[sflag:s15] =	ssyncadd.s32 $0xFFFFC000  }
0x2cc: {  	[hbm4b:s18+s2] =	stream.linear.scatter [tilespmem:s8], [sflag:$0x6], $0x4000, $0x38;
	[tilespmem:$0x11000] =	vst v63  }
0x2cd: {  	_ =	swait.ge [sflag:s10], $0x4000  }
0x2ce: {  	[sflag:s10] =	ssyncset.done $0x0  }
0x2cf: {  	s22 =	rddreg [dreg:$0x17];
	[sflag:s10] =	ssyncadd.s32 $0xFFFFC000  }
0x2d0: {  	[tilespmem:s8], [sflag:$0x2] =	stream.indirect.gather [hbm4b:s4+s11], $0x80, s22, s11, $0xb8;
	[tilespmem:$0x11000] =	vst v63  }
0x2d1: {  	_ =	swait.ge [sflag:s16], $0x4000  }
0x2d2: {  	[sflag:s16] =	ssyncset.done $0x0  }
0x2d3: {  	s23 =	sadd.s32 $0x7000, s20;
	[sflag:s16] =	ssyncadd.s32 $0xFFFFC000  }
0x2d4: {  	[hbm4b:s23+s2] =	stream.linear.scatter [tilespmem:s6], [sflag:$0x7], $0x4000, $0x38;
	[tilespmem:$0x11000] =	vst v63  }
0x2d5: {  	_ =	swait.ge [sflag:s12], $0x4000  }
0x2d6: {  	[sflag:s12] =	ssyncset.done $0x0  }
0x2d7: {  	s24 =	rddreg [dreg:$0x18];
	[sflag:s12] =	ssyncadd.s32 $0xFFFFC000  }
0x2d8: {  	[tilespmem:s6], [sflag:$0x3] =	stream.indirect.gather [hbm4b:s4+s11], $0x80, s24, s11, $0xb8;
	[tilespmem:$0x11000] =	vst v63  }
0x2d9: {  	_ =	swait.ge [sflag:s17], $0x4000  }
0x2da: {  	[sflag:s17] =	ssyncset.done $0x0  }
0x2db: {  	s25 =	sadd.s32 $0x7800, s20;
	[sflag:s17] =	ssyncadd.s32 $0xFFFFC000  }
0x2dc: {  	[hbm4b:s25+s2] =	stream.linear.scatter [tilespmem:s5], [sflag:$0x8], $0x4000, $0x38;
	[tilespmem:$0x11000] =	vst v63  }
0x2dd: {  	_ =	swait.ge [sflag:s13], $0x4000  }
0x2de: {  	[sflag:s13] =	ssyncset.done $0x0  }
0x2df: {  	s26 =	rddreg [dreg:$0x19];
	[sflag:s13] =	ssyncadd.s32 $0xFFFFC000  }
0x2e0: {  	[tilespmem:s5], [sflag:$0x4] =	stream.indirect.gather [hbm4b:s4+s11], $0x80, s26, s11, $0xb8;
	[tilespmem:$0x11000] =	vst v63  }
0x2e1: {  	_ =	swait.ge [sflag:s14], $0x4000  }
0x2e2: {  	[sflag:s14] =	ssyncset.done $0x0  }
0x2e3: {  	s28 =	sadd.s32 $0x8000, s20;
	[sflag:s14] =	ssyncadd.s32 $0xFFFFC000  }
0x2e4: {  	[hbm4b:s28+s2] =	stream.linear.scatter [tilespmem:s9], [sflag:$0x5], $0x4000, $0x38;
	[tilespmem:$0x11000] =	vst v63  }
0x2e5: {  	_ =	swait.ge [sflag:s7], $0x4000  }
0x2e6: {  	[sflag:s7] =	ssyncset.done $0x0  }
0x2e7: {  	s29 =	rddreg [dreg:$0x1a];
	[sflag:s7] =	ssyncadd.s32 $0xFFFFC000  }
0x2e8: {  	[tilespmem:s9], [sflag:$0x1] =	stream.indirect.gather [hbm4b:s4+s11], $0x80, s29, s11, $0xb8;
	[tilespmem:$0x11000] =	vst v63  }
0x2e9: {  	_ =	swait.ge [sflag:s15], $0x4000  }
0x2ea: {  	[sflag:s15] =	ssyncset.done $0x0  }
0x2eb: {  	s30 =	sadd.s32 $0x8800, s20;
	[sflag:s15] =	ssyncadd.s32 $0xFFFFC000  }
0x2ec: {  	[hbm4b:s30+s2] =	stream.linear.scatter [tilespmem:s8], [sflag:$0x6], $0x4000, $0x38;
	[tilespmem:$0x11000] =	vst v63  }
0x2ed: {  	_ =	swait.ge [sflag:s10], $0x4000  }
0x2ee: {  	[sflag:s10] =	ssyncset.done $0x0  }
0x2ef: {  	s31 =	rddreg [dreg:$0x1b];
	[sflag:s10] =	ssyncadd.s32 $0xFFFFC000  }
0x2f0: {  	[tilespmem:s8], [sflag:$0x2] =	stream.indirect.gather [hbm4b:s4+s11], $0x80, s31, s11, $0xb8;
	[tilespmem:$0x11000] =	vst v63  }
0x2f1: {  	_ =	swait.ge [sflag:s16], $0x4000  }
0x2f2: {  	[sflag:s16] =	ssyncset.done $0x0  }
0x2f3: {  	s1 =	sadd.s32 $0x9000, s20;
	[sflag:s16] =	ssyncadd.s32 $0xFFFFC000  }
0x2f4: {  	[hbm4b:s1+s2] =	stream.linear.scatter [tilespmem:s6], [sflag:$0x7], $0x4000, $0x38;
	[tilespmem:$0x11000] =	vst v63  }
0x2f5: {  	_ =	swait.ge [sflag:s12], $0x4000  }
0x2f6: {  	[sflag:s12] =	ssyncset.done $0x0  }
0x2f7: {  	s3 =	rddreg [dreg:$0x1c];
	[sflag:s12] =	ssyncadd.s32 $0xFFFFC000  }
0x2f8: {  	[tilespmem:s6], [sflag:$0x3] =	stream.indirect.gather [hbm4b:s4+s11], $0x80, s3, s11, $0xb8;
	[tilespmem:$0x11000] =	vst v63  }
0x2f9: {  	_ =	swait.ge [sflag:s17], $0x4000  }
0x2fa: {  	[sflag:s17] =	ssyncset.done $0x0  }
0x2fb: {  	s18 =	sadd.s32 $0x9800, s20;
	[sflag:s17] =	ssyncadd.s32 $0xFFFFC000  }
0x2fc: {  	[hbm4b:s18+s2] =	stream.linear.scatter [tilespmem:s5], [sflag:$0x8], $0x4000, $0x38;
	[tilespmem:$0x11000] =	vst v63  }
0x2fd: {  	_ =	swait.ge [sflag:s13], $0x4000  }
0x2fe: {  	[sflag:s13] =	ssyncset.done $0x0  }
0x2ff: {  	s22 =	rddreg [dreg:$0x1d];
	[sflag:s13] =	ssyncadd.s32 $0xFFFFC000  }
0x300: {  	[tilespmem:s5], [sflag:$0x4] =	stream.indirect.gather [hbm4b:s4+s11], $0x80, s22, s11, $0xb8;
	[tilespmem:$0x11000] =	vst v63  }
0x301: {  	_ =	swait.ge [sflag:s14], $0x4000  }
0x302: {  	[sflag:s14] =	ssyncset.done $0x0  }
0x303: {  	s23 =	sadd.s32 $0xA000, s20;
	[sflag:s14] =	ssyncadd.s32 $0xFFFFC000  }
0x304: {  	[hbm4b:s23+s2] =	stream.linear.scatter [tilespmem:s9], [sflag:$0x5], $0x4000, $0x38;
	[tilespmem:$0x11000] =	vst v63  }
0x305: {  	_ =	swait.ge [sflag:s7], $0x4000  }
0x306: {  	[sflag:s7] =	ssyncset.done $0x0  }
0x307: {  	s24 =	rddreg [dreg:$0x1e];
	[sflag:s7] =	ssyncadd.s32 $0xFFFFC000  }
0x308: {  	[tilespmem:s9], [sflag:$0x1] =	stream.indirect.gather [hbm4b:s4+s11], $0x80, s24, s11, $0xb8;
	[tilespmem:$0x11000] =	vst v63  }
0x309: {  	_ =	swait.ge [sflag:s15], $0x4000  }
0x30a: {  	[sflag:s15] =	ssyncset.done $0x0  }
0x30b: {  	s25 =	sadd.s32 $0xA800, s20;
	[sflag:s15] =	ssyncadd.s32 $0xFFFFC000  }
0x30c: {  	[hbm4b:s25+s2] =	stream.linear.scatter [tilespmem:s8], [sflag:$0x6], $0x4000, $0x38;
	[tilespmem:$0x11000] =	vst v63  }
0x30d: {  	_ =	swait.ge [sflag:s10], $0x4000  }
0x30e: {  	[sflag:s10] =	ssyncset.done $0x0  }
0x30f: {  	s26 =	rddreg [dreg:$0x1f];
	[sflag:s10] =	ssyncadd.s32 $0xFFFFC000  }
0x310: {  	[tilespmem:s8], [sflag:$0x2] =	stream.indirect.gather [hbm4b:s4+s11], $0x80, s26, s11, $0xb8;
	[tilespmem:$0x11000] =	vst v63  }
0x311: {  	_ =	swait.ge [sflag:s16], $0x4000  }
0x312: {  	[sflag:s16] =	ssyncset.done $0x0  }
0x313: {  	s28 =	sadd.s32 $0xB000, s20;
	[sflag:s16] =	ssyncadd.s32 $0xFFFFC000  }
0x314: {  	[hbm4b:s28+s2] =	stream.linear.scatter [tilespmem:s6], [sflag:$0x7], $0x4000, $0x38;
	[tilespmem:$0x11000] =	vst v63  }
0x315: {  	_ =	swait.ge [sflag:s12], $0x4000  }
0x316: {  	s29 =	sld [smem:$0x7F8]  }
0x317: {  	[sflag:s12] =	ssyncset.done $0x0  }
0x318: {  	[sflag:s12] =	ssyncadd.s32 $0xFFFFC000  }
0x319: {  	[tilespmem:s6], [sflag:$0x3] =	stream.indirect.gather [hbm4b:s4+s11], $0x80, s29, s11, $0xb8;
	[tilespmem:$0x11000] =	vst v63  }
0x31a: {  	_ =	swait.ge [sflag:s17], $0x4000  }
0x31b: {  	[sflag:s17] =	ssyncset.done $0x0  }
0x31c: {  	s30 =	sadd.s32 $0xB800, s20;
	[sflag:s17] =	ssyncadd.s32 $0xFFFFC000  }
0x31d: {  	[hbm4b:s30+s2] =	stream.linear.scatter [tilespmem:s5], [sflag:$0x8], $0x4000, $0x38;
	[tilespmem:$0x11000] =	vst v63  }
0x31e: {  	_ =	swait.ge [sflag:s13], $0x4000  }
0x31f: {  	s31 =	sld [smem:$0x7F9]  }
0x320: {  	[sflag:s13] =	ssyncset.done $0x0  }
0x321: {  	[sflag:s13] =	ssyncadd.s32 $0xFFFFC000  }
0x322: {  	[tilespmem:s5], [sflag:$0x4] =	stream.indirect.gather [hbm4b:s4+s11], $0x80, s31, s11, $0xb8;
	[tilespmem:$0x11000] =	vst v63  }
0x323: {  	_ =	swait.ge [sflag:s14], $0x4000  }
0x324: {  	[sflag:s14] =	ssyncset.done $0x0  }
0x325: {  	s1 =	sadd.s32 $0xC000, s20;
	[sflag:s14] =	ssyncadd.s32 $0xFFFFC000  }
0x326: {  	[hbm4b:s1+s2] =	stream.linear.scatter [tilespmem:s9], [sflag:$0x5], $0x4000, $0x38;
	[tilespmem:$0x11000] =	vst v63  }
0x327: {  	_ =	swait.ge [sflag:s7], $0x4000  }
0x328: {  	s3 =	sld [smem:$0x7FA]  }
0x329: {  	[sflag:s7] =	ssyncset.done $0x0  }
0x32a: {  	[sflag:s7] =	ssyncadd.s32 $0xFFFFC000  }
0x32b: {  	[tilespmem:s9], [sflag:$0x1] =	stream.indirect.gather [hbm4b:s4+s11], $0x80, s3, s11, $0xb8;
	[tilespmem:$0x11000] =	vst v63  }
0x32c: {  	_ =	swait.ge [sflag:s15], $0x4000  }
0x32d: {  	[sflag:s15] =	ssyncset.done $0x0  }
0x32e: {  	s18 =	sadd.s32 $0xC800, s20;
	[sflag:s15] =	ssyncadd.s32 $0xFFFFC000  }
0x32f: {  	[hbm4b:s18+s2] =	stream.linear.scatter [tilespmem:s8], [sflag:$0x6], $0x4000, $0x38;
	[tilespmem:$0x11000] =	vst v63  }
0x330: {  	_ =	swait.ge [sflag:s10], $0x4000  }
0x331: {  	s22 =	sld [smem:$0x7FB]  }
0x332: {  	[sflag:s10] =	ssyncset.done $0x0  }
0x333: {  	[sflag:s10] =	ssyncadd.s32 $0xFFFFC000  }
0x334: {  	[tilespmem:s8], [sflag:$0x2] =	stream.indirect.gather [hbm4b:s4+s11], $0x80, s22, s11, $0xb8;
	[tilespmem:$0x11000] =	vst v63  }
0x335: {  	_ =	swait.ge [sflag:s16], $0x4000  }
0x336: {  	[sflag:s16] =	ssyncset.done $0x0  }
0x337: {  	s23 =	sadd.s32 $0xD000, s20;
	[sflag:s16] =	ssyncadd.s32 $0xFFFFC000  }
0x338: {  	[hbm4b:s23+s2] =	stream.linear.scatter [tilespmem:s6], [sflag:$0x7], $0x4000, $0x38;
	[tilespmem:$0x11000] =	vst v63  }
0x339: {  	_ =	swait.ge [sflag:s12], $0x4000  }
0x33a: {  	s24 =	sld [smem:$0x7FC]  }
0x33b: {  	[sflag:s12] =	ssyncset.done $0x0  }
0x33c: {  	[sflag:s12] =	ssyncadd.s32 $0xFFFFC000  }
0x33d: {  	[tilespmem:s6], [sflag:$0x3] =	stream.indirect.gather [hbm4b:s4+s11], $0x80, s24, s11, $0xb8;
	[tilespmem:$0x11000] =	vst v63  }
0x33e: {  	_ =	swait.ge [sflag:s17], $0x4000  }
0x33f: {  	[sflag:s17] =	ssyncset.done $0x0  }
0x340: {  	s25 =	sadd.s32 $0xD800, s20;
	[sflag:s17] =	ssyncadd.s32 $0xFFFFC000  }
0x341: {  	[hbm4b:s25+s2] =	stream.linear.scatter [tilespmem:s5], [sflag:$0x8], $0x4000, $0x38;
	[tilespmem:$0x11000] =	vst v63  }
0x342: {  	_ =	swait.ge [sflag:s13], $0x4000  }
0x343: {  	s26 =	sld [smem:$0x7FD]  }
0x344: {  	[sflag:s13] =	ssyncset.done $0x0  }
0x345: {  	[sflag:s13] =	ssyncadd.s32 $0xFFFFC000  }
0x346: {  	[tilespmem:s5], [sflag:$0x4] =	stream.indirect.gather [hbm4b:s4+s11], $0x80, s26, s11, $0xb8;
	[tilespmem:$0x11000] =	vst v63  }
0x347: {  	_ =	swait.ge [sflag:s14], $0x4000  }
0x348: {  	[sflag:s14] =	ssyncset.done $0x0  }
0x349: {  	s28 =	sadd.s32 $0xE000, s20;
	[sflag:s14] =	ssyncadd.s32 $0xFFFFC000  }
0x34a: {  	[hbm4b:s28+s2] =	stream.linear.scatter [tilespmem:s9], [sflag:$0x5], $0x4000, $0x38;
	[tilespmem:$0x11000] =	vst v63  }
0x34b: {  	_ =	swait.ge [sflag:s15], $0x4000  }
0x34c: {  	[sflag:s15] =	ssyncset.done $0x0  }
0x34d: {  	s29 =	sadd.s32 $0xE800, s20;
	[sflag:s15] =	ssyncadd.s32 $0xFFFFC000  }
0x34e: {  	[hbm4b:s29+s2] =	stream.linear.scatter [tilespmem:s8], [sflag:$0x6], $0x4000, $0x38;
	[tilespmem:$0x11000] =	vst v63  }
0x34f: {  	_ =	swait.ge [sflag:s16], $0x4000  }
0x350: {  	[sflag:s16] =	ssyncset.done $0x0  }
0x351: {  	s30 =	sadd.s32 $0xF000, s20;
	[sflag:s16] =	ssyncadd.s32 $0xFFFFC000  }
0x352: {  	[hbm4b:s30+s2] =	stream.linear.scatter [tilespmem:s6], [sflag:$0x7], $0x4000, $0x38;
	[tilespmem:$0x11000] =	vst v63  }
0x353: {  	_ =	swait.ge [sflag:s17], $0x4000  }
0x354: {  	[sflag:s17] =	ssyncset.done $0x0  }
0x355: {  	s31 =	sadd.s32 $0xF800, s20;
	[sflag:s17] =	ssyncadd.s32 $0xFFFFC000  }
0x356: {  	[hbm4b:s31+s2] =	stream.linear.scatter [tilespmem:s5], [sflag:$0x8], $0x4000, $0x38;
	[tilespmem:$0x11000] =	vst v63  }
0x357: {  	_ =	swait.ge [sflag:s7], $0x4000  }
0x358: {  	[sflag:s7] =	ssyncset.done $0x0  }
0x359: {  	[sflag:s7] =	ssyncadd.s32 $0xFFFFC000  }
0x35a: {  	_ =	swait.ge [sflag:s10], $0x4000  }
0x35b: {  	[sflag:s10] =	ssyncset.done $0x0  }
0x35c: {  	[sflag:s10] =	ssyncadd.s32 $0xFFFFC000  }
0x35d: {  	_ =	swait.ge [sflag:s12], $0x4000  }
0x35e: {  	[sflag:s12] =	ssyncset.done $0x0  }
0x35f: {  	[sflag:s12] =	ssyncadd.s32 $0xFFFFC000  }
0x360: {  	_ =	swait.ge [sflag:s13], $0x4000  }
0x361: {  	[sflag:s13] =	ssyncset.done $0x0  }
0x362: {  	[sflag:s13] =	ssyncadd.s32 $0xFFFFC000  }
0x363: {  	_ =	sfence.sel $0x180000  }
0x364: {  	[bflag:$0x0] =	sbarrier.arrive $0xFFFF  }
0x365: {  	p0 =	sne.s32 s21, $0x0;
	_ =	strace $0x90000047  }
0x366: {  	s0 =	sadd.s32 @!p0 $0x100000, s19;
	[bflag:$0x2] =	sbarrier.arrive $0xFFFF  }
0x367: {  	[sflag:s0] =	ssyncadd.tile.s32 @!p0 $0x1;
	_ =	shalt  }
.LBB2_2:
.Ltmp3:
0x368: {  	(pc) =	sbr.rel .LBB2_5-.Ltmp3, $2  }
0x369: {  	_ =	sdelay $0x2  }
0x36a: {  	s19 =	rddreg [dreg:$0x3];
	s21 =	stileid.u32  }
.Lfunc_end2:
_tile_overlayer_lowered:
.L_overlay_start_2:
0x36b: {  	(tag) =	ssettag $0x2  }
0x36c: {  	s0 =	rddreg [dreg:$0x0];
	s2 =	stileid.u32  }
0x36d: {  	s1 =	rddreg [dreg:$0x1];
	p0 =	sne.s32 s2, $0x0  }
0x36e: {  	s3 =	rddreg [dreg:$0x2];
	[bflag:$0x3] =	sbarrier.arrive $0xFFFF;
	s2 =	simm.s32 @!p0 $0x1C09  }
0x36f: {  	[timem:s3], [sflag:s2] =	dma.local @!p0 [hbm:s0], s1  }
0x370: {  	s0 =	simm.s32 @!p0 $0x9  }
0x371: {  	_ =	swait.ge @!p0 [sflag:s0], s1  }
0x372: {  	s1 =	ssub.s32 @!p0 $0x0, s1;
	[sflag:s0] =	ssyncset.done @!p0 $0x0  }
0x373: {  	[sflag:s0] =	ssyncadd.s32 @!p0 s1  }
0x374: {  	[bflag:$0x3] =	sbarrier.arrive $0xFFFF  }
0x375: {  	_ =	shalt  }

</sc_bundles>
